<compile_context>
chip_gen: v7x
topology: tpu7x:2x2x1
jax: 0.10.2.dev20260603
libtpu: 0.0.44.dev20260713+nightly
codegen_flags: <defaults>
</compile_context>

<pallas_src>
import functools

import jax
import jax.numpy as jnp
from jax import lax
from jax.experimental import pallas as pl
from jax.experimental.pallas import tpu as pltpu
from jax.experimental.pallas import tpu_sc as plsc

_L = 16
_BK = 128
_G = 4


def _make_gather(B, V, D):
    info = plsc.get_sparse_core_info()
    NC, NS = info.num_cores, info.num_subcores
    NW = NC * NS
    b_per_w = B // NW
    n_vecs = b_per_w // _L
    mesh = plsc.VectorSubcoreMesh(core_axis_name="c", subcore_axis_name="s")

    @functools.partial(
        pl.kernel,
        mesh=mesh,
        out_type=jax.ShapeDtypeStruct((B * D,), jnp.float32),
        scratch_types=[
            pltpu.VMEM((b_per_w + 4 * _L,), jnp.int32),
            pltpu.VMEM((4, _G, D, _BK), jnp.float32),
            pltpu.VMEM((b_per_w * D,), jnp.float32),
            pltpu.SemaphoreType.DMA,
            pltpu.SemaphoreType.DMA,
            pltpu.SemaphoreType.DMA,
            pltpu.SemaphoreType.DMA,
        ],
        compiler_params=pltpu.CompilerParams(needs_layout_passes=False),
    )
    def k(x_hbm, tab_hbm, out_hbm, idx_v, gbuf, stage, s0, s1, s2, s3):
        wid = lax.axis_index("s") * NC + lax.axis_index("c")
        base = wid * b_per_w
        pltpu.sync_copy(x_hbm.at[pl.ds(base, b_per_w)], idx_v.at[pl.ds(0, b_per_w)])
        rows_lo = lax.iota(jnp.int32, _L)
        rows_hi = rows_lo + _L
        sems = (s0, s1, s2, s3)

        def load_vec(p):
            vec = idx_v[pl.ds(p * _L, _L)]
            return jnp.clip(vec, 0, V - 1)

        def fire_q(vec, off, buf):
            for l in range(_G):
                v = vec[off + l]
                a = pl.multiple_of((v >> 7) << 7, _BK)
                pltpu.async_copy(
                    tab_hbm.at[:, pl.ds(a, _BK)], gbuf.at[buf, l], sems[buf]
                )

        def drain_q(buf):
            for l in range(_G):
                pltpu.make_async_copy(
                    tab_hbm.at[:, pl.ds(0, _BK)], gbuf.at[buf, l], sems[buf]
                ).wait()

        def extract_q(vec, off, buf, p, q):
            for l in range(_G):
                jm = vec[off + l] & (_BK - 1)
                lane_b = jnp.full((_L,), buf, jnp.int32)
                lane_l = jnp.full((_L,), l, jnp.int32)
                lane_j = jnp.zeros((_L,), jnp.int32) + jm
                lo = plsc.load_gather(gbuf, [lane_b, lane_l, rows_lo, lane_j])
                hi = plsc.load_gather(gbuf, [lane_b, lane_l, rows_hi, lane_j])
                r = (p * _L + q * _G + l) * D
                stage[pl.ds(r, _L)] = lo
                stage[pl.ds(r + _L, _L)] = hi

        vec0 = load_vec(0)
        fire_q(vec0, 0, 0)
        fire_q(vec0, _G, 1)
        fire_q(vec0, 2 * _G, 2)

        def body(p, carry):
            vec = load_vec(p)
            vecn = load_vec(p + 1)
            fire_q(vec, 3 * _G, 3)
            drain_q(0)
            extract_q(vec, 0, 0, p, 0)
            fire_q(vecn, 0, 0)
            drain_q(1)
            extract_q(vec, _G, 1, p, 1)
            fire_q(vecn, _G, 1)
            drain_q(2)
            extract_q(vec, 2 * _G, 2, p, 2)
            fire_q(vecn, 2 * _G, 2)
            drain_q(3)
            extract_q(vec, 3 * _G, 3, p, 3)
            return carry

        lax.fori_loop(0, n_vecs, body, 0)
        drain_q(0)
        drain_q(1)
        drain_q(2)
        pltpu.sync_copy(stage, out_hbm.at[pl.ds(base * D, b_per_w * D)])

    return k


def kernel(x, table):
    B, = x.shape
    V, D = table.shape
    out_flat = _make_gather(B, V, D)(x.astype(jnp.int32), table.T)
    return out_flat.reshape(B, D)

# --- scband reference (transcript-rebuilt; emitter-appended) ---
"""Pipeline reference for scband-expert-adapter-3805341024460 (READ-ONLY COPY).

The authoritative reference and input builder live on the scoring server;
editing this copy changes nothing except your own understanding.
"""

import jax, jax.numpy as jnp
import numpy as np

VOCAB = 1000000
EMBED_DIM = 32
BATCH = 16384

def setup_inputs(seed: int = 0) -> dict:
    key = jax.random.key(seed)
    k_idx, k_tab = jax.random.split(key)
    x = jax.random.randint(k_idx, (BATCH,), 0, VOCAB, dtype=jnp.int64 if jax.config.jax_enable_x64 else jnp.int32)
    table = jax.random.normal(k_tab, (VOCAB, EMBED_DIM), dtype=jnp.float32) * 0.02
    return {"x": x, "table": table}

def reference(x, table):
    # ExpertAdapter.forward: for each query id x, retrieve its embedding row
    # from the (csv-backed) embedding table. Faithful vectorized translation:
    # a row-gather from the table keyed by id.
    embedding = jnp.take(table, x, axis=0)
    return embedding

if __name__ == "__main__":
    import jax
    _d = setup_inputs()
    print(jax.jit(kernel)(*tuple(_d.values())))

</pallas_src>

<mosaic_0001>
#map = affine_map<(d0, d1) -> (0)>
#map1 = affine_map<(d0, d1) -> (0, 0)>
module attributes {stable_mosaic.version = 14 : i64} {
  func.func @k(%arg0: i32, %arg1: i32, %arg2: memref<16384xi32, #tpu.memory_space<hbm>>, %arg3: memref<32x1000000xf32, #tpu.memory_space<hbm>>, %arg4: memref<524288xf32, #tpu.memory_space<hbm>>, %arg5: memref<576xi32, #tpu.memory_space<vmem>>, %arg6: memref<4x4x32x128xf32, #tpu.memory_space<vmem>>, %arg7: memref<16384xf32, #tpu.memory_space<vmem>>, %arg8: memref<!tpu.dma_semaphore, #tpu.memory_space<semaphore_mem>>, %arg9: memref<!tpu.dma_semaphore, #tpu.memory_space<semaphore_mem>>, %arg10: memref<!tpu.dma_semaphore, #tpu.memory_space<semaphore_mem>>, %arg11: memref<!tpu.dma_semaphore, #tpu.memory_space<semaphore_mem>>) attributes {dimension_semantics = [#tpu.dimension_semantics<core_parallel>, #tpu.dimension_semantics<subcore_parallel>], iteration_bounds = array<i64: 2, 16>, scalar_prefetch = 0 : i64, scratch_operands = 7 : i64, tpu.core_type = #tpu.core_type<sc_vector_subcore>, window_params = [{transform_indices = #map}, {transform_indices = #map1}, {transform_indices = #map}]} {
    %mul3A = arith.constant 2 : i32
    %mul3A_0 = arith.muli %arg1, %mul3A : i32
    %add3A = arith.addi %mul3A_0, %arg0 : i32
    %mul3A_1 = arith.constant 512 : i32
    %mul3A_2 = arith.muli %add3A, %mul3A_1 : i32
    "tpu.region"() ({
      %run_scoped3A = tpu.sem_alloc : memref<!tpu.dma_semaphore, #tpu.memory_space<semaphore_mem>>
      %dma_start3A_454 = arith.constant 0 : i32
      %dma_start3A_455 = tpu.memref_slice %arg5[%dma_start3A_454] : memref<576xi32, #tpu.memory_space<vmem>> -> memref<512xi32, #tpu.memory_space<vmem>>
      %dma_start3A_456 = tpu.memref_slice %arg2[%mul3A_2] : memref<16384xi32, #tpu.memory_space<hbm>> -> memref<512xi32, #tpu.memory_space<hbm>>
      %dma_start3A_457 = arith.constant 0 : i32
      %dma_start3A_458 = tpu.memref_slice %arg5[%dma_start3A_457] : memref<576xi32, #tpu.memory_space<vmem>> -> memref<512xi32, #tpu.memory_space<vmem>>
      %dma_start3A_459 = tpu.memref_slice %arg2[%mul3A_2] : memref<16384xi32, #tpu.memory_space<hbm>> -> memref<512xi32, #tpu.memory_space<hbm>>
      tpu.enqueue_dma source(%dma_start3A_459 : memref<512xi32, #tpu.memory_space<hbm>>) target(%dma_start3A_458 : memref<512xi32, #tpu.memory_space<vmem>>) target_semaphore(%run_scoped3A : memref<!tpu.dma_semaphore, #tpu.memory_space<semaphore_mem>>)
      %dma_wait3A_460 = arith.constant 0 : i32
      %dma_wait3A_461 = tpu.memref_slice %arg5[%dma_wait3A_460] : memref<576xi32, #tpu.memory_space<vmem>> -> memref<512xi32, #tpu.memory_space<vmem>>
      %dma_wait3A_462 = tpu.memref_slice %arg2[%mul3A_2] : memref<16384xi32, #tpu.memory_space<hbm>> -> memref<512xi32, #tpu.memory_space<hbm>>
      %dma_wait3A_463 = arith.constant 0 : i32
      %dma_wait3A_464 = tpu.memref_slice %arg5[%dma_wait3A_463] : memref<576xi32, #tpu.memory_space<vmem>> -> memref<512xi32, #tpu.memory_space<vmem>>
      %dma_wait3A_465 = tpu.memref_slice %arg2[%mul3A_2] : memref<16384xi32, #tpu.memory_space<hbm>> -> memref<512xi32, #tpu.memory_space<hbm>>
      tpu.wait_dma2 semaphore(%run_scoped3A : memref<!tpu.dma_semaphore, #tpu.memory_space<semaphore_mem>>) src(%dma_wait3A_465 : memref<512xi32, #tpu.memory_space<hbm>>) dst(%dma_wait3A_464 : memref<512xi32, #tpu.memory_space<vmem>>)
      tpu.yield
    }) : () -> ()
    %iota3A = tpu.iota {dimensions = array<i32: 0>} : vector<16xi32>
    %add3A_3 = arith.constant 16 : i32
    %add3A_4 = vector.broadcast %add3A_3 : i32 to vector<16xi32>
    %add3A_5 = arith.addi %iota3A, %add3A_4 : vector<16xi32>
    %get3A = arith.constant 0 : index
    %get3A_6 = tpu.vector_load %arg5[%get3A] {strides = array<i32>} : memref<576xi32, #tpu.memory_space<vmem>>, vector<16xi32>,
    %jit3A = arith.constant 0 : i32
    %jit3A_7 = arith.constant 999999 : i32
    %max3A = vector.broadcast %jit3A : i32 to vector<16xi32>
    %max3A_8 = arith.maxsi %max3A, %get3A_6 : vector<16xi32>
    %min3A = vector.broadcast %jit3A_7 : i32 to vector<16xi32>
    %min3A_9 = arith.minsi %min3A, %max3A_8 : vector<16xi32>
    %slice3A = vector.extract_strided_slice %min3A_9 {offsets = [0], sizes = [1], strides = [1]} : vector<16xi32> to vector<1xi32>
    %squeeze3A = vector.extract %slice3A[0] : i32 from vector<1xi32>
    %shift_right_arithmetic3A = arith.constant 7 : i32
    %shift_right_arithmetic3A_10 = arith.shrsi %squeeze3A, %shift_right_arithmetic3A : i32
    %shift_left3A = arith.constant 7 : i32
    %shift_left3A_11 = arith.shli %shift_right_arithmetic3A_10, %shift_left3A : i32
    %multiple_of3A = tpu.assume_multiple %shift_left3A_11, 128 : i32
    %dma_start3A = arith.constant 0 : i32
    %dma_start3A_12 = arith.constant 0 : i32
    %dma_start3A_13 = arith.constant 0 : i32
    %dma_start3A_14 = arith.constant 0 : i32
    %dma_start3A_15 = tpu.memref_slice %arg6[%dma_start3A, %dma_start3A_12, %dma_start3A_13, %dma_start3A_14] : memref<4x4x32x128xf32, #tpu.memory_space<vmem>> -> memref<1x1x32x128xf32, #tpu.memory_space<vmem>>
    %dma_start3A_16 = tpu.memref_squeeze %dma_start3A_15 : memref<1x1x32x128xf32, #tpu.memory_space<vmem>> -> memref<32x128xf32, #tpu.memory_space<vmem>>
    %dma_start3A_17 = arith.constant 0 : i32
    %dma_start3A_18 = tpu.memref_slice %arg3[%dma_start3A_17, %multiple_of3A] : memref<32x1000000xf32, #tpu.memory_space<hbm>> -> memref<32x128xf32, #tpu.memory_space<hbm>>
    %dma_start3A_19 = arith.constant 0 : i32
    %dma_start3A_20 = arith.constant 0 : i32
    %dma_start3A_21 = tpu.memref_slice %arg6[%dma_start3A, %dma_start3A_12, %dma_start3A_19, %dma_start3A_20] : memref<4x4x32x128xf32, #tpu.memory_space<vmem>> -> memref<1x1x32x128xf32, #tpu.memory_space<vmem>>
    %dma_start3A_22 = tpu.memref_squeeze %dma_start3A_21 : memref<1x1x32x128xf32, #tpu.memory_space<vmem>> -> memref<32x128xf32, #tpu.memory_space<vmem>>
    %dma_start3A_23 = arith.constant 0 : i32
    %dma_start3A_24 = tpu.memref_slice %arg3[%dma_start3A_23, %multiple_of3A] : memref<32x1000000xf32, #tpu.memory_space<hbm>> -> memref<32x128xf32, #tpu.memory_space<hbm>>
    tpu.enqueue_dma source(%dma_start3A_24 : memref<32x128xf32, #tpu.memory_space<hbm>>) target(%dma_start3A_22 : memref<32x128xf32, #tpu.memory_space<vmem>>) target_semaphore(%arg8 : memref<!tpu.dma_semaphore, #tpu.memory_space<semaphore_mem>>)
    %slice3A_25 = vector.extract_strided_slice %min3A_9 {offsets = [1], sizes = [1], strides = [1]} : vector<16xi32> to vector<1xi32>
    %squeeze3A_26 = vector.extract %slice3A_25[0] : i32 from vector<1xi32>
    %shift_right_arithmetic3A_27 = arith.constant 7 : i32
    %shift_right_arithmetic3A_28 = arith.shrsi %squeeze3A_26, %shift_right_arithmetic3A_27 : i32
    %shift_left3A_29 = arith.constant 7 : i32
    %shift_left3A_30 = arith.shli %shift_right_arithmetic3A_28, %shift_left3A_29 : i32
    %multiple_of3A_31 = tpu.assume_multiple %shift_left3A_30, 128 : i32
    %dma_start3A_32 = arith.constant 0 : i32
    %dma_start3A_33 = arith.constant 1 : i32
    %dma_start3A_34 = arith.constant 0 : i32
    %dma_start3A_35 = arith.constant 0 : i32
    %dma_start3A_36 = tpu.memref_slice %arg6[%dma_start3A_32, %dma_start3A_33, %dma_start3A_34, %dma_start3A_35] : memref<4x4x32x128xf32, #tpu.memory_space<vmem>> -> memref<1x1x32x128xf32, #tpu.memory_space<vmem>>
    %dma_start3A_37 = tpu.memref_squeeze %dma_start3A_36 : memref<1x1x32x128xf32, #tpu.memory_space<vmem>> -> memref<32x128xf32, #tpu.memory_space<vmem>>
    %dma_start3A_38 = arith.constant 0 : i32
    %dma_start3A_39 = tpu.memref_slice %arg3[%dma_start3A_38, %multiple_of3A_31] : memref<32x1000000xf32, #tpu.memory_space<hbm>> -> memref<32x128xf32, #tpu.memory_space<hbm>>
    %dma_start3A_40 = arith.constant 0 : i32
    %dma_start3A_41 = arith.constant 0 : i32
    %dma_start3A_42 = tpu.memref_slice %arg6[%dma_start3A_32, %dma_start3A_33, %dma_start3A_40, %dma_start3A_41] : memref<4x4x32x128xf32, #tpu.memory_space<vmem>> -> memref<1x1x32x128xf32, #tpu.memory_space<vmem>>
    %dma_start3A_43 = tpu.memref_squeeze %dma_start3A_42 : memref<1x1x32x128xf32, #tpu.memory_space<vmem>> -> memref<32x128xf32, #tpu.memory_space<vmem>>
    %dma_start3A_44 = arith.constant 0 : i32
    %dma_start3A_45 = tpu.memref_slice %arg3[%dma_start3A_44, %multiple_of3A_31] : memref<32x1000000xf32, #tpu.memory_space<hbm>> -> memref<32x128xf32, #tpu.memory_space<hbm>>
    tpu.enqueue_dma source(%dma_start3A_45 : memref<32x128xf32, #tpu.memory_space<hbm>>) target(%dma_start3A_43 : memref<32x128xf32, #tpu.memory_space<vmem>>) target_semaphore(%arg8 : memref<!tpu.dma_semaphore, #tpu.memory_space<semaphore_mem>>)
    %slice3A_46 = vector.extract_strided_slice %min3A_9 {offsets = [2], sizes = [1], strides = [1]} : vector<16xi32> to vector<1xi32>
    %squeeze3A_47 = vector.extract %slice3A_46[0] : i32 from vector<1xi32>
    %shift_right_arithmetic3A_48 = arith.constant 7 : i32
    %shift_right_arithmetic3A_49 = arith.shrsi %squeeze3A_47, %shift_right_arithmetic3A_48 : i32
    %shift_left3A_50 = arith.constant 7 : i32
    %shift_left3A_51 = arith.shli %shift_right_arithmetic3A_49, %shift_left3A_50 : i32
    %multiple_of3A_52 = tpu.assume_multiple %shift_left3A_51, 128 : i32
    %dma_start3A_53 = arith.constant 0 : i32
    %dma_start3A_54 = arith.constant 2 : i32
    %dma_start3A_55 = arith.constant 0 : i32
    %dma_start3A_56 = arith.constant 0 : i32
    %dma_start3A_57 = tpu.memref_slice %arg6[%dma_start3A_53, %dma_start3A_54, %dma_start3A_55, %dma_start3A_56] : memref<4x4x32x128xf32, #tpu.memory_space<vmem>> -> memref<1x1x32x128xf32, #tpu.memory_space<vmem>>
    %dma_start3A_58 = tpu.memref_squeeze %dma_start3A_57 : memref<1x1x32x128xf32, #tpu.memory_space<vmem>> -> memref<32x128xf32, #tpu.memory_space<vmem>>
    %dma_start3A_59 = arith.constant 0 : i32
    %dma_start3A_60 = tpu.memref_slice %arg3[%dma_start3A_59, %multiple_of3A_52] : memref<32x1000000xf32, #tpu.memory_space<hbm>> -> memref<32x128xf32, #tpu.memory_space<hbm>>
    %dma_start3A_61 = arith.constant 0 : i32
    %dma_start3A_62 = arith.constant 0 : i32
    %dma_start3A_63 = tpu.memref_slice %arg6[%dma_start3A_53, %dma_start3A_54, %dma_start3A_61, %dma_start3A_62] : memref<4x4x32x128xf32, #tpu.memory_space<vmem>> -> memref<1x1x32x128xf32, #tpu.memory_space<vmem>>
    %dma_start3A_64 = tpu.memref_squeeze %dma_start3A_63 : memref<1x1x32x128xf32, #tpu.memory_space<vmem>> -> memref<32x128xf32, #tpu.memory_space<vmem>>
    %dma_start3A_65 = arith.constant 0 : i32
    %dma_start3A_66 = tpu.memref_slice %arg3[%dma_start3A_65, %multiple_of3A_52] : memref<32x1000000xf32, #tpu.memory_space<hbm>> -> memref<32x128xf32, #tpu.memory_space<hbm>>
    tpu.enqueue_dma source(%dma_start3A_66 : memref<32x128xf32, #tpu.memory_space<hbm>>) target(%dma_start3A_64 : memref<32x128xf32, #tpu.memory_space<vmem>>) target_semaphore(%arg8 : memref<!tpu.dma_semaphore, #tpu.memory_space<semaphore_mem>>)
    %slice3A_67 = vector.extract_strided_slice %min3A_9 {offsets = [3], sizes = [1], strides = [1]} : vector<16xi32> to vector<1xi32>
    %squeeze3A_68 = vector.extract %slice3A_67[0] : i32 from vector<1xi32>
    %shift_right_arithmetic3A_69 = arith.constant 7 : i32
    %shift_right_arithmetic3A_70 = arith.shrsi %squeeze3A_68, %shift_right_arithmetic3A_69 : i32
    %shift_left3A_71 = arith.constant 7 : i32
    %shift_left3A_72 = arith.shli %shift_right_arithmetic3A_70, %shift_left3A_71 : i32
    %multiple_of3A_73 = tpu.assume_multiple %shift_left3A_72, 128 : i32
    %dma_start3A_74 = arith.constant 0 : i32
    %dma_start3A_75 = arith.constant 3 : i32
    %dma_start3A_76 = arith.constant 0 : i32
    %dma_start3A_77 = arith.constant 0 : i32
    %dma_start3A_78 = tpu.memref_slice %arg6[%dma_start3A_74, %dma_start3A_75, %dma_start3A_76, %dma_start3A_77] : memref<4x4x32x128xf32, #tpu.memory_space<vmem>> -> memref<1x1x32x128xf32, #tpu.memory_space<vmem>>
    %dma_start3A_79 = tpu.memref_squeeze %dma_start3A_78 : memref<1x1x32x128xf32, #tpu.memory_space<vmem>> -> memref<32x128xf32, #tpu.memory_space<vmem>>
    %dma_start3A_80 = arith.constant 0 : i32
    %dma_start3A_81 = tpu.memref_slice %arg3[%dma_start3A_80, %multiple_of3A_73] : memref<32x1000000xf32, #tpu.memory_space<hbm>> -> memref<32x128xf32, #tpu.memory_space<hbm>>
    %dma_start3A_82 = arith.constant 0 : i32
    %dma_start3A_83 = arith.constant 0 : i32
    %dma_start3A_84 = tpu.memref_slice %arg6[%dma_start3A_74, %dma_start3A_75, %dma_start3A_82, %dma_start3A_83] : memref<4x4x32x128xf32, #tpu.memory_space<vmem>> -> memref<1x1x32x128xf32, #tpu.memory_space<vmem>>
    %dma_start3A_85 = tpu.memref_squeeze %dma_start3A_84 : memref<1x1x32x128xf32, #tpu.memory_space<vmem>> -> memref<32x128xf32, #tpu.memory_space<vmem>>
    %dma_start3A_86 = arith.constant 0 : i32
    %dma_start3A_87 = tpu.memref_slice %arg3[%dma_start3A_86, %multiple_of3A_73] : memref<32x1000000xf32, #tpu.memory_space<hbm>> -> memref<32x128xf32, #tpu.memory_space<hbm>>
    tpu.enqueue_dma source(%dma_start3A_87 : memref<32x128xf32, #tpu.memory_space<hbm>>) target(%dma_start3A_85 : memref<32x128xf32, #tpu.memory_space<vmem>>) target_semaphore(%arg8 : memref<!tpu.dma_semaphore, #tpu.memory_space<semaphore_mem>>)
    %slice3A_88 = vector.extract_strided_slice %min3A_9 {offsets = [4], sizes = [1], strides = [1]} : vector<16xi32> to vector<1xi32>
    %squeeze3A_89 = vector.extract %slice3A_88[0] : i32 from vector<1xi32>
    %shift_right_arithmetic3A_90 = arith.constant 7 : i32
    %shift_right_arithmetic3A_91 = arith.shrsi %squeeze3A_89, %shift_right_arithmetic3A_90 : i32
    %shift_left3A_92 = arith.constant 7 : i32
    %shift_left3A_93 = arith.shli %shift_right_arithmetic3A_91, %shift_left3A_92 : i32
    %multiple_of3A_94 = tpu.assume_multiple %shift_left3A_93, 128 : i32
    %dma_start3A_95 = arith.constant 1 : i32
    %dma_start3A_96 = arith.constant 0 : i32
    %dma_start3A_97 = arith.constant 0 : i32
    %dma_start3A_98 = arith.constant 0 : i32
    %dma_start3A_99 = tpu.memref_slice %arg6[%dma_start3A_95, %dma_start3A_96, %dma_start3A_97, %dma_start3A_98] : memref<4x4x32x128xf32, #tpu.memory_space<vmem>> -> memref<1x1x32x128xf32, #tpu.memory_space<vmem>>
    %dma_start3A_100 = tpu.memref_squeeze %dma_start3A_99 : memref<1x1x32x128xf32, #tpu.memory_space<vmem>> -> memref<32x128xf32, #tpu.memory_space<vmem>>
    %dma_start3A_101 = arith.constant 0 : i32
    %dma_start3A_102 = tpu.memref_slice %arg3[%dma_start3A_101, %multiple_of3A_94] : memref<32x1000000xf32, #tpu.memory_space<hbm>> -> memref<32x128xf32, #tpu.memory_space<hbm>>
    %dma_start3A_103 = arith.constant 0 : i32
    %dma_start3A_104 = arith.constant 0 : i32
    %dma_start3A_105 = tpu.memref_slice %arg6[%dma_start3A_95, %dma_start3A_96, %dma_start3A_103, %dma_start3A_104] : memref<4x4x32x128xf32, #tpu.memory_space<vmem>> -> memref<1x1x32x128xf32, #tpu.memory_space<vmem>>
    %dma_start3A_106 = tpu.memref_squeeze %dma_start3A_105 : memref<1x1x32x128xf32, #tpu.memory_space<vmem>> -> memref<32x128xf32, #tpu.memory_space<vmem>>
    %dma_start3A_107 = arith.constant 0 : i32
    %dma_start3A_108 = tpu.memref_slice %arg3[%dma_start3A_107, %multiple_of3A_94] : memref<32x1000000xf32, #tpu.memory_space<hbm>> -> memref<32x128xf32, #tpu.memory_space<hbm>>
    tpu.enqueue_dma source(%dma_start3A_108 : memref<32x128xf32, #tpu.memory_space<hbm>>) target(%dma_start3A_106 : memref<32x128xf32, #tpu.memory_space<vmem>>) target_semaphore(%arg9 : memref<!tpu.dma_semaphore, #tpu.memory_space<semaphore_mem>>)
    %slice3A_109 = vector.extract_strided_slice %min3A_9 {offsets = [5], sizes = [1], strides = [1]} : vector<16xi32> to vector<1xi32>
    %squeeze3A_110 = vector.extract %slice3A_109[0] : i32 from vector<1xi32>
    %shift_right_arithmetic3A_111 = arith.constant 7 : i32
    %shift_right_arithmetic3A_112 = arith.shrsi %squeeze3A_110, %shift_right_arithmetic3A_111 : i32
    %shift_left3A_113 = arith.constant 7 : i32
    %shift_left3A_114 = arith.shli %shift_right_arithmetic3A_112, %shift_left3A_113 : i32
    %multiple_of3A_115 = tpu.assume_multiple %shift_left3A_114, 128 : i32
    %dma_start3A_116 = arith.constant 1 : i32
    %dma_start3A_117 = arith.constant 1 : i32
    %dma_start3A_118 = arith.constant 0 : i32
    %dma_start3A_119 = arith.constant 0 : i32
    %dma_start3A_120 = tpu.memref_slice %arg6[%dma_start3A_116, %dma_start3A_117, %dma_start3A_118, %dma_start3A_119] : memref<4x4x32x128xf32, #tpu.memory_space<vmem>> -> memref<1x1x32x128xf32, #tpu.memory_space<vmem>>
    %dma_start3A_121 = tpu.memref_squeeze %dma_start3A_120 : memref<1x1x32x128xf32, #tpu.memory_space<vmem>> -> memref<32x128xf32, #tpu.memory_space<vmem>>
    %dma_start3A_122 = arith.constant 0 : i32
    %dma_start3A_123 = tpu.memref_slice %arg3[%dma_start3A_122, %multiple_of3A_115] : memref<32x1000000xf32, #tpu.memory_space<hbm>> -> memref<32x128xf32, #tpu.memory_space<hbm>>
    %dma_start3A_124 = arith.constant 0 : i32
    %dma_start3A_125 = arith.constant 0 : i32
    %dma_start3A_126 = tpu.memref_slice %arg6[%dma_start3A_116, %dma_start3A_117, %dma_start3A_124, %dma_start3A_125] : memref<4x4x32x128xf32, #tpu.memory_space<vmem>> -> memref<1x1x32x128xf32, #tpu.memory_space<vmem>>
    %dma_start3A_127 = tpu.memref_squeeze %dma_start3A_126 : memref<1x1x32x128xf32, #tpu.memory_space<vmem>> -> memref<32x128xf32, #tpu.memory_space<vmem>>
    %dma_start3A_128 = arith.constant 0 : i32
    %dma_start3A_129 = tpu.memref_slice %arg3[%dma_start3A_128, %multiple_of3A_115] : memref<32x1000000xf32, #tpu.memory_space<hbm>> -> memref<32x128xf32, #tpu.memory_space<hbm>>
    tpu.enqueue_dma source(%dma_start3A_129 : memref<32x128xf32, #tpu.memory_space<hbm>>) target(%dma_start3A_127 : memref<32x128xf32, #tpu.memory_space<vmem>>) target_semaphore(%arg9 : memref<!tpu.dma_semaphore, #tpu.memory_space<semaphore_mem>>)
    %slice3A_130 = vector.extract_strided_slice %min3A_9 {offsets = [6], sizes = [1], strides = [1]} : vector<16xi32> to vector<1xi32>
    %squeeze3A_131 = vector.extract %slice3A_130[0] : i32 from vector<1xi32>
    %shift_right_arithmetic3A_132 = arith.constant 7 : i32
    %shift_right_arithmetic3A_133 = arith.shrsi %squeeze3A_131, %shift_right_arithmetic3A_132 : i32
    %shift_left3A_134 = arith.constant 7 : i32
    %shift_left3A_135 = arith.shli %shift_right_arithmetic3A_133, %shift_left3A_134 : i32
    %multiple_of3A_136 = tpu.assume_multiple %shift_left3A_135, 128 : i32
    %dma_start3A_137 = arith.constant 1 : i32
    %dma_start3A_138 = arith.constant 2 : i32
    %dma_start3A_139 = arith.constant 0 : i32
    %dma_start3A_140 = arith.constant 0 : i32
    %dma_start3A_141 = tpu.memref_slice %arg6[%dma_start3A_137, %dma_start3A_138, %dma_start3A_139, %dma_start3A_140] : memref<4x4x32x128xf32, #tpu.memory_space<vmem>> -> memref<1x1x32x128xf32, #tpu.memory_space<vmem>>
    %dma_start3A_142 = tpu.memref_squeeze %dma_start3A_141 : memref<1x1x32x128xf32, #tpu.memory_space<vmem>> -> memref<32x128xf32, #tpu.memory_space<vmem>>
    %dma_start3A_143 = arith.constant 0 : i32
    %dma_start3A_144 = tpu.memref_slice %arg3[%dma_start3A_143, %multiple_of3A_136] : memref<32x1000000xf32, #tpu.memory_space<hbm>> -> memref<32x128xf32, #tpu.memory_space<hbm>>
    %dma_start3A_145 = arith.constant 0 : i32
    %dma_start3A_146 = arith.constant 0 : i32
    %dma_start3A_147 = tpu.memref_slice %arg6[%dma_start3A_137, %dma_start3A_138, %dma_start3A_145, %dma_start3A_146] : memref<4x4x32x128xf32, #tpu.memory_space<vmem>> -> memref<1x1x32x128xf32, #tpu.memory_space<vmem>>
    %dma_start3A_148 = tpu.memref_squeeze %dma_start3A_147 : memref<1x1x32x128xf32, #tpu.memory_space<vmem>> -> memref<32x128xf32, #tpu.memory_space<vmem>>
    %dma_start3A_149 = arith.constant 0 : i32
    %dma_start3A_150 = tpu.memref_slice %arg3[%dma_start3A_149, %multiple_of3A_136] : memref<32x1000000xf32, #tpu.memory_space<hbm>> -> memref<32x128xf32, #tpu.memory_space<hbm>>
    tpu.enqueue_dma source(%dma_start3A_150 : memref<32x128xf32, #tpu.memory_space<hbm>>) target(%dma_start3A_148 : memref<32x128xf32, #tpu.memory_space<vmem>>) target_semaphore(%arg9 : memref<!tpu.dma_semaphore, #tpu.memory_space<semaphore_mem>>)
    %slice3A_151 = vector.extract_strided_slice %min3A_9 {offsets = [7], sizes = [1], strides = [1]} : vector<16xi32> to vector<1xi32>
    %squeeze3A_152 = vector.extract %slice3A_151[0] : i32 from vector<1xi32>
    %shift_right_arithmetic3A_153 = arith.constant 7 : i32
    %shift_right_arithmetic3A_154 = arith.shrsi %squeeze3A_152, %shift_right_arithmetic3A_153 : i32
    %shift_left3A_155 = arith.constant 7 : i32
    %shift_left3A_156 = arith.shli %shift_right_arithmetic3A_154, %shift_left3A_155 : i32
    %multiple_of3A_157 = tpu.assume_multiple %shift_left3A_156, 128 : i32
    %dma_start3A_158 = arith.constant 1 : i32
    %dma_start3A_159 = arith.constant 3 : i32
    %dma_start3A_160 = arith.constant 0 : i32
    %dma_start3A_161 = arith.constant 0 : i32
    %dma_start3A_162 = tpu.memref_slice %arg6[%dma_start3A_158, %dma_start3A_159, %dma_start3A_160, %dma_start3A_161] : memref<4x4x32x128xf32, #tpu.memory_space<vmem>> -> memref<1x1x32x128xf32, #tpu.memory_space<vmem>>
    %dma_start3A_163 = tpu.memref_squeeze %dma_start3A_162 : memref<1x1x32x128xf32, #tpu.memory_space<vmem>> -> memref<32x128xf32, #tpu.memory_space<vmem>>
    %dma_start3A_164 = arith.constant 0 : i32
    %dma_start3A_165 = tpu.memref_slice %arg3[%dma_start3A_164, %multiple_of3A_157] : memref<32x1000000xf32, #tpu.memory_space<hbm>> -> memref<32x128xf32, #tpu.memory_space<hbm>>
    %dma_start3A_166 = arith.constant 0 : i32
    %dma_start3A_167 = arith.constant 0 : i32
    %dma_start3A_168 = tpu.memref_slice %arg6[%dma_start3A_158, %dma_start3A_159, %dma_start3A_166, %dma_start3A_167] : memref<4x4x32x128xf32, #tpu.memory_space<vmem>> -> memref<1x1x32x128xf32, #tpu.memory_space<vmem>>
    %dma_start3A_169 = tpu.memref_squeeze %dma_start3A_168 : memref<1x1x32x128xf32, #tpu.memory_space<vmem>> -> memref<32x128xf32, #tpu.memory_space<vmem>>
    %dma_start3A_170 = arith.constant 0 : i32
    %dma_start3A_171 = tpu.memref_slice %arg3[%dma_start3A_170, %multiple_of3A_157] : memref<32x1000000xf32, #tpu.memory_space<hbm>> -> memref<32x128xf32, #tpu.memory_space<hbm>>
    tpu.enqueue_dma source(%dma_start3A_171 : memref<32x128xf32, #tpu.memory_space<hbm>>) target(%dma_start3A_169 : memref<32x128xf32, #tpu.memory_space<vmem>>) target_semaphore(%arg9 : memref<!tpu.dma_semaphore, #tpu.memory_space<semaphore_mem>>)
    %slice3A_172 = vector.extract_strided_slice %min3A_9 {offsets = [8], sizes = [1], strides = [1]} : vector<16xi32> to vector<1xi32>
    %squeeze3A_173 = vector.extract %slice3A_172[0] : i32 from vector<1xi32>
    %shift_right_arithmetic3A_174 = arith.constant 7 : i32
    %shift_right_arithmetic3A_175 = arith.shrsi %squeeze3A_173, %shift_right_arithmetic3A_174 : i32
    %shift_left3A_176 = arith.constant 7 : i32
    %shift_left3A_177 = arith.shli %shift_right_arithmetic3A_175, %shift_left3A_176 : i32
    %multiple_of3A_178 = tpu.assume_multiple %shift_left3A_177, 128 : i32
    %dma_start3A_179 = arith.constant 2 : i32
    %dma_start3A_180 = arith.constant 0 : i32
    %dma_start3A_181 = arith.constant 0 : i32
    %dma_start3A_182 = arith.constant 0 : i32
    %dma_start3A_183 = tpu.memref_slice %arg6[%dma_start3A_179, %dma_start3A_180, %dma_start3A_181, %dma_start3A_182] : memref<4x4x32x128xf32, #tpu.memory_space<vmem>> -> memref<1x1x32x128xf32, #tpu.memory_space<vmem>>
    %dma_start3A_184 = tpu.memref_squeeze %dma_start3A_183 : memref<1x1x32x128xf32, #tpu.memory_space<vmem>> -> memref<32x128xf32, #tpu.memory_space<vmem>>
    %dma_start3A_185 = arith.constant 0 : i32
    %dma_start3A_186 = tpu.memref_slice %arg3[%dma_start3A_185, %multiple_of3A_178] : memref<32x1000000xf32, #tpu.memory_space<hbm>> -> memref<32x128xf32, #tpu.memory_space<hbm>>
    %dma_start3A_187 = arith.constant 0 : i32
    %dma_start3A_188 = arith.constant 0 : i32
    %dma_start3A_189 = tpu.memref_slice %arg6[%dma_start3A_179, %dma_start3A_180, %dma_start3A_187, %dma_start3A_188] : memref<4x4x32x128xf32, #tpu.memory_space<vmem>> -> memref<1x1x32x128xf32, #tpu.memory_space<vmem>>
    %dma_start3A_190 = tpu.memref_squeeze %dma_start3A_189 : memref<1x1x32x128xf32, #tpu.memory_space<vmem>> -> memref<32x128xf32, #tpu.memory_space<vmem>>
    %dma_start3A_191 = arith.constant 0 : i32
    %dma_start3A_192 = tpu.memref_slice %arg3[%dma_start3A_191, %multiple_of3A_178] : memref<32x1000000xf32, #tpu.memory_space<hbm>> -> memref<32x128xf32, #tpu.memory_space<hbm>>
    tpu.enqueue_dma source(%dma_start3A_192 : memref<32x128xf32, #tpu.memory_space<hbm>>) target(%dma_start3A_190 : memref<32x128xf32, #tpu.memory_space<vmem>>) target_semaphore(%arg10 : memref<!tpu.dma_semaphore, #tpu.memory_space<semaphore_mem>>)
    %slice3A_193 = vector.extract_strided_slice %min3A_9 {offsets = [9], sizes = [1], strides = [1]} : vector<16xi32> to vector<1xi32>
    %squeeze3A_194 = vector.extract %slice3A_193[0] : i32 from vector<1xi32>
    %shift_right_arithmetic3A_195 = arith.constant 7 : i32
    %shift_right_arithmetic3A_196 = arith.shrsi %squeeze3A_194, %shift_right_arithmetic3A_195 : i32
    %shift_left3A_197 = arith.constant 7 : i32
    %shift_left3A_198 = arith.shli %shift_right_arithmetic3A_196, %shift_left3A_197 : i32
    %multiple_of3A_199 = tpu.assume_multiple %shift_left3A_198, 128 : i32
    %dma_start3A_200 = arith.constant 2 : i32
    %dma_start3A_201 = arith.constant 1 : i32
    %dma_start3A_202 = arith.constant 0 : i32
    %dma_start3A_203 = arith.constant 0 : i32
    %dma_start3A_204 = tpu.memref_slice %arg6[%dma_start3A_200, %dma_start3A_201, %dma_start3A_202, %dma_start3A_203] : memref<4x4x32x128xf32, #tpu.memory_space<vmem>> -> memref<1x1x32x128xf32, #tpu.memory_space<vmem>>
    %dma_start3A_205 = tpu.memref_squeeze %dma_start3A_204 : memref<1x1x32x128xf32, #tpu.memory_space<vmem>> -> memref<32x128xf32, #tpu.memory_space<vmem>>
    %dma_start3A_206 = arith.constant 0 : i32
    %dma_start3A_207 = tpu.memref_slice %arg3[%dma_start3A_206, %multiple_of3A_199] : memref<32x1000000xf32, #tpu.memory_space<hbm>> -> memref<32x128xf32, #tpu.memory_space<hbm>>
    %dma_start3A_208 = arith.constant 0 : i32
    %dma_start3A_209 = arith.constant 0 : i32
    %dma_start3A_210 = tpu.memref_slice %arg6[%dma_start3A_200, %dma_start3A_201, %dma_start3A_208, %dma_start3A_209] : memref<4x4x32x128xf32, #tpu.memory_space<vmem>> -> memref<1x1x32x128xf32, #tpu.memory_space<vmem>>
    %dma_start3A_211 = tpu.memref_squeeze %dma_start3A_210 : memref<1x1x32x128xf32, #tpu.memory_space<vmem>> -> memref<32x128xf32, #tpu.memory_space<vmem>>
    %dma_start3A_212 = arith.constant 0 : i32
    %dma_start3A_213 = tpu.memref_slice %arg3[%dma_start3A_212, %multiple_of3A_199] : memref<32x1000000xf32, #tpu.memory_space<hbm>> -> memref<32x128xf32, #tpu.memory_space<hbm>>
    tpu.enqueue_dma source(%dma_start3A_213 : memref<32x128xf32, #tpu.memory_space<hbm>>) target(%dma_start3A_211 : memref<32x128xf32, #tpu.memory_space<vmem>>) target_semaphore(%arg10 : memref<!tpu.dma_semaphore, #tpu.memory_space<semaphore_mem>>)
    %slice3A_214 = vector.extract_strided_slice %min3A_9 {offsets = [10], sizes = [1], strides = [1]} : vector<16xi32> to vector<1xi32>
    %squeeze3A_215 = vector.extract %slice3A_214[0] : i32 from vector<1xi32>
    %shift_right_arithmetic3A_216 = arith.constant 7 : i32
    %shift_right_arithmetic3A_217 = arith.shrsi %squeeze3A_215, %shift_right_arithmetic3A_216 : i32
    %shift_left3A_218 = arith.constant 7 : i32
    %shift_left3A_219 = arith.shli %shift_right_arithmetic3A_217, %shift_left3A_218 : i32
    %multiple_of3A_220 = tpu.assume_multiple %shift_left3A_219, 128 : i32
    %dma_start3A_221 = arith.constant 2 : i32
    %dma_start3A_222 = arith.constant 2 : i32
    %dma_start3A_223 = arith.constant 0 : i32
    %dma_start3A_224 = arith.constant 0 : i32
    %dma_start3A_225 = tpu.memref_slice %arg6[%dma_start3A_221, %dma_start3A_222, %dma_start3A_223, %dma_start3A_224] : memref<4x4x32x128xf32, #tpu.memory_space<vmem>> -> memref<1x1x32x128xf32, #tpu.memory_space<vmem>>
    %dma_start3A_226 = tpu.memref_squeeze %dma_start3A_225 : memref<1x1x32x128xf32, #tpu.memory_space<vmem>> -> memref<32x128xf32, #tpu.memory_space<vmem>>
    %dma_start3A_227 = arith.constant 0 : i32
    %dma_start3A_228 = tpu.memref_slice %arg3[%dma_start3A_227, %multiple_of3A_220] : memref<32x1000000xf32, #tpu.memory_space<hbm>> -> memref<32x128xf32, #tpu.memory_space<hbm>>
    %dma_start3A_229 = arith.constant 0 : i32
    %dma_start3A_230 = arith.constant 0 : i32
    %dma_start3A_231 = tpu.memref_slice %arg6[%dma_start3A_221, %dma_start3A_222, %dma_start3A_229, %dma_start3A_230] : memref<4x4x32x128xf32, #tpu.memory_space<vmem>> -> memref<1x1x32x128xf32, #tpu.memory_space<vmem>>
    %dma_start3A_232 = tpu.memref_squeeze %dma_start3A_231 : memref<1x1x32x128xf32, #tpu.memory_space<vmem>> -> memref<32x128xf32, #tpu.memory_space<vmem>>
    %dma_start3A_233 = arith.constant 0 : i32
    %dma_start3A_234 = tpu.memref_slice %arg3[%dma_start3A_233, %multiple_of3A_220] : memref<32x1000000xf32, #tpu.memory_space<hbm>> -> memref<32x128xf32, #tpu.memory_space<hbm>>
    tpu.enqueue_dma source(%dma_start3A_234 : memref<32x128xf32, #tpu.memory_space<hbm>>) target(%dma_start3A_232 : memref<32x128xf32, #tpu.memory_space<vmem>>) target_semaphore(%arg10 : memref<!tpu.dma_semaphore, #tpu.memory_space<semaphore_mem>>)
    %slice3A_235 = vector.extract_strided_slice %min3A_9 {offsets = [11], sizes = [1], strides = [1]} : vector<16xi32> to vector<1xi32>
    %squeeze3A_236 = vector.extract %slice3A_235[0] : i32 from vector<1xi32>
    %shift_right_arithmetic3A_237 = arith.constant 7 : i32
    %shift_right_arithmetic3A_238 = arith.shrsi %squeeze3A_236, %shift_right_arithmetic3A_237 : i32
    %shift_left3A_239 = arith.constant 7 : i32
    %shift_left3A_240 = arith.shli %shift_right_arithmetic3A_238, %shift_left3A_239 : i32
    %multiple_of3A_241 = tpu.assume_multiple %shift_left3A_240, 128 : i32
    %dma_start3A_242 = arith.constant 2 : i32
    %dma_start3A_243 = arith.constant 3 : i32
    %dma_start3A_244 = arith.constant 0 : i32
    %dma_start3A_245 = arith.constant 0 : i32
    %dma_start3A_246 = tpu.memref_slice %arg6[%dma_start3A_242, %dma_start3A_243, %dma_start3A_244, %dma_start3A_245] : memref<4x4x32x128xf32, #tpu.memory_space<vmem>> -> memref<1x1x32x128xf32, #tpu.memory_space<vmem>>
    %dma_start3A_247 = tpu.memref_squeeze %dma_start3A_246 : memref<1x1x32x128xf32, #tpu.memory_space<vmem>> -> memref<32x128xf32, #tpu.memory_space<vmem>>
    %dma_start3A_248 = arith.constant 0 : i32
    %dma_start3A_249 = tpu.memref_slice %arg3[%dma_start3A_248, %multiple_of3A_241] : memref<32x1000000xf32, #tpu.memory_space<hbm>> -> memref<32x128xf32, #tpu.memory_space<hbm>>
    %dma_start3A_250 = arith.constant 0 : i32
    %dma_start3A_251 = arith.constant 0 : i32
    %dma_start3A_252 = tpu.memref_slice %arg6[%dma_start3A_242, %dma_start3A_243, %dma_start3A_250, %dma_start3A_251] : memref<4x4x32x128xf32, #tpu.memory_space<vmem>> -> memref<1x1x32x128xf32, #tpu.memory_space<vmem>>
    %dma_start3A_253 = tpu.memref_squeeze %dma_start3A_252 : memref<1x1x32x128xf32, #tpu.memory_space<vmem>> -> memref<32x128xf32, #tpu.memory_space<vmem>>
    %dma_start3A_254 = arith.constant 0 : i32
    %dma_start3A_255 = tpu.memref_slice %arg3[%dma_start3A_254, %multiple_of3A_241] : memref<32x1000000xf32, #tpu.memory_space<hbm>> -> memref<32x128xf32, #tpu.memory_space<hbm>>
    tpu.enqueue_dma source(%dma_start3A_255 : memref<32x128xf32, #tpu.memory_space<hbm>>) target(%dma_start3A_253 : memref<32x128xf32, #tpu.memory_space<vmem>>) target_semaphore(%arg10 : memref<!tpu.dma_semaphore, #tpu.memory_space<semaphore_mem>>)
    %scan3A = arith.constant 0 : i32
    %scan3A_256 = arith.constant 0 : i32
    %scan3A_257 = arith.constant 32 : i32
    %scan3A_258 = arith.addi %scan3A_256, %scan3A_257 : i32
    %scan3A_259 = arith.constant 1 : i32
    scf.for %scan3A_454 = %scan3A_256 to %scan3A_258 step %scan3A_259  : i32 {
      %mul3A_455 = arith.constant 16 : i32
      %mul3A_456 = arith.muli %scan3A_454, %mul3A_455 : i32
      %get3A_457 = arith.index_cast %mul3A_456 : i32 to index
      %get3A_458 = tpu.vector_load %arg5[%get3A_457] {strides = array<i32>} : memref<576xi32, #tpu.memory_space<vmem>>, vector<16xi32>,
      %jit3A_459 = arith.constant 0 : i32
      %jit3A_460 = arith.constant 999999 : i32
      %max3A_461 = vector.broadcast %jit3A_459 : i32 to vector<16xi32>
      %max3A_462 = arith.maxsi %max3A_461, %get3A_458 : vector<16xi32>
      %min3A_463 = vector.broadcast %jit3A_460 : i32 to vector<16xi32>
      %min3A_464 = arith.minsi %min3A_463, %max3A_462 : vector<16xi32>
      %add3A_465 = arith.constant 1 : i32
      %add3A_466 = arith.addi %scan3A_454, %add3A_465 : i32
      %mul3A_467 = arith.constant 16 : i32
      %mul3A_468 = arith.muli %add3A_466, %mul3A_467 : i32
      %get3A_469 = arith.index_cast %mul3A_468 : i32 to index
      %get3A_470 = tpu.vector_load %arg5[%get3A_469] {strides = array<i32>} : memref<576xi32, #tpu.memory_space<vmem>>, vector<16xi32>,
      %jit3A_471 = arith.constant 0 : i32
      %jit3A_472 = arith.constant 999999 : i32
      %max3A_473 = vector.broadcast %jit3A_471 : i32 to vector<16xi32>
      %max3A_474 = arith.maxsi %max3A_473, %get3A_470 : vector<16xi32>
      %min3A_475 = vector.broadcast %jit3A_472 : i32 to vector<16xi32>
      %min3A_476 = arith.minsi %min3A_475, %max3A_474 : vector<16xi32>
      %slice3A_477 = vector.extract_strided_slice %min3A_464 {offsets = [12], sizes = [1], strides = [1]} : vector<16xi32> to vector<1xi32>
      %squeeze3A_478 = vector.extract %slice3A_477[0] : i32 from vector<1xi32>
      %shift_right_arithmetic3A_479 = arith.constant 7 : i32
      %shift_right_arithmetic3A_480 = arith.shrsi %squeeze3A_478, %shift_right_arithmetic3A_479 : i32
      %shift_left3A_481 = arith.constant 7 : i32
      %shift_left3A_482 = arith.shli %shift_right_arithmetic3A_480, %shift_left3A_481 : i32
      %multiple_of3A_483 = tpu.assume_multiple %shift_left3A_482, 128 : i32
      %dma_start3A_484 = arith.constant 3 : i32
      %dma_start3A_485 = arith.constant 0 : i32
      %dma_start3A_486 = arith.constant 0 : i32
      %dma_start3A_487 = arith.constant 0 : i32
      %dma_start3A_488 = tpu.memref_slice %arg6[%dma_start3A_484, %dma_start3A_485, %dma_start3A_486, %dma_start3A_487] : memref<4x4x32x128xf32, #tpu.memory_space<vmem>> -> memref<1x1x32x128xf32, #tpu.memory_space<vmem>>
      %dma_start3A_489 = tpu.memref_squeeze %dma_start3A_488 : memref<1x1x32x128xf32, #tpu.memory_space<vmem>> -> memref<32x128xf32, #tpu.memory_space<vmem>>
      %dma_start3A_490 = arith.constant 0 : i32
      %dma_start3A_491 = tpu.memref_slice %arg3[%dma_start3A_490, %multiple_of3A_483] : memref<32x1000000xf32, #tpu.memory_space<hbm>> -> memref<32x128xf32, #tpu.memory_space<hbm>>
      %dma_start3A_492 = arith.constant 0 : i32
      %dma_start3A_493 = arith.constant 0 : i32
      %dma_start3A_494 = tpu.memref_slice %arg6[%dma_start3A_484, %dma_start3A_485, %dma_start3A_492, %dma_start3A_493] : memref<4x4x32x128xf32, #tpu.memory_space<vmem>> -> memref<1x1x32x128xf32, #tpu.memory_space<vmem>>
      %dma_start3A_495 = tpu.memref_squeeze %dma_start3A_494 : memref<1x1x32x128xf32, #tpu.memory_space<vmem>> -> memref<32x128xf32, #tpu.memory_space<vmem>>
      %dma_start3A_496 = arith.constant 0 : i32
      %dma_start3A_497 = tpu.memref_slice %arg3[%dma_start3A_496, %multiple_of3A_483] : memref<32x1000000xf32, #tpu.memory_space<hbm>> -> memref<32x128xf32, #tpu.memory_space<hbm>>
      tpu.enqueue_dma source(%dma_start3A_497 : memref<32x128xf32, #tpu.memory_space<hbm>>) target(%dma_start3A_495 : memref<32x128xf32, #tpu.memory_space<vmem>>) target_semaphore(%arg11 : memref<!tpu.dma_semaphore, #tpu.memory_space<semaphore_mem>>)
      %slice3A_498 = vector.extract_strided_slice %min3A_464 {offsets = [13], sizes = [1], strides = [1]} : vector<16xi32> to vector<1xi32>
      %squeeze3A_499 = vector.extract %slice3A_498[0] : i32 from vector<1xi32>
      %shift_right_arithmetic3A_500 = arith.constant 7 : i32
      %shift_right_arithmetic3A_501 = arith.shrsi %squeeze3A_499, %shift_right_arithmetic3A_500 : i32
      %shift_left3A_502 = arith.constant 7 : i32
      %shift_left3A_503 = arith.shli %shift_right_arithmetic3A_501, %shift_left3A_502 : i32
      %multiple_of3A_504 = tpu.assume_multiple %shift_left3A_503, 128 : i32
      %dma_start3A_505 = arith.constant 3 : i32
      %dma_start3A_506 = arith.constant 1 : i32
      %dma_start3A_507 = arith.constant 0 : i32
      %dma_start3A_508 = arith.constant 0 : i32
      %dma_start3A_509 = tpu.memref_slice %arg6[%dma_start3A_505, %dma_start3A_506, %dma_start3A_507, %dma_start3A_508] : memref<4x4x32x128xf32, #tpu.memory_space<vmem>> -> memref<1x1x32x128xf32, #tpu.memory_space<vmem>>
      %dma_start3A_510 = tpu.memref_squeeze %dma_start3A_509 : memref<1x1x32x128xf32, #tpu.memory_space<vmem>> -> memref<32x128xf32, #tpu.memory_space<vmem>>
      %dma_start3A_511 = arith.constant 0 : i32
      %dma_start3A_512 = tpu.memref_slice %arg3[%dma_start3A_511, %multiple_of3A_504] : memref<32x1000000xf32, #tpu.memory_space<hbm>> -> memref<32x128xf32, #tpu.memory_space<hbm>>
      %dma_start3A_513 = arith.constant 0 : i32
      %dma_start3A_514 = arith.constant 0 : i32
      %dma_start3A_515 = tpu.memref_slice %arg6[%dma_start3A_505, %dma_start3A_506, %dma_start3A_513, %dma_start3A_514] : memref<4x4x32x128xf32, #tpu.memory_space<vmem>> -> memref<1x1x32x128xf32, #tpu.memory_space<vmem>>
      %dma_start3A_516 = tpu.memref_squeeze %dma_start3A_515 : memref<1x1x32x128xf32, #tpu.memory_space<vmem>> -> memref<32x128xf32, #tpu.memory_space<vmem>>
      %dma_start3A_517 = arith.constant 0 : i32
      %dma_start3A_518 = tpu.memref_slice %arg3[%dma_start3A_517, %multiple_of3A_504] : memref<32x1000000xf32, #tpu.memory_space<hbm>> -> memref<32x128xf32, #tpu.memory_space<hbm>>
      tpu.enqueue_dma source(%dma_start3A_518 : memref<32x128xf32, #tpu.memory_space<hbm>>) target(%dma_start3A_516 : memref<32x128xf32, #tpu.memory_space<vmem>>) target_semaphore(%arg11 : memref<!tpu.dma_semaphore, #tpu.memory_space<semaphore_mem>>)
      %slice3A_519 = vector.extract_strided_slice %min3A_464 {offsets = [14], sizes = [1], strides = [1]} : vector<16xi32> to vector<1xi32>
      %squeeze3A_520 = vector.extract %slice3A_519[0] : i32 from vector<1xi32>
      %shift_right_arithmetic3A_521 = arith.constant 7 : i32
      %shift_right_arithmetic3A_522 = arith.shrsi %squeeze3A_520, %shift_right_arithmetic3A_521 : i32
      %shift_left3A_523 = arith.constant 7 : i32
      %shift_left3A_524 = arith.shli %shift_right_arithmetic3A_522, %shift_left3A_523 : i32
      %multiple_of3A_525 = tpu.assume_multiple %shift_left3A_524, 128 : i32
      %dma_start3A_526 = arith.constant 3 : i32
      %dma_start3A_527 = arith.constant 2 : i32
      %dma_start3A_528 = arith.constant 0 : i32
      %dma_start3A_529 = arith.constant 0 : i32
      %dma_start3A_530 = tpu.memref_slice %arg6[%dma_start3A_526, %dma_start3A_527, %dma_start3A_528, %dma_start3A_529] : memref<4x4x32x128xf32, #tpu.memory_space<vmem>> -> memref<1x1x32x128xf32, #tpu.memory_space<vmem>>
      %dma_start3A_531 = tpu.memref_squeeze %dma_start3A_530 : memref<1x1x32x128xf32, #tpu.memory_space<vmem>> -> memref<32x128xf32, #tpu.memory_space<vmem>>
      %dma_start3A_532 = arith.constant 0 : i32
      %dma_start3A_533 = tpu.memref_slice %arg3[%dma_start3A_532, %multiple_of3A_525] : memref<32x1000000xf32, #tpu.memory_space<hbm>> -> memref<32x128xf32, #tpu.memory_space<hbm>>
      %dma_start3A_534 = arith.constant 0 : i32
      %dma_start3A_535 = arith.constant 0 : i32
      %dma_start3A_536 = tpu.memref_slice %arg6[%dma_start3A_526, %dma_start3A_527, %dma_start3A_534, %dma_start3A_535] : memref<4x4x32x128xf32, #tpu.memory_space<vmem>> -> memref<1x1x32x128xf32, #tpu.memory_space<vmem>>
      %dma_start3A_537 = tpu.memref_squeeze %dma_start3A_536 : memref<1x1x32x128xf32, #tpu.memory_space<vmem>> -> memref<32x128xf32, #tpu.memory_space<vmem>>
      %dma_start3A_538 = arith.constant 0 : i32
      %dma_start3A_539 = tpu.memref_slice %arg3[%dma_start3A_538, %multiple_of3A_525] : memref<32x1000000xf32, #tpu.memory_space<hbm>> -> memref<32x128xf32, #tpu.memory_space<hbm>>
      tpu.enqueue_dma source(%dma_start3A_539 : memref<32x128xf32, #tpu.memory_space<hbm>>) target(%dma_start3A_537 : memref<32x128xf32, #tpu.memory_space<vmem>>) target_semaphore(%arg11 : memref<!tpu.dma_semaphore, #tpu.memory_space<semaphore_mem>>)
      %slice3A_540 = vector.extract_strided_slice %min3A_464 {offsets = [15], sizes = [1], strides = [1]} : vector<16xi32> to vector<1xi32>
      %squeeze3A_541 = vector.extract %slice3A_540[0] : i32 from vector<1xi32>
      %shift_right_arithmetic3A_542 = arith.constant 7 : i32
      %shift_right_arithmetic3A_543 = arith.shrsi %squeeze3A_541, %shift_right_arithmetic3A_542 : i32
      %shift_left3A_544 = arith.constant 7 : i32
      %shift_left3A_545 = arith.shli %shift_right_arithmetic3A_543, %shift_left3A_544 : i32
      %multiple_of3A_546 = tpu.assume_multiple %shift_left3A_545, 128 : i32
      %dma_start3A_547 = arith.constant 3 : i32
      %dma_start3A_548 = arith.constant 3 : i32
      %dma_start3A_549 = arith.constant 0 : i32
      %dma_start3A_550 = arith.constant 0 : i32
      %dma_start3A_551 = tpu.memref_slice %arg6[%dma_start3A_547, %dma_start3A_548, %dma_start3A_549, %dma_start3A_550] : memref<4x4x32x128xf32, #tpu.memory_space<vmem>> -> memref<1x1x32x128xf32, #tpu.memory_space<vmem>>
      %dma_start3A_552 = tpu.memref_squeeze %dma_start3A_551 : memref<1x1x32x128xf32, #tpu.memory_space<vmem>> -> memref<32x128xf32, #tpu.memory_space<vmem>>
      %dma_start3A_553 = arith.constant 0 : i32
      %dma_start3A_554 = tpu.memref_slice %arg3[%dma_start3A_553, %multiple_of3A_546] : memref<32x1000000xf32, #tpu.memory_space<hbm>> -> memref<32x128xf32, #tpu.memory_space<hbm>>
      %dma_start3A_555 = arith.constant 0 : i32
      %dma_start3A_556 = arith.constant 0 : i32
      %dma_start3A_557 = tpu.memref_slice %arg6[%dma_start3A_547, %dma_start3A_548, %dma_start3A_555, %dma_start3A_556] : memref<4x4x32x128xf32, #tpu.memory_space<vmem>> -> memref<1x1x32x128xf32, #tpu.memory_space<vmem>>
      %dma_start3A_558 = tpu.memref_squeeze %dma_start3A_557 : memref<1x1x32x128xf32, #tpu.memory_space<vmem>> -> memref<32x128xf32, #tpu.memory_space<vmem>>
      %dma_start3A_559 = arith.constant 0 : i32
      %dma_start3A_560 = tpu.memref_slice %arg3[%dma_start3A_559, %multiple_of3A_546] : memref<32x1000000xf32, #tpu.memory_space<hbm>> -> memref<32x128xf32, #tpu.memory_space<hbm>>
      tpu.enqueue_dma source(%dma_start3A_560 : memref<32x128xf32, #tpu.memory_space<hbm>>) target(%dma_start3A_558 : memref<32x128xf32, #tpu.memory_space<vmem>>) target_semaphore(%arg11 : memref<!tpu.dma_semaphore, #tpu.memory_space<semaphore_mem>>)
      %dma_wait3A_561 = arith.constant 0 : i32
      %dma_wait3A_562 = arith.constant 0 : i32
      %dma_wait3A_563 = arith.constant 0 : i32
      %dma_wait3A_564 = arith.constant 0 : i32
      %dma_wait3A_565 = tpu.memref_slice %arg6[%dma_wait3A_561, %dma_wait3A_562, %dma_wait3A_563, %dma_wait3A_564] : memref<4x4x32x128xf32, #tpu.memory_space<vmem>> -> memref<1x1x32x128xf32, #tpu.memory_space<vmem>>
      %dma_wait3A_566 = tpu.memref_squeeze %dma_wait3A_565 : memref<1x1x32x128xf32, #tpu.memory_space<vmem>> -> memref<32x128xf32, #tpu.memory_space<vmem>>
      %dma_wait3A_567 = arith.constant 0 : i32
      %dma_wait3A_568 = arith.constant 0 : i32
      %dma_wait3A_569 = tpu.memref_slice %arg3[%dma_wait3A_567, %dma_wait3A_568] : memref<32x1000000xf32, #tpu.memory_space<hbm>> -> memref<32x128xf32, #tpu.memory_space<hbm>>
      %dma_wait3A_570 = arith.constant 0 : i32
      %dma_wait3A_571 = arith.constant 0 : i32
      %dma_wait3A_572 = tpu.memref_slice %arg6[%dma_wait3A_561, %dma_wait3A_562, %dma_wait3A_570, %dma_wait3A_571] : memref<4x4x32x128xf32, #tpu.memory_space<vmem>> -> memref<1x1x32x128xf32, #tpu.memory_space<vmem>>
      %dma_wait3A_573 = tpu.memref_squeeze %dma_wait3A_572 : memref<1x1x32x128xf32, #tpu.memory_space<vmem>> -> memref<32x128xf32, #tpu.memory_space<vmem>>
      %dma_wait3A_574 = arith.constant 0 : i32
      %dma_wait3A_575 = arith.constant 0 : i32
      %dma_wait3A_576 = tpu.memref_slice %arg3[%dma_wait3A_574, %dma_wait3A_575] : memref<32x1000000xf32, #tpu.memory_space<hbm>> -> memref<32x128xf32, #tpu.memory_space<hbm>>
      tpu.wait_dma2 semaphore(%arg8 : memref<!tpu.dma_semaphore, #tpu.memory_space<semaphore_mem>>) src(%dma_wait3A_576 : memref<32x128xf32, #tpu.memory_space<hbm>>) dst(%dma_wait3A_573 : memref<32x128xf32, #tpu.memory_space<vmem>>)
      %dma_wait3A_577 = arith.constant 0 : i32
      %dma_wait3A_578 = arith.constant 1 : i32
      %dma_wait3A_579 = arith.constant 0 : i32
      %dma_wait3A_580 = arith.constant 0 : i32
      %dma_wait3A_581 = tpu.memref_slice %arg6[%dma_wait3A_577, %dma_wait3A_578, %dma_wait3A_579, %dma_wait3A_580] : memref<4x4x32x128xf32, #tpu.memory_space<vmem>> -> memref<1x1x32x128xf32, #tpu.memory_space<vmem>>
      %dma_wait3A_582 = tpu.memref_squeeze %dma_wait3A_581 : memref<1x1x32x128xf32, #tpu.memory_space<vmem>> -> memref<32x128xf32, #tpu.memory_space<vmem>>
      %dma_wait3A_583 = arith.constant 0 : i32
      %dma_wait3A_584 = arith.constant 0 : i32
      %dma_wait3A_585 = tpu.memref_slice %arg3[%dma_wait3A_583, %dma_wait3A_584] : memref<32x1000000xf32, #tpu.memory_space<hbm>> -> memref<32x128xf32, #tpu.memory_space<hbm>>
      %dma_wait3A_586 = arith.constant 0 : i32
      %dma_wait3A_587 = arith.constant 0 : i32
      %dma_wait3A_588 = tpu.memref_slice %arg6[%dma_wait3A_577, %dma_wait3A_578, %dma_wait3A_586, %dma_wait3A_587] : memref<4x4x32x128xf32, #tpu.memory_space<vmem>> -> memref<1x1x32x128xf32, #tpu.memory_space<vmem>>
      %dma_wait3A_589 = tpu.memref_squeeze %dma_wait3A_588 : memref<1x1x32x128xf32, #tpu.memory_space<vmem>> -> memref<32x128xf32, #tpu.memory_space<vmem>>
      %dma_wait3A_590 = arith.constant 0 : i32
      %dma_wait3A_591 = arith.constant 0 : i32
      %dma_wait3A_592 = tpu.memref_slice %arg3[%dma_wait3A_590, %dma_wait3A_591] : memref<32x1000000xf32, #tpu.memory_space<hbm>> -> memref<32x128xf32, #tpu.memory_space<hbm>>
      tpu.wait_dma2 semaphore(%arg8 : memref<!tpu.dma_semaphore, #tpu.memory_space<semaphore_mem>>) src(%dma_wait3A_592 : memref<32x128xf32, #tpu.memory_space<hbm>>) dst(%dma_wait3A_589 : memref<32x128xf32, #tpu.memory_space<vmem>>)
      %dma_wait3A_593 = arith.constant 0 : i32
      %dma_wait3A_594 = arith.constant 2 : i32
      %dma_wait3A_595 = arith.constant 0 : i32
      %dma_wait3A_596 = arith.constant 0 : i32
      %dma_wait3A_597 = tpu.memref_slice %arg6[%dma_wait3A_593, %dma_wait3A_594, %dma_wait3A_595, %dma_wait3A_596] : memref<4x4x32x128xf32, #tpu.memory_space<vmem>> -> memref<1x1x32x128xf32, #tpu.memory_space<vmem>>
      %dma_wait3A_598 = tpu.memref_squeeze %dma_wait3A_597 : memref<1x1x32x128xf32, #tpu.memory_space<vmem>> -> memref<32x128xf32, #tpu.memory_space<vmem>>
      %dma_wait3A_599 = arith.constant 0 : i32
      %dma_wait3A_600 = arith.constant 0 : i32
      %dma_wait3A_601 = tpu.memref_slice %arg3[%dma_wait3A_599, %dma_wait3A_600] : memref<32x1000000xf32, #tpu.memory_space<hbm>> -> memref<32x128xf32, #tpu.memory_space<hbm>>
      %dma_wait3A_602 = arith.constant 0 : i32
      %dma_wait3A_603 = arith.constant 0 : i32
      %dma_wait3A_604 = tpu.memref_slice %arg6[%dma_wait3A_593, %dma_wait3A_594, %dma_wait3A_602, %dma_wait3A_603] : memref<4x4x32x128xf32, #tpu.memory_space<vmem>> -> memref<1x1x32x128xf32, #tpu.memory_space<vmem>>
      %dma_wait3A_605 = tpu.memref_squeeze %dma_wait3A_604 : memref<1x1x32x128xf32, #tpu.memory_space<vmem>> -> memref<32x128xf32, #tpu.memory_space<vmem>>
      %dma_wait3A_606 = arith.constant 0 : i32
      %dma_wait3A_607 = arith.constant 0 : i32
      %dma_wait3A_608 = tpu.memref_slice %arg3[%dma_wait3A_606, %dma_wait3A_607] : memref<32x1000000xf32, #tpu.memory_space<hbm>> -> memref<32x128xf32, #tpu.memory_space<hbm>>
      tpu.wait_dma2 semaphore(%arg8 : memref<!tpu.dma_semaphore, #tpu.memory_space<semaphore_mem>>) src(%dma_wait3A_608 : memref<32x128xf32, #tpu.memory_space<hbm>>) dst(%dma_wait3A_605 : memref<32x128xf32, #tpu.memory_space<vmem>>)
      %dma_wait3A_609 = arith.constant 0 : i32
      %dma_wait3A_610 = arith.constant 3 : i32
      %dma_wait3A_611 = arith.constant 0 : i32
      %dma_wait3A_612 = arith.constant 0 : i32
      %dma_wait3A_613 = tpu.memref_slice %arg6[%dma_wait3A_609, %dma_wait3A_610, %dma_wait3A_611, %dma_wait3A_612] : memref<4x4x32x128xf32, #tpu.memory_space<vmem>> -> memref<1x1x32x128xf32, #tpu.memory_space<vmem>>
      %dma_wait3A_614 = tpu.memref_squeeze %dma_wait3A_613 : memref<1x1x32x128xf32, #tpu.memory_space<vmem>> -> memref<32x128xf32, #tpu.memory_space<vmem>>
      %dma_wait3A_615 = arith.constant 0 : i32
      %dma_wait3A_616 = arith.constant 0 : i32
      %dma_wait3A_617 = tpu.memref_slice %arg3[%dma_wait3A_615, %dma_wait3A_616] : memref<32x1000000xf32, #tpu.memory_space<hbm>> -> memref<32x128xf32, #tpu.memory_space<hbm>>
      %dma_wait3A_618 = arith.constant 0 : i32
      %dma_wait3A_619 = arith.constant 0 : i32
      %dma_wait3A_620 = tpu.memref_slice %arg6[%dma_wait3A_609, %dma_wait3A_610, %dma_wait3A_618, %dma_wait3A_619] : memref<4x4x32x128xf32, #tpu.memory_space<vmem>> -> memref<1x1x32x128xf32, #tpu.memory_space<vmem>>
      %dma_wait3A_621 = tpu.memref_squeeze %dma_wait3A_620 : memref<1x1x32x128xf32, #tpu.memory_space<vmem>> -> memref<32x128xf32, #tpu.memory_space<vmem>>
      %dma_wait3A_622 = arith.constant 0 : i32
      %dma_wait3A_623 = arith.constant 0 : i32
      %dma_wait3A_624 = tpu.memref_slice %arg3[%dma_wait3A_622, %dma_wait3A_623] : memref<32x1000000xf32, #tpu.memory_space<hbm>> -> memref<32x128xf32, #tpu.memory_space<hbm>>
      tpu.wait_dma2 semaphore(%arg8 : memref<!tpu.dma_semaphore, #tpu.memory_space<semaphore_mem>>) src(%dma_wait3A_624 : memref<32x128xf32, #tpu.memory_space<hbm>>) dst(%dma_wait3A_621 : memref<32x128xf32, #tpu.memory_space<vmem>>)
      %slice3A_625 = vector.extract_strided_slice %min3A_464 {offsets = [0], sizes = [1], strides = [1]} : vector<16xi32> to vector<1xi32>
      %squeeze3A_626 = vector.extract %slice3A_625[0] : i32 from vector<1xi32>
      %and3A = arith.constant 127 : i32
      %and3A_627 = arith.andi %squeeze3A_626, %and3A : i32
      %broadcast_in_dim3A = arith.constant 0 : i32
      %broadcast_in_dim3A_628 = vector.broadcast %broadcast_in_dim3A : i32 to vector<16xi32>
      %broadcast_in_dim3A_629 = arith.constant 0 : i32
      %broadcast_in_dim3A_630 = vector.broadcast %broadcast_in_dim3A_629 : i32 to vector<16xi32>
      %broadcast_in_dim3A_631 = arith.constant 0 : i32
      %broadcast_in_dim3A_632 = vector.broadcast %broadcast_in_dim3A_631 : i32 to vector<16xi32>
      %add3A_633 = vector.broadcast %and3A_627 : i32 to vector<16xi32>
      %add3A_634 = arith.addi %broadcast_in_dim3A_632, %add3A_633 : vector<16xi32>
      %gather3A = tpu.vector_load_idx %arg6[%broadcast_in_dim3A_628, %broadcast_in_dim3A_630, %iota3A, %add3A_634] : memref<4x4x32x128xf32, #tpu.memory_space<vmem>>[vector<16xi32>, vector<16xi32>, vector<16xi32>, vector<16xi32>], vector<16xf32>,
      %gather3A_635 = tpu.vector_load_idx %arg6[%broadcast_in_dim3A_628, %broadcast_in_dim3A_630, %add3A_5, %add3A_634] : memref<4x4x32x128xf32, #tpu.memory_space<vmem>>[vector<16xi32>, vector<16xi32>, vector<16xi32>, vector<16xi32>], vector<16xf32>,
      %mul3A_636 = arith.constant 16 : i32
      %mul3A_637 = arith.muli %scan3A_454, %mul3A_636 : i32
      %add3A_638 = arith.constant 0 : i32
      %add3A_639 = arith.addi %mul3A_637, %add3A_638 : i32
      %add3A_640 = arith.constant 0 : i32
      %add3A_641 = arith.addi %add3A_639, %add3A_640 : i32
      %mul3A_642 = arith.constant 32 : i32
      %mul3A_643 = arith.muli %add3A_641, %mul3A_642 : i32
      %swap3A = arith.index_cast %mul3A_643 : i32 to index
      %swap3A_644 = tpu.vector_load %arg7[%swap3A] {strides = array<i32>} : memref<16384xf32, #tpu.memory_space<vmem>>, vector<16xf32>,
      tpu.vector_store %arg7[%swap3A], %gather3A {strides = array<i32>} : memref<16384xf32, #tpu.memory_space<vmem>>, vector<16xf32>,
      %add3A_645 = arith.constant 16 : i32
      %add3A_646 = arith.addi %mul3A_643, %add3A_645 : i32
      %swap3A_647 = arith.index_cast %add3A_646 : i32 to index
      %swap3A_648 = tpu.vector_load %arg7[%swap3A_647] {strides = array<i32>} : memref<16384xf32, #tpu.memory_space<vmem>>, vector<16xf32>,
      tpu.vector_store %arg7[%swap3A_647], %gather3A_635 {strides = array<i32>} : memref<16384xf32, #tpu.memory_space<vmem>>, vector<16xf32>,
      %slice3A_649 = vector.extract_strided_slice %min3A_464 {offsets = [1], sizes = [1], strides = [1]} : vector<16xi32> to vector<1xi32>
      %squeeze3A_650 = vector.extract %slice3A_649[0] : i32 from vector<1xi32>
      %and3A_651 = arith.constant 127 : i32
      %and3A_652 = arith.andi %squeeze3A_650, %and3A_651 : i32
      %broadcast_in_dim3A_653 = arith.constant 0 : i32
      %broadcast_in_dim3A_654 = vector.broadcast %broadcast_in_dim3A_653 : i32 to vector<16xi32>
      %broadcast_in_dim3A_655 = arith.constant 1 : i32
      %broadcast_in_dim3A_656 = vector.broadcast %broadcast_in_dim3A_655 : i32 to vector<16xi32>
      %broadcast_in_dim3A_657 = arith.constant 0 : i32
      %broadcast_in_dim3A_658 = vector.broadcast %broadcast_in_dim3A_657 : i32 to vector<16xi32>
      %add3A_659 = vector.broadcast %and3A_652 : i32 to vector<16xi32>
      %add3A_660 = arith.addi %broadcast_in_dim3A_658, %add3A_659 : vector<16xi32>
      %gather3A_661 = tpu.vector_load_idx %arg6[%broadcast_in_dim3A_654, %broadcast_in_dim3A_656, %iota3A, %add3A_660] : memref<4x4x32x128xf32, #tpu.memory_space<vmem>>[vector<16xi32>, vector<16xi32>, vector<16xi32>, vector<16xi32>], vector<16xf32>,
      %gather3A_662 = tpu.vector_load_idx %arg6[%broadcast_in_dim3A_654, %broadcast_in_dim3A_656, %add3A_5, %add3A_660] : memref<4x4x32x128xf32, #tpu.memory_space<vmem>>[vector<16xi32>, vector<16xi32>, vector<16xi32>, vector<16xi32>], vector<16xf32>,
      %mul3A_663 = arith.constant 16 : i32
      %mul3A_664 = arith.muli %scan3A_454, %mul3A_663 : i32
      %add3A_665 = arith.constant 0 : i32
      %add3A_666 = arith.addi %mul3A_664, %add3A_665 : i32
      %add3A_667 = arith.constant 1 : i32
      %add3A_668 = arith.addi %add3A_666, %add3A_667 : i32
      %mul3A_669 = arith.constant 32 : i32
      %mul3A_670 = arith.muli %add3A_668, %mul3A_669 : i32
      %swap3A_671 = arith.index_cast %mul3A_670 : i32 to index
      %swap3A_672 = tpu.vector_load %arg7[%swap3A_671] {strides = array<i32>} : memref<16384xf32, #tpu.memory_space<vmem>>, vector<16xf32>,
      tpu.vector_store %arg7[%swap3A_671], %gather3A_661 {strides = array<i32>} : memref<16384xf32, #tpu.memory_space<vmem>>, vector<16xf32>,
      %add3A_673 = arith.constant 16 : i32
      %add3A_674 = arith.addi %mul3A_670, %add3A_673 : i32
      %swap3A_675 = arith.index_cast %add3A_674 : i32 to index
      %swap3A_676 = tpu.vector_load %arg7[%swap3A_675] {strides = array<i32>} : memref<16384xf32, #tpu.memory_space<vmem>>, vector<16xf32>,
      tpu.vector_store %arg7[%swap3A_675], %gather3A_662 {strides = array<i32>} : memref<16384xf32, #tpu.memory_space<vmem>>, vector<16xf32>,
      %slice3A_677 = vector.extract_strided_slice %min3A_464 {offsets = [2], sizes = [1], strides = [1]} : vector<16xi32> to vector<1xi32>
      %squeeze3A_678 = vector.extract %slice3A_677[0] : i32 from vector<1xi32>
      %and3A_679 = arith.constant 127 : i32
      %and3A_680 = arith.andi %squeeze3A_678, %and3A_679 : i32
      %broadcast_in_dim3A_681 = arith.constant 0 : i32
      %broadcast_in_dim3A_682 = vector.broadcast %broadcast_in_dim3A_681 : i32 to vector<16xi32>
      %broadcast_in_dim3A_683 = arith.constant 2 : i32
      %broadcast_in_dim3A_684 = vector.broadcast %broadcast_in_dim3A_683 : i32 to vector<16xi32>
      %broadcast_in_dim3A_685 = arith.constant 0 : i32
      %broadcast_in_dim3A_686 = vector.broadcast %broadcast_in_dim3A_685 : i32 to vector<16xi32>
      %add3A_687 = vector.broadcast %and3A_680 : i32 to vector<16xi32>
      %add3A_688 = arith.addi %broadcast_in_dim3A_686, %add3A_687 : vector<16xi32>
      %gather3A_689 = tpu.vector_load_idx %arg6[%broadcast_in_dim3A_682, %broadcast_in_dim3A_684, %iota3A, %add3A_688] : memref<4x4x32x128xf32, #tpu.memory_space<vmem>>[vector<16xi32>, vector<16xi32>, vector<16xi32>, vector<16xi32>], vector<16xf32>,
      %gather3A_690 = tpu.vector_load_idx %arg6[%broadcast_in_dim3A_682, %broadcast_in_dim3A_684, %add3A_5, %add3A_688] : memref<4x4x32x128xf32, #tpu.memory_space<vmem>>[vector<16xi32>, vector<16xi32>, vector<16xi32>, vector<16xi32>], vector<16xf32>,
      %mul3A_691 = arith.constant 16 : i32
      %mul3A_692 = arith.muli %scan3A_454, %mul3A_691 : i32
      %add3A_693 = arith.constant 0 : i32
      %add3A_694 = arith.addi %mul3A_692, %add3A_693 : i32
      %add3A_695 = arith.constant 2 : i32
      %add3A_696 = arith.addi %add3A_694, %add3A_695 : i32
      %mul3A_697 = arith.constant 32 : i32
      %mul3A_698 = arith.muli %add3A_696, %mul3A_697 : i32
      %swap3A_699 = arith.index_cast %mul3A_698 : i32 to index
      %swap3A_700 = tpu.vector_load %arg7[%swap3A_699] {strides = array<i32>} : memref<16384xf32, #tpu.memory_space<vmem>>, vector<16xf32>,
      tpu.vector_store %arg7[%swap3A_699], %gather3A_689 {strides = array<i32>} : memref<16384xf32, #tpu.memory_space<vmem>>, vector<16xf32>,
      %add3A_701 = arith.constant 16 : i32
      %add3A_702 = arith.addi %mul3A_698, %add3A_701 : i32
      %swap3A_703 = arith.index_cast %add3A_702 : i32 to index
      %swap3A_704 = tpu.vector_load %arg7[%swap3A_703] {strides = array<i32>} : memref<16384xf32, #tpu.memory_space<vmem>>, vector<16xf32>,
      tpu.vector_store %arg7[%swap3A_703], %gather3A_690 {strides = array<i32>} : memref<16384xf32, #tpu.memory_space<vmem>>, vector<16xf32>,
      %slice3A_705 = vector.extract_strided_slice %min3A_464 {offsets = [3], sizes = [1], strides = [1]} : vector<16xi32> to vector<1xi32>
      %squeeze3A_706 = vector.extract %slice3A_705[0] : i32 from vector<1xi32>
      %and3A_707 = arith.constant 127 : i32
      %and3A_708 = arith.andi %squeeze3A_706, %and3A_707 : i32
      %broadcast_in_dim3A_709 = arith.constant 0 : i32
      %broadcast_in_dim3A_710 = vector.broadcast %broadcast_in_dim3A_709 : i32 to vector<16xi32>
      %broadcast_in_dim3A_711 = arith.constant 3 : i32
      %broadcast_in_dim3A_712 = vector.broadcast %broadcast_in_dim3A_711 : i32 to vector<16xi32>
      %broadcast_in_dim3A_713 = arith.constant 0 : i32
      %broadcast_in_dim3A_714 = vector.broadcast %broadcast_in_dim3A_713 : i32 to vector<16xi32>
      %add3A_715 = vector.broadcast %and3A_708 : i32 to vector<16xi32>
      %add3A_716 = arith.addi %broadcast_in_dim3A_714, %add3A_715 : vector<16xi32>
      %gather3A_717 = tpu.vector_load_idx %arg6[%broadcast_in_dim3A_710, %broadcast_in_dim3A_712, %iota3A, %add3A_716] : memref<4x4x32x128xf32, #tpu.memory_space<vmem>>[vector<16xi32>, vector<16xi32>, vector<16xi32>, vector<16xi32>], vector<16xf32>,
      %gather3A_718 = tpu.vector_load_idx %arg6[%broadcast_in_dim3A_710, %broadcast_in_dim3A_712, %add3A_5, %add3A_716] : memref<4x4x32x128xf32, #tpu.memory_space<vmem>>[vector<16xi32>, vector<16xi32>, vector<16xi32>, vector<16xi32>], vector<16xf32>,
      %mul3A_719 = arith.constant 16 : i32
      %mul3A_720 = arith.muli %scan3A_454, %mul3A_719 : i32
      %add3A_721 = arith.constant 0 : i32
      %add3A_722 = arith.addi %mul3A_720, %add3A_721 : i32
      %add3A_723 = arith.constant 3 : i32
      %add3A_724 = arith.addi %add3A_722, %add3A_723 : i32
      %mul3A_725 = arith.constant 32 : i32
      %mul3A_726 = arith.muli %add3A_724, %mul3A_725 : i32
      %swap3A_727 = arith.index_cast %mul3A_726 : i32 to index
      %swap3A_728 = tpu.vector_load %arg7[%swap3A_727] {strides = array<i32>} : memref<16384xf32, #tpu.memory_space<vmem>>, vector<16xf32>,
      tpu.vector_store %arg7[%swap3A_727], %gather3A_717 {strides = array<i32>} : memref<16384xf32, #tpu.memory_space<vmem>>, vector<16xf32>,
      %add3A_729 = arith.constant 16 : i32
      %add3A_730 = arith.addi %mul3A_726, %add3A_729 : i32
      %swap3A_731 = arith.index_cast %add3A_730 : i32 to index
      %swap3A_732 = tpu.vector_load %arg7[%swap3A_731] {strides = array<i32>} : memref<16384xf32, #tpu.memory_space<vmem>>, vector<16xf32>,
      tpu.vector_store %arg7[%swap3A_731], %gather3A_718 {strides = array<i32>} : memref<16384xf32, #tpu.memory_space<vmem>>, vector<16xf32>,
      %slice3A_733 = vector.extract_strided_slice %min3A_476 {offsets = [0], sizes = [1], strides = [1]} : vector<16xi32> to vector<1xi32>
      %squeeze3A_734 = vector.extract %slice3A_733[0] : i32 from vector<1xi32>
      %shift_right_arithmetic3A_735 = arith.constant 7 : i32
      %shift_right_arithmetic3A_736 = arith.shrsi %squeeze3A_734, %shift_right_arithmetic3A_735 : i32
      %shift_left3A_737 = arith.constant 7 : i32
      %shift_left3A_738 = arith.shli %shift_right_arithmetic3A_736, %shift_left3A_737 : i32
      %multiple_of3A_739 = tpu.assume_multiple %shift_left3A_738, 128 : i32
      %dma_start3A_740 = arith.constant 0 : i32
      %dma_start3A_741 = arith.constant 0 : i32
      %dma_start3A_742 = arith.constant 0 : i32
      %dma_start3A_743 = arith.constant 0 : i32
      %dma_start3A_744 = tpu.memref_slice %arg6[%dma_start3A_740, %dma_start3A_741, %dma_start3A_742, %dma_start3A_743] : memref<4x4x32x128xf32, #tpu.memory_space<vmem>> -> memref<1x1x32x128xf32, #tpu.memory_space<vmem>>
      %dma_start3A_745 = tpu.memref_squeeze %dma_start3A_744 : memref<1x1x32x128xf32, #tpu.memory_space<vmem>> -> memref<32x128xf32, #tpu.memory_space<vmem>>
      %dma_start3A_746 = arith.constant 0 : i32
      %dma_start3A_747 = tpu.memref_slice %arg3[%dma_start3A_746, %multiple_of3A_739] : memref<32x1000000xf32, #tpu.memory_space<hbm>> -> memref<32x128xf32, #tpu.memory_space<hbm>>
      %dma_start3A_748 = arith.constant 0 : i32
      %dma_start3A_749 = arith.constant 0 : i32
      %dma_start3A_750 = tpu.memref_slice %arg6[%dma_start3A_740, %dma_start3A_741, %dma_start3A_748, %dma_start3A_749] : memref<4x4x32x128xf32, #tpu.memory_space<vmem>> -> memref<1x1x32x128xf32, #tpu.memory_space<vmem>>
      %dma_start3A_751 = tpu.memref_squeeze %dma_start3A_750 : memref<1x1x32x128xf32, #tpu.memory_space<vmem>> -> memref<32x128xf32, #tpu.memory_space<vmem>>
      %dma_start3A_752 = arith.constant 0 : i32
      %dma_start3A_753 = tpu.memref_slice %arg3[%dma_start3A_752, %multiple_of3A_739] : memref<32x1000000xf32, #tpu.memory_space<hbm>> -> memref<32x128xf32, #tpu.memory_space<hbm>>
      tpu.enqueue_dma source(%dma_start3A_753 : memref<32x128xf32, #tpu.memory_space<hbm>>) target(%dma_start3A_751 : memref<32x128xf32, #tpu.memory_space<vmem>>) target_semaphore(%arg8 : memref<!tpu.dma_semaphore, #tpu.memory_space<semaphore_mem>>)
      %slice3A_754 = vector.extract_strided_slice %min3A_476 {offsets = [1], sizes = [1], strides = [1]} : vector<16xi32> to vector<1xi32>
      %squeeze3A_755 = vector.extract %slice3A_754[0] : i32 from vector<1xi32>
      %shift_right_arithmetic3A_756 = arith.constant 7 : i32
      %shift_right_arithmetic3A_757 = arith.shrsi %squeeze3A_755, %shift_right_arithmetic3A_756 : i32
      %shift_left3A_758 = arith.constant 7 : i32
      %shift_left3A_759 = arith.shli %shift_right_arithmetic3A_757, %shift_left3A_758 : i32
      %multiple_of3A_760 = tpu.assume_multiple %shift_left3A_759, 128 : i32
      %dma_start3A_761 = arith.constant 0 : i32
      %dma_start3A_762 = arith.constant 1 : i32
      %dma_start3A_763 = arith.constant 0 : i32
      %dma_start3A_764 = arith.constant 0 : i32
      %dma_start3A_765 = tpu.memref_slice %arg6[%dma_start3A_761, %dma_start3A_762, %dma_start3A_763, %dma_start3A_764] : memref<4x4x32x128xf32, #tpu.memory_space<vmem>> -> memref<1x1x32x128xf32, #tpu.memory_space<vmem>>
      %dma_start3A_766 = tpu.memref_squeeze %dma_start3A_765 : memref<1x1x32x128xf32, #tpu.memory_space<vmem>> -> memref<32x128xf32, #tpu.memory_space<vmem>>
      %dma_start3A_767 = arith.constant 0 : i32
      %dma_start3A_768 = tpu.memref_slice %arg3[%dma_start3A_767, %multiple_of3A_760] : memref<32x1000000xf32, #tpu.memory_space<hbm>> -> memref<32x128xf32, #tpu.memory_space<hbm>>
      %dma_start3A_769 = arith.constant 0 : i32
      %dma_start3A_770 = arith.constant 0 : i32
      %dma_start3A_771 = tpu.memref_slice %arg6[%dma_start3A_761, %dma_start3A_762, %dma_start3A_769, %dma_start3A_770] : memref<4x4x32x128xf32, #tpu.memory_space<vmem>> -> memref<1x1x32x128xf32, #tpu.memory_space<vmem>>
      %dma_start3A_772 = tpu.memref_squeeze %dma_start3A_771 : memref<1x1x32x128xf32, #tpu.memory_space<vmem>> -> memref<32x128xf32, #tpu.memory_space<vmem>>
      %dma_start3A_773 = arith.constant 0 : i32
      %dma_start3A_774 = tpu.memref_slice %arg3[%dma_start3A_773, %multiple_of3A_760] : memref<32x1000000xf32, #tpu.memory_space<hbm>> -> memref<32x128xf32, #tpu.memory_space<hbm>>
      tpu.enqueue_dma source(%dma_start3A_774 : memref<32x128xf32, #tpu.memory_space<hbm>>) target(%dma_start3A_772 : memref<32x128xf32, #tpu.memory_space<vmem>>) target_semaphore(%arg8 : memref<!tpu.dma_semaphore, #tpu.memory_space<semaphore_mem>>)
      %slice3A_775 = vector.extract_strided_slice %min3A_476 {offsets = [2], sizes = [1], strides = [1]} : vector<16xi32> to vector<1xi32>
      %squeeze3A_776 = vector.extract %slice3A_775[0] : i32 from vector<1xi32>
      %shift_right_arithmetic3A_777 = arith.constant 7 : i32
      %shift_right_arithmetic3A_778 = arith.shrsi %squeeze3A_776, %shift_right_arithmetic3A_777 : i32
      %shift_left3A_779 = arith.constant 7 : i32
      %shift_left3A_780 = arith.shli %shift_right_arithmetic3A_778, %shift_left3A_779 : i32
      %multiple_of3A_781 = tpu.assume_multiple %shift_left3A_780, 128 : i32
      %dma_start3A_782 = arith.constant 0 : i32
      %dma_start3A_783 = arith.constant 2 : i32
      %dma_start3A_784 = arith.constant 0 : i32
      %dma_start3A_785 = arith.constant 0 : i32
      %dma_start3A_786 = tpu.memref_slice %arg6[%dma_start3A_782, %dma_start3A_783, %dma_start3A_784, %dma_start3A_785] : memref<4x4x32x128xf32, #tpu.memory_space<vmem>> -> memref<1x1x32x128xf32, #tpu.memory_space<vmem>>
      %dma_start3A_787 = tpu.memref_squeeze %dma_start3A_786 : memref<1x1x32x128xf32, #tpu.memory_space<vmem>> -> memref<32x128xf32, #tpu.memory_space<vmem>>
      %dma_start3A_788 = arith.constant 0 : i32
      %dma_start3A_789 = tpu.memref_slice %arg3[%dma_start3A_788, %multiple_of3A_781] : memref<32x1000000xf32, #tpu.memory_space<hbm>> -> memref<32x128xf32, #tpu.memory_space<hbm>>
      %dma_start3A_790 = arith.constant 0 : i32
      %dma_start3A_791 = arith.constant 0 : i32
      %dma_start3A_792 = tpu.memref_slice %arg6[%dma_start3A_782, %dma_start3A_783, %dma_start3A_790, %dma_start3A_791] : memref<4x4x32x128xf32, #tpu.memory_space<vmem>> -> memref<1x1x32x128xf32, #tpu.memory_space<vmem>>
      %dma_start3A_793 = tpu.memref_squeeze %dma_start3A_792 : memref<1x1x32x128xf32, #tpu.memory_space<vmem>> -> memref<32x128xf32, #tpu.memory_space<vmem>>
      %dma_start3A_794 = arith.constant 0 : i32
      %dma_start3A_795 = tpu.memref_slice %arg3[%dma_start3A_794, %multiple_of3A_781] : memref<32x1000000xf32, #tpu.memory_space<hbm>> -> memref<32x128xf32, #tpu.memory_space<hbm>>
      tpu.enqueue_dma source(%dma_start3A_795 : memref<32x128xf32, #tpu.memory_space<hbm>>) target(%dma_start3A_793 : memref<32x128xf32, #tpu.memory_space<vmem>>) target_semaphore(%arg8 : memref<!tpu.dma_semaphore, #tpu.memory_space<semaphore_mem>>)
      %slice3A_796 = vector.extract_strided_slice %min3A_476 {offsets = [3], sizes = [1], strides = [1]} : vector<16xi32> to vector<1xi32>
      %squeeze3A_797 = vector.extract %slice3A_796[0] : i32 from vector<1xi32>
      %shift_right_arithmetic3A_798 = arith.constant 7 : i32
      %shift_right_arithmetic3A_799 = arith.shrsi %squeeze3A_797, %shift_right_arithmetic3A_798 : i32
      %shift_left3A_800 = arith.constant 7 : i32
      %shift_left3A_801 = arith.shli %shift_right_arithmetic3A_799, %shift_left3A_800 : i32
      %multiple_of3A_802 = tpu.assume_multiple %shift_left3A_801, 128 : i32
      %dma_start3A_803 = arith.constant 0 : i32
      %dma_start3A_804 = arith.constant 3 : i32
      %dma_start3A_805 = arith.constant 0 : i32
      %dma_start3A_806 = arith.constant 0 : i32
      %dma_start3A_807 = tpu.memref_slice %arg6[%dma_start3A_803, %dma_start3A_804, %dma_start3A_805, %dma_start3A_806] : memref<4x4x32x128xf32, #tpu.memory_space<vmem>> -> memref<1x1x32x128xf32, #tpu.memory_space<vmem>>
      %dma_start3A_808 = tpu.memref_squeeze %dma_start3A_807 : memref<1x1x32x128xf32, #tpu.memory_space<vmem>> -> memref<32x128xf32, #tpu.memory_space<vmem>>
      %dma_start3A_809 = arith.constant 0 : i32
      %dma_start3A_810 = tpu.memref_slice %arg3[%dma_start3A_809, %multiple_of3A_802] : memref<32x1000000xf32, #tpu.memory_space<hbm>> -> memref<32x128xf32, #tpu.memory_space<hbm>>
      %dma_start3A_811 = arith.constant 0 : i32
      %dma_start3A_812 = arith.constant 0 : i32
      %dma_start3A_813 = tpu.memref_slice %arg6[%dma_start3A_803, %dma_start3A_804, %dma_start3A_811, %dma_start3A_812] : memref<4x4x32x128xf32, #tpu.memory_space<vmem>> -> memref<1x1x32x128xf32, #tpu.memory_space<vmem>>
      %dma_start3A_814 = tpu.memref_squeeze %dma_start3A_813 : memref<1x1x32x128xf32, #tpu.memory_space<vmem>> -> memref<32x128xf32, #tpu.memory_space<vmem>>
      %dma_start3A_815 = arith.constant 0 : i32
      %dma_start3A_816 = tpu.memref_slice %arg3[%dma_start3A_815, %multiple_of3A_802] : memref<32x1000000xf32, #tpu.memory_space<hbm>> -> memref<32x128xf32, #tpu.memory_space<hbm>>
      tpu.enqueue_dma source(%dma_start3A_816 : memref<32x128xf32, #tpu.memory_space<hbm>>) target(%dma_start3A_814 : memref<32x128xf32, #tpu.memory_space<vmem>>) target_semaphore(%arg8 : memref<!tpu.dma_semaphore, #tpu.memory_space<semaphore_mem>>)
      %dma_wait3A_817 = arith.constant 1 : i32
      %dma_wait3A_818 = arith.constant 0 : i32
      %dma_wait3A_819 = arith.constant 0 : i32
      %dma_wait3A_820 = arith.constant 0 : i32
      %dma_wait3A_821 = tpu.memref_slice %arg6[%dma_wait3A_817, %dma_wait3A_818, %dma_wait3A_819, %dma_wait3A_820] : memref<4x4x32x128xf32, #tpu.memory_space<vmem>> -> memref<1x1x32x128xf32, #tpu.memory_space<vmem>>
      %dma_wait3A_822 = tpu.memref_squeeze %dma_wait3A_821 : memref<1x1x32x128xf32, #tpu.memory_space<vmem>> -> memref<32x128xf32, #tpu.memory_space<vmem>>
      %dma_wait3A_823 = arith.constant 0 : i32
      %dma_wait3A_824 = arith.constant 0 : i32
      %dma_wait3A_825 = tpu.memref_slice %arg3[%dma_wait3A_823, %dma_wait3A_824] : memref<32x1000000xf32, #tpu.memory_space<hbm>> -> memref<32x128xf32, #tpu.memory_space<hbm>>
      %dma_wait3A_826 = arith.constant 0 : i32
      %dma_wait3A_827 = arith.constant 0 : i32
      %dma_wait3A_828 = tpu.memref_slice %arg6[%dma_wait3A_817, %dma_wait3A_818, %dma_wait3A_826, %dma_wait3A_827] : memref<4x4x32x128xf32, #tpu.memory_space<vmem>> -> memref<1x1x32x128xf32, #tpu.memory_space<vmem>>
      %dma_wait3A_829 = tpu.memref_squeeze %dma_wait3A_828 : memref<1x1x32x128xf32, #tpu.memory_space<vmem>> -> memref<32x128xf32, #tpu.memory_space<vmem>>
      %dma_wait3A_830 = arith.constant 0 : i32
      %dma_wait3A_831 = arith.constant 0 : i32
      %dma_wait3A_832 = tpu.memref_slice %arg3[%dma_wait3A_830, %dma_wait3A_831] : memref<32x1000000xf32, #tpu.memory_space<hbm>> -> memref<32x128xf32, #tpu.memory_space<hbm>>
      tpu.wait_dma2 semaphore(%arg9 : memref<!tpu.dma_semaphore, #tpu.memory_space<semaphore_mem>>) src(%dma_wait3A_832 : memref<32x128xf32, #tpu.memory_space<hbm>>) dst(%dma_wait3A_829 : memref<32x128xf32, #tpu.memory_space<vmem>>)
      %dma_wait3A_833 = arith.constant 1 : i32
      %dma_wait3A_834 = arith.constant 1 : i32
      %dma_wait3A_835 = arith.constant 0 : i32
      %dma_wait3A_836 = arith.constant 0 : i32
      %dma_wait3A_837 = tpu.memref_slice %arg6[%dma_wait3A_833, %dma_wait3A_834, %dma_wait3A_835, %dma_wait3A_836] : memref<4x4x32x128xf32, #tpu.memory_space<vmem>> -> memref<1x1x32x128xf32, #tpu.memory_space<vmem>>
      %dma_wait3A_838 = tpu.memref_squeeze %dma_wait3A_837 : memref<1x1x32x128xf32, #tpu.memory_space<vmem>> -> memref<32x128xf32, #tpu.memory_space<vmem>>
      %dma_wait3A_839 = arith.constant 0 : i32
      %dma_wait3A_840 = arith.constant 0 : i32
      %dma_wait3A_841 = tpu.memref_slice %arg3[%dma_wait3A_839, %dma_wait3A_840] : memref<32x1000000xf32, #tpu.memory_space<hbm>> -> memref<32x128xf32, #tpu.memory_space<hbm>>
      %dma_wait3A_842 = arith.constant 0 : i32
      %dma_wait3A_843 = arith.constant 0 : i32
      %dma_wait3A_844 = tpu.memref_slice %arg6[%dma_wait3A_833, %dma_wait3A_834, %dma_wait3A_842, %dma_wait3A_843] : memref<4x4x32x128xf32, #tpu.memory_space<vmem>> -> memref<1x1x32x128xf32, #tpu.memory_space<vmem>>
      %dma_wait3A_845 = tpu.memref_squeeze %dma_wait3A_844 : memref<1x1x32x128xf32, #tpu.memory_space<vmem>> -> memref<32x128xf32, #tpu.memory_space<vmem>>
      %dma_wait3A_846 = arith.constant 0 : i32
      %dma_wait3A_847 = arith.constant 0 : i32
      %dma_wait3A_848 = tpu.memref_slice %arg3[%dma_wait3A_846, %dma_wait3A_847] : memref<32x1000000xf32, #tpu.memory_space<hbm>> -> memref<32x128xf32, #tpu.memory_space<hbm>>
      tpu.wait_dma2 semaphore(%arg9 : memref<!tpu.dma_semaphore, #tpu.memory_space<semaphore_mem>>) src(%dma_wait3A_848 : memref<32x128xf32, #tpu.memory_space<hbm>>) dst(%dma_wait3A_845 : memref<32x128xf32, #tpu.memory_space<vmem>>)
      %dma_wait3A_849 = arith.constant 1 : i32
      %dma_wait3A_850 = arith.constant 2 : i32
      %dma_wait3A_851 = arith.constant 0 : i32
      %dma_wait3A_852 = arith.constant 0 : i32
      %dma_wait3A_853 = tpu.memref_slice %arg6[%dma_wait3A_849, %dma_wait3A_850, %dma_wait3A_851, %dma_wait3A_852] : memref<4x4x32x128xf32, #tpu.memory_space<vmem>> -> memref<1x1x32x128xf32, #tpu.memory_space<vmem>>
      %dma_wait3A_854 = tpu.memref_squeeze %dma_wait3A_853 : memref<1x1x32x128xf32, #tpu.memory_space<vmem>> -> memref<32x128xf32, #tpu.memory_space<vmem>>
      %dma_wait3A_855 = arith.constant 0 : i32
      %dma_wait3A_856 = arith.constant 0 : i32
      %dma_wait3A_857 = tpu.memref_slice %arg3[%dma_wait3A_855, %dma_wait3A_856] : memref<32x1000000xf32, #tpu.memory_space<hbm>> -> memref<32x128xf32, #tpu.memory_space<hbm>>
      %dma_wait3A_858 = arith.constant 0 : i32
      %dma_wait3A_859 = arith.constant 0 : i32
      %dma_wait3A_860 = tpu.memref_slice %arg6[%dma_wait3A_849, %dma_wait3A_850, %dma_wait3A_858, %dma_wait3A_859] : memref<4x4x32x128xf32, #tpu.memory_space<vmem>> -> memref<1x1x32x128xf32, #tpu.memory_space<vmem>>
      %dma_wait3A_861 = tpu.memref_squeeze %dma_wait3A_860 : memref<1x1x32x128xf32, #tpu.memory_space<vmem>> -> memref<32x128xf32, #tpu.memory_space<vmem>>
      %dma_wait3A_862 = arith.constant 0 : i32
      %dma_wait3A_863 = arith.constant 0 : i32
      %dma_wait3A_864 = tpu.memref_slice %arg3[%dma_wait3A_862, %dma_wait3A_863] : memref<32x1000000xf32, #tpu.memory_space<hbm>> -> memref<32x128xf32, #tpu.memory_space<hbm>>
      tpu.wait_dma2 semaphore(%arg9 : memref<!tpu.dma_semaphore, #tpu.memory_space<semaphore_mem>>) src(%dma_wait3A_864 : memref<32x128xf32, #tpu.memory_space<hbm>>) dst(%dma_wait3A_861 : memref<32x128xf32, #tpu.memory_space<vmem>>)
      %dma_wait3A_865 = arith.constant 1 : i32
      %dma_wait3A_866 = arith.constant 3 : i32
      %dma_wait3A_867 = arith.constant 0 : i32
      %dma_wait3A_868 = arith.constant 0 : i32
      %dma_wait3A_869 = tpu.memref_slice %arg6[%dma_wait3A_865, %dma_wait3A_866, %dma_wait3A_867, %dma_wait3A_868] : memref<4x4x32x128xf32, #tpu.memory_space<vmem>> -> memref<1x1x32x128xf32, #tpu.memory_space<vmem>>
      %dma_wait3A_870 = tpu.memref_squeeze %dma_wait3A_869 : memref<1x1x32x128xf32, #tpu.memory_space<vmem>> -> memref<32x128xf32, #tpu.memory_space<vmem>>
      %dma_wait3A_871 = arith.constant 0 : i32
      %dma_wait3A_872 = arith.constant 0 : i32
      %dma_wait3A_873 = tpu.memref_slice %arg3[%dma_wait3A_871, %dma_wait3A_872] : memref<32x1000000xf32, #tpu.memory_space<hbm>> -> memref<32x128xf32, #tpu.memory_space<hbm>>
      %dma_wait3A_874 = arith.constant 0 : i32
      %dma_wait3A_875 = arith.constant 0 : i32
      %dma_wait3A_876 = tpu.memref_slice %arg6[%dma_wait3A_865, %dma_wait3A_866, %dma_wait3A_874, %dma_wait3A_875] : memref<4x4x32x128xf32, #tpu.memory_space<vmem>> -> memref<1x1x32x128xf32, #tpu.memory_space<vmem>>
      %dma_wait3A_877 = tpu.memref_squeeze %dma_wait3A_876 : memref<1x1x32x128xf32, #tpu.memory_space<vmem>> -> memref<32x128xf32, #tpu.memory_space<vmem>>
      %dma_wait3A_878 = arith.constant 0 : i32
      %dma_wait3A_879 = arith.constant 0 : i32
      %dma_wait3A_880 = tpu.memref_slice %arg3[%dma_wait3A_878, %dma_wait3A_879] : memref<32x1000000xf32, #tpu.memory_space<hbm>> -> memref<32x128xf32, #tpu.memory_space<hbm>>
      tpu.wait_dma2 semaphore(%arg9 : memref<!tpu.dma_semaphore, #tpu.memory_space<semaphore_mem>>) src(%dma_wait3A_880 : memref<32x128xf32, #tpu.memory_space<hbm>>) dst(%dma_wait3A_877 : memref<32x128xf32, #tpu.memory_space<vmem>>)
      %slice3A_881 = vector.extract_strided_slice %min3A_464 {offsets = [4], sizes = [1], strides = [1]} : vector<16xi32> to vector<1xi32>
      %squeeze3A_882 = vector.extract %slice3A_881[0] : i32 from vector<1xi32>
      %and3A_883 = arith.constant 127 : i32
      %and3A_884 = arith.andi %squeeze3A_882, %and3A_883 : i32
      %broadcast_in_dim3A_885 = arith.constant 1 : i32
      %broadcast_in_dim3A_886 = vector.broadcast %broadcast_in_dim3A_885 : i32 to vector<16xi32>
      %broadcast_in_dim3A_887 = arith.constant 0 : i32
      %broadcast_in_dim3A_888 = vector.broadcast %broadcast_in_dim3A_887 : i32 to vector<16xi32>
      %broadcast_in_dim3A_889 = arith.constant 0 : i32
      %broadcast_in_dim3A_890 = vector.broadcast %broadcast_in_dim3A_889 : i32 to vector<16xi32>
      %add3A_891 = vector.broadcast %and3A_884 : i32 to vector<16xi32>
      %add3A_892 = arith.addi %broadcast_in_dim3A_890, %add3A_891 : vector<16xi32>
      %gather3A_893 = tpu.vector_load_idx %arg6[%broadcast_in_dim3A_886, %broadcast_in_dim3A_888, %iota3A, %add3A_892] : memref<4x4x32x128xf32, #tpu.memory_space<vmem>>[vector<16xi32>, vector<16xi32>, vector<16xi32>, vector<16xi32>], vector<16xf32>,
      %gather3A_894 = tpu.vector_load_idx %arg6[%broadcast_in_dim3A_886, %broadcast_in_dim3A_888, %add3A_5, %add3A_892] : memref<4x4x32x128xf32, #tpu.memory_space<vmem>>[vector<16xi32>, vector<16xi32>, vector<16xi32>, vector<16xi32>], vector<16xf32>,
      %mul3A_895 = arith.constant 16 : i32
      %mul3A_896 = arith.muli %scan3A_454, %mul3A_895 : i32
      %add3A_897 = arith.constant 4 : i32
      %add3A_898 = arith.addi %mul3A_896, %add3A_897 : i32
      %add3A_899 = arith.constant 0 : i32
      %add3A_900 = arith.addi %add3A_898, %add3A_899 : i32
      %mul3A_901 = arith.constant 32 : i32
      %mul3A_902 = arith.muli %add3A_900, %mul3A_901 : i32
      %swap3A_903 = arith.index_cast %mul3A_902 : i32 to index
      %swap3A_904 = tpu.vector_load %arg7[%swap3A_903] {strides = array<i32>} : memref<16384xf32, #tpu.memory_space<vmem>>, vector<16xf32>,
      tpu.vector_store %arg7[%swap3A_903], %gather3A_893 {strides = array<i32>} : memref<16384xf32, #tpu.memory_space<vmem>>, vector<16xf32>,
      %add3A_905 = arith.constant 16 : i32
      %add3A_906 = arith.addi %mul3A_902, %add3A_905 : i32
      %swap3A_907 = arith.index_cast %add3A_906 : i32 to index
      %swap3A_908 = tpu.vector_load %arg7[%swap3A_907] {strides = array<i32>} : memref<16384xf32, #tpu.memory_space<vmem>>, vector<16xf32>,
      tpu.vector_store %arg7[%swap3A_907], %gather3A_894 {strides = array<i32>} : memref<16384xf32, #tpu.memory_space<vmem>>, vector<16xf32>,
      %slice3A_909 = vector.extract_strided_slice %min3A_464 {offsets = [5], sizes = [1], strides = [1]} : vector<16xi32> to vector<1xi32>
      %squeeze3A_910 = vector.extract %slice3A_909[0] : i32 from vector<1xi32>
      %and3A_911 = arith.constant 127 : i32
      %and3A_912 = arith.andi %squeeze3A_910, %and3A_911 : i32
      %broadcast_in_dim3A_913 = arith.constant 1 : i32
      %broadcast_in_dim3A_914 = vector.broadcast %broadcast_in_dim3A_913 : i32 to vector<16xi32>
      %broadcast_in_dim3A_915 = arith.constant 1 : i32
      %broadcast_in_dim3A_916 = vector.broadcast %broadcast_in_dim3A_915 : i32 to vector<16xi32>
      %broadcast_in_dim3A_917 = arith.constant 0 : i32
      %broadcast_in_dim3A_918 = vector.broadcast %broadcast_in_dim3A_917 : i32 to vector<16xi32>
      %add3A_919 = vector.broadcast %and3A_912 : i32 to vector<16xi32>
      %add3A_920 = arith.addi %broadcast_in_dim3A_918, %add3A_919 : vector<16xi32>
      %gather3A_921 = tpu.vector_load_idx %arg6[%broadcast_in_dim3A_914, %broadcast_in_dim3A_916, %iota3A, %add3A_920] : memref<4x4x32x128xf32, #tpu.memory_space<vmem>>[vector<16xi32>, vector<16xi32>, vector<16xi32>, vector<16xi32>], vector<16xf32>,
      %gather3A_922 = tpu.vector_load_idx %arg6[%broadcast_in_dim3A_914, %broadcast_in_dim3A_916, %add3A_5, %add3A_920] : memref<4x4x32x128xf32, #tpu.memory_space<vmem>>[vector<16xi32>, vector<16xi32>, vector<16xi32>, vector<16xi32>], vector<16xf32>,
      %mul3A_923 = arith.constant 16 : i32
      %mul3A_924 = arith.muli %scan3A_454, %mul3A_923 : i32
      %add3A_925 = arith.constant 4 : i32
      %add3A_926 = arith.addi %mul3A_924, %add3A_925 : i32
      %add3A_927 = arith.constant 1 : i32
      %add3A_928 = arith.addi %add3A_926, %add3A_927 : i32
      %mul3A_929 = arith.constant 32 : i32
      %mul3A_930 = arith.muli %add3A_928, %mul3A_929 : i32
      %swap3A_931 = arith.index_cast %mul3A_930 : i32 to index
      %swap3A_932 = tpu.vector_load %arg7[%swap3A_931] {strides = array<i32>} : memref<16384xf32, #tpu.memory_space<vmem>>, vector<16xf32>,
      tpu.vector_store %arg7[%swap3A_931], %gather3A_921 {strides = array<i32>} : memref<16384xf32, #tpu.memory_space<vmem>>, vector<16xf32>,
      %add3A_933 = arith.constant 16 : i32
      %add3A_934 = arith.addi %mul3A_930, %add3A_933 : i32
      %swap3A_935 = arith.index_cast %add3A_934 : i32 to index
      %swap3A_936 = tpu.vector_load %arg7[%swap3A_935] {strides = array<i32>} : memref<16384xf32, #tpu.memory_space<vmem>>, vector<16xf32>,
      tpu.vector_store %arg7[%swap3A_935], %gather3A_922 {strides = array<i32>} : memref<16384xf32, #tpu.memory_space<vmem>>, vector<16xf32>,
      %slice3A_937 = vector.extract_strided_slice %min3A_464 {offsets = [6], sizes = [1], strides = [1]} : vector<16xi32> to vector<1xi32>
      %squeeze3A_938 = vector.extract %slice3A_937[0] : i32 from vector<1xi32>
      %and3A_939 = arith.constant 127 : i32
      %and3A_940 = arith.andi %squeeze3A_938, %and3A_939 : i32
      %broadcast_in_dim3A_941 = arith.constant 1 : i32
      %broadcast_in_dim3A_942 = vector.broadcast %broadcast_in_dim3A_941 : i32 to vector<16xi32>
      %broadcast_in_dim3A_943 = arith.constant 2 : i32
      %broadcast_in_dim3A_944 = vector.broadcast %broadcast_in_dim3A_943 : i32 to vector<16xi32>
      %broadcast_in_dim3A_945 = arith.constant 0 : i32
      %broadcast_in_dim3A_946 = vector.broadcast %broadcast_in_dim3A_945 : i32 to vector<16xi32>
      %add3A_947 = vector.broadcast %and3A_940 : i32 to vector<16xi32>
      %add3A_948 = arith.addi %broadcast_in_dim3A_946, %add3A_947 : vector<16xi32>
      %gather3A_949 = tpu.vector_load_idx %arg6[%broadcast_in_dim3A_942, %broadcast_in_dim3A_944, %iota3A, %add3A_948] : memref<4x4x32x128xf32, #tpu.memory_space<vmem>>[vector<16xi32>, vector<16xi32>, vector<16xi32>, vector<16xi32>], vector<16xf32>,
      %gather3A_950 = tpu.vector_load_idx %arg6[%broadcast_in_dim3A_942, %broadcast_in_dim3A_944, %add3A_5, %add3A_948] : memref<4x4x32x128xf32, #tpu.memory_space<vmem>>[vector<16xi32>, vector<16xi32>, vector<16xi32>, vector<16xi32>], vector<16xf32>,
      %mul3A_951 = arith.constant 16 : i32
      %mul3A_952 = arith.muli %scan3A_454, %mul3A_951 : i32
      %add3A_953 = arith.constant 4 : i32
      %add3A_954 = arith.addi %mul3A_952, %add3A_953 : i32
      %add3A_955 = arith.constant 2 : i32
      %add3A_956 = arith.addi %add3A_954, %add3A_955 : i32
      %mul3A_957 = arith.constant 32 : i32
      %mul3A_958 = arith.muli %add3A_956, %mul3A_957 : i32
      %swap3A_959 = arith.index_cast %mul3A_958 : i32 to index
      %swap3A_960 = tpu.vector_load %arg7[%swap3A_959] {strides = array<i32>} : memref<16384xf32, #tpu.memory_space<vmem>>, vector<16xf32>,
      tpu.vector_store %arg7[%swap3A_959], %gather3A_949 {strides = array<i32>} : memref<16384xf32, #tpu.memory_space<vmem>>, vector<16xf32>,
      %add3A_961 = arith.constant 16 : i32
      %add3A_962 = arith.addi %mul3A_958, %add3A_961 : i32
      %swap3A_963 = arith.index_cast %add3A_962 : i32 to index
      %swap3A_964 = tpu.vector_load %arg7[%swap3A_963] {strides = array<i32>} : memref<16384xf32, #tpu.memory_space<vmem>>, vector<16xf32>,
      tpu.vector_store %arg7[%swap3A_963], %gather3A_950 {strides = array<i32>} : memref<16384xf32, #tpu.memory_space<vmem>>, vector<16xf32>,
      %slice3A_965 = vector.extract_strided_slice %min3A_464 {offsets = [7], sizes = [1], strides = [1]} : vector<16xi32> to vector<1xi32>
      %squeeze3A_966 = vector.extract %slice3A_965[0] : i32 from vector<1xi32>
      %and3A_967 = arith.constant 127 : i32
      %and3A_968 = arith.andi %squeeze3A_966, %and3A_967 : i32
      %broadcast_in_dim3A_969 = arith.constant 1 : i32
      %broadcast_in_dim3A_970 = vector.broadcast %broadcast_in_dim3A_969 : i32 to vector<16xi32>
      %broadcast_in_dim3A_971 = arith.constant 3 : i32
      %broadcast_in_dim3A_972 = vector.broadcast %broadcast_in_dim3A_971 : i32 to vector<16xi32>
      %broadcast_in_dim3A_973 = arith.constant 0 : i32
      %broadcast_in_dim3A_974 = vector.broadcast %broadcast_in_dim3A_973 : i32 to vector<16xi32>
      %add3A_975 = vector.broadcast %and3A_968 : i32 to vector<16xi32>
      %add3A_976 = arith.addi %broadcast_in_dim3A_974, %add3A_975 : vector<16xi32>
      %gather3A_977 = tpu.vector_load_idx %arg6[%broadcast_in_dim3A_970, %broadcast_in_dim3A_972, %iota3A, %add3A_976] : memref<4x4x32x128xf32, #tpu.memory_space<vmem>>[vector<16xi32>, vector<16xi32>, vector<16xi32>, vector<16xi32>], vector<16xf32>,
      %gather3A_978 = tpu.vector_load_idx %arg6[%broadcast_in_dim3A_970, %broadcast_in_dim3A_972, %add3A_5, %add3A_976] : memref<4x4x32x128xf32, #tpu.memory_space<vmem>>[vector<16xi32>, vector<16xi32>, vector<16xi32>, vector<16xi32>], vector<16xf32>,
      %mul3A_979 = arith.constant 16 : i32
      %mul3A_980 = arith.muli %scan3A_454, %mul3A_979 : i32
      %add3A_981 = arith.constant 4 : i32
      %add3A_982 = arith.addi %mul3A_980, %add3A_981 : i32
      %add3A_983 = arith.constant 3 : i32
      %add3A_984 = arith.addi %add3A_982, %add3A_983 : i32
      %mul3A_985 = arith.constant 32 : i32
      %mul3A_986 = arith.muli %add3A_984, %mul3A_985 : i32
      %swap3A_987 = arith.index_cast %mul3A_986 : i32 to index
      %swap3A_988 = tpu.vector_load %arg7[%swap3A_987] {strides = array<i32>} : memref<16384xf32, #tpu.memory_space<vmem>>, vector<16xf32>,
      tpu.vector_store %arg7[%swap3A_987], %gather3A_977 {strides = array<i32>} : memref<16384xf32, #tpu.memory_space<vmem>>, vector<16xf32>,
      %add3A_989 = arith.constant 16 : i32
      %add3A_990 = arith.addi %mul3A_986, %add3A_989 : i32
      %swap3A_991 = arith.index_cast %add3A_990 : i32 to index
      %swap3A_992 = tpu.vector_load %arg7[%swap3A_991] {strides = array<i32>} : memref<16384xf32, #tpu.memory_space<vmem>>, vector<16xf32>,
      tpu.vector_store %arg7[%swap3A_991], %gather3A_978 {strides = array<i32>} : memref<16384xf32, #tpu.memory_space<vmem>>, vector<16xf32>,
      %slice3A_993 = vector.extract_strided_slice %min3A_476 {offsets = [4], sizes = [1], strides = [1]} : vector<16xi32> to vector<1xi32>
      %squeeze3A_994 = vector.extract %slice3A_993[0] : i32 from vector<1xi32>
      %shift_right_arithmetic3A_995 = arith.constant 7 : i32
      %shift_right_arithmetic3A_996 = arith.shrsi %squeeze3A_994, %shift_right_arithmetic3A_995 : i32
      %shift_left3A_997 = arith.constant 7 : i32
      %shift_left3A_998 = arith.shli %shift_right_arithmetic3A_996, %shift_left3A_997 : i32
      %multiple_of3A_999 = tpu.assume_multiple %shift_left3A_998, 128 : i32
      %dma_start3A_1000 = arith.constant 1 : i32
      %dma_start3A_1001 = arith.constant 0 : i32
      %dma_start3A_1002 = arith.constant 0 : i32
      %dma_start3A_1003 = arith.constant 0 : i32
      %dma_start3A_1004 = tpu.memref_slice %arg6[%dma_start3A_1000, %dma_start3A_1001, %dma_start3A_1002, %dma_start3A_1003] : memref<4x4x32x128xf32, #tpu.memory_space<vmem>> -> memref<1x1x32x128xf32, #tpu.memory_space<vmem>>
      %dma_start3A_1005 = tpu.memref_squeeze %dma_start3A_1004 : memref<1x1x32x128xf32, #tpu.memory_space<vmem>> -> memref<32x128xf32, #tpu.memory_space<vmem>>
      %dma_start3A_1006 = arith.constant 0 : i32
      %dma_start3A_1007 = tpu.memref_slice %arg3[%dma_start3A_1006, %multiple_of3A_999] : memref<32x1000000xf32, #tpu.memory_space<hbm>> -> memref<32x128xf32, #tpu.memory_space<hbm>>
      %dma_start3A_1008 = arith.constant 0 : i32
      %dma_start3A_1009 = arith.constant 0 : i32
      %dma_start3A_1010 = tpu.memref_slice %arg6[%dma_start3A_1000, %dma_start3A_1001, %dma_start3A_1008, %dma_start3A_1009] : memref<4x4x32x128xf32, #tpu.memory_space<vmem>> -> memref<1x1x32x128xf32, #tpu.memory_space<vmem>>
      %dma_start3A_1011 = tpu.memref_squeeze %dma_start3A_1010 : memref<1x1x32x128xf32, #tpu.memory_space<vmem>> -> memref<32x128xf32, #tpu.memory_space<vmem>>
      %dma_start3A_1012 = arith.constant 0 : i32
      %dma_start3A_1013 = tpu.memref_slice %arg3[%dma_start3A_1012, %multiple_of3A_999] : memref<32x1000000xf32, #tpu.memory_space<hbm>> -> memref<32x128xf32, #tpu.memory_space<hbm>>
      tpu.enqueue_dma source(%dma_start3A_1013 : memref<32x128xf32, #tpu.memory_space<hbm>>) target(%dma_start3A_1011 : memref<32x128xf32, #tpu.memory_space<vmem>>) target_semaphore(%arg9 : memref<!tpu.dma_semaphore, #tpu.memory_space<semaphore_mem>>)
      %slice3A_1014 = vector.extract_strided_slice %min3A_476 {offsets = [5], sizes = [1], strides = [1]} : vector<16xi32> to vector<1xi32>
      %squeeze3A_1015 = vector.extract %slice3A_1014[0] : i32 from vector<1xi32>
      %shift_right_arithmetic3A_1016 = arith.constant 7 : i32
      %shift_right_arithmetic3A_1017 = arith.shrsi %squeeze3A_1015, %shift_right_arithmetic3A_1016 : i32
      %shift_left3A_1018 = arith.constant 7 : i32
      %shift_left3A_1019 = arith.shli %shift_right_arithmetic3A_1017, %shift_left3A_1018 : i32
      %multiple_of3A_1020 = tpu.assume_multiple %shift_left3A_1019, 128 : i32
      %dma_start3A_1021 = arith.constant 1 : i32
      %dma_start3A_1022 = arith.constant 1 : i32
      %dma_start3A_1023 = arith.constant 0 : i32
      %dma_start3A_1024 = arith.constant 0 : i32
      %dma_start3A_1025 = tpu.memref_slice %arg6[%dma_start3A_1021, %dma_start3A_1022, %dma_start3A_1023, %dma_start3A_1024] : memref<4x4x32x128xf32, #tpu.memory_space<vmem>> -> memref<1x1x32x128xf32, #tpu.memory_space<vmem>>
      %dma_start3A_1026 = tpu.memref_squeeze %dma_start3A_1025 : memref<1x1x32x128xf32, #tpu.memory_space<vmem>> -> memref<32x128xf32, #tpu.memory_space<vmem>>
      %dma_start3A_1027 = arith.constant 0 : i32
      %dma_start3A_1028 = tpu.memref_slice %arg3[%dma_start3A_1027, %multiple_of3A_1020] : memref<32x1000000xf32, #tpu.memory_space<hbm>> -> memref<32x128xf32, #tpu.memory_space<hbm>>
      %dma_start3A_1029 = arith.constant 0 : i32
      %dma_start3A_1030 = arith.constant 0 : i32
      %dma_start3A_1031 = tpu.memref_slice %arg6[%dma_start3A_1021, %dma_start3A_1022, %dma_start3A_1029, %dma_start3A_1030] : memref<4x4x32x128xf32, #tpu.memory_space<vmem>> -> memref<1x1x32x128xf32, #tpu.memory_space<vmem>>
      %dma_start3A_1032 = tpu.memref_squeeze %dma_start3A_1031 : memref<1x1x32x128xf32, #tpu.memory_space<vmem>> -> memref<32x128xf32, #tpu.memory_space<vmem>>
      %dma_start3A_1033 = arith.constant 0 : i32
      %dma_start3A_1034 = tpu.memref_slice %arg3[%dma_start3A_1033, %multiple_of3A_1020] : memref<32x1000000xf32, #tpu.memory_space<hbm>> -> memref<32x128xf32, #tpu.memory_space<hbm>>
      tpu.enqueue_dma source(%dma_start3A_1034 : memref<32x128xf32, #tpu.memory_space<hbm>>) target(%dma_start3A_1032 : memref<32x128xf32, #tpu.memory_space<vmem>>) target_semaphore(%arg9 : memref<!tpu.dma_semaphore, #tpu.memory_space<semaphore_mem>>)
      %slice3A_1035 = vector.extract_strided_slice %min3A_476 {offsets = [6], sizes = [1], strides = [1]} : vector<16xi32> to vector<1xi32>
      %squeeze3A_1036 = vector.extract %slice3A_1035[0] : i32 from vector<1xi32>
      %shift_right_arithmetic3A_1037 = arith.constant 7 : i32
      %shift_right_arithmetic3A_1038 = arith.shrsi %squeeze3A_1036, %shift_right_arithmetic3A_1037 : i32
      %shift_left3A_1039 = arith.constant 7 : i32
      %shift_left3A_1040 = arith.shli %shift_right_arithmetic3A_1038, %shift_left3A_1039 : i32
      %multiple_of3A_1041 = tpu.assume_multiple %shift_left3A_1040, 128 : i32
      %dma_start3A_1042 = arith.constant 1 : i32
      %dma_start3A_1043 = arith.constant 2 : i32
      %dma_start3A_1044 = arith.constant 0 : i32
      %dma_start3A_1045 = arith.constant 0 : i32
      %dma_start3A_1046 = tpu.memref_slice %arg6[%dma_start3A_1042, %dma_start3A_1043, %dma_start3A_1044, %dma_start3A_1045] : memref<4x4x32x128xf32, #tpu.memory_space<vmem>> -> memref<1x1x32x128xf32, #tpu.memory_space<vmem>>
      %dma_start3A_1047 = tpu.memref_squeeze %dma_start3A_1046 : memref<1x1x32x128xf32, #tpu.memory_space<vmem>> -> memref<32x128xf32, #tpu.memory_space<vmem>>
      %dma_start3A_1048 = arith.constant 0 : i32
      %dma_start3A_1049 = tpu.memref_slice %arg3[%dma_start3A_1048, %multiple_of3A_1041] : memref<32x1000000xf32, #tpu.memory_space<hbm>> -> memref<32x128xf32, #tpu.memory_space<hbm>>
      %dma_start3A_1050 = arith.constant 0 : i32
      %dma_start3A_1051 = arith.constant 0 : i32
      %dma_start3A_1052 = tpu.memref_slice %arg6[%dma_start3A_1042, %dma_start3A_1043, %dma_start3A_1050, %dma_start3A_1051] : memref<4x4x32x128xf32, #tpu.memory_space<vmem>> -> memref<1x1x32x128xf32, #tpu.memory_space<vmem>>
      %dma_start3A_1053 = tpu.memref_squeeze %dma_start3A_1052 : memref<1x1x32x128xf32, #tpu.memory_space<vmem>> -> memref<32x128xf32, #tpu.memory_space<vmem>>
      %dma_start3A_1054 = arith.constant 0 : i32
      %dma_start3A_1055 = tpu.memref_slice %arg3[%dma_start3A_1054, %multiple_of3A_1041] : memref<32x1000000xf32, #tpu.memory_space<hbm>> -> memref<32x128xf32, #tpu.memory_space<hbm>>
      tpu.enqueue_dma source(%dma_start3A_1055 : memref<32x128xf32, #tpu.memory_space<hbm>>) target(%dma_start3A_1053 : memref<32x128xf32, #tpu.memory_space<vmem>>) target_semaphore(%arg9 : memref<!tpu.dma_semaphore, #tpu.memory_space<semaphore_mem>>)
      %slice3A_1056 = vector.extract_strided_slice %min3A_476 {offsets = [7], sizes = [1], strides = [1]} : vector<16xi32> to vector<1xi32>
      %squeeze3A_1057 = vector.extract %slice3A_1056[0] : i32 from vector<1xi32>
      %shift_right_arithmetic3A_1058 = arith.constant 7 : i32
      %shift_right_arithmetic3A_1059 = arith.shrsi %squeeze3A_1057, %shift_right_arithmetic3A_1058 : i32
      %shift_left3A_1060 = arith.constant 7 : i32
      %shift_left3A_1061 = arith.shli %shift_right_arithmetic3A_1059, %shift_left3A_1060 : i32
      %multiple_of3A_1062 = tpu.assume_multiple %shift_left3A_1061, 128 : i32
      %dma_start3A_1063 = arith.constant 1 : i32
      %dma_start3A_1064 = arith.constant 3 : i32
      %dma_start3A_1065 = arith.constant 0 : i32
      %dma_start3A_1066 = arith.constant 0 : i32
      %dma_start3A_1067 = tpu.memref_slice %arg6[%dma_start3A_1063, %dma_start3A_1064, %dma_start3A_1065, %dma_start3A_1066] : memref<4x4x32x128xf32, #tpu.memory_space<vmem>> -> memref<1x1x32x128xf32, #tpu.memory_space<vmem>>
      %dma_start3A_1068 = tpu.memref_squeeze %dma_start3A_1067 : memref<1x1x32x128xf32, #tpu.memory_space<vmem>> -> memref<32x128xf32, #tpu.memory_space<vmem>>
      %dma_start3A_1069 = arith.constant 0 : i32
      %dma_start3A_1070 = tpu.memref_slice %arg3[%dma_start3A_1069, %multiple_of3A_1062] : memref<32x1000000xf32, #tpu.memory_space<hbm>> -> memref<32x128xf32, #tpu.memory_space<hbm>>
      %dma_start3A_1071 = arith.constant 0 : i32
      %dma_start3A_1072 = arith.constant 0 : i32
      %dma_start3A_1073 = tpu.memref_slice %arg6[%dma_start3A_1063, %dma_start3A_1064, %dma_start3A_1071, %dma_start3A_1072] : memref<4x4x32x128xf32, #tpu.memory_space<vmem>> -> memref<1x1x32x128xf32, #tpu.memory_space<vmem>>
      %dma_start3A_1074 = tpu.memref_squeeze %dma_start3A_1073 : memref<1x1x32x128xf32, #tpu.memory_space<vmem>> -> memref<32x128xf32, #tpu.memory_space<vmem>>
      %dma_start3A_1075 = arith.constant 0 : i32
      %dma_start3A_1076 = tpu.memref_slice %arg3[%dma_start3A_1075, %multiple_of3A_1062] : memref<32x1000000xf32, #tpu.memory_space<hbm>> -> memref<32x128xf32, #tpu.memory_space<hbm>>
      tpu.enqueue_dma source(%dma_start3A_1076 : memref<32x128xf32, #tpu.memory_space<hbm>>) target(%dma_start3A_1074 : memref<32x128xf32, #tpu.memory_space<vmem>>) target_semaphore(%arg9 : memref<!tpu.dma_semaphore, #tpu.memory_space<semaphore_mem>>)
      %dma_wait3A_1077 = arith.constant 2 : i32
      %dma_wait3A_1078 = arith.constant 0 : i32
      %dma_wait3A_1079 = arith.constant 0 : i32
      %dma_wait3A_1080 = arith.constant 0 : i32
      %dma_wait3A_1081 = tpu.memref_slice %arg6[%dma_wait3A_1077, %dma_wait3A_1078, %dma_wait3A_1079, %dma_wait3A_1080] : memref<4x4x32x128xf32, #tpu.memory_space<vmem>> -> memref<1x1x32x128xf32, #tpu.memory_space<vmem>>
      %dma_wait3A_1082 = tpu.memref_squeeze %dma_wait3A_1081 : memref<1x1x32x128xf32, #tpu.memory_space<vmem>> -> memref<32x128xf32, #tpu.memory_space<vmem>>
      %dma_wait3A_1083 = arith.constant 0 : i32
      %dma_wait3A_1084 = arith.constant 0 : i32
      %dma_wait3A_1085 = tpu.memref_slice %arg3[%dma_wait3A_1083, %dma_wait3A_1084] : memref<32x1000000xf32, #tpu.memory_space<hbm>> -> memref<32x128xf32, #tpu.memory_space<hbm>>
      %dma_wait3A_1086 = arith.constant 0 : i32
      %dma_wait3A_1087 = arith.constant 0 : i32
      %dma_wait3A_1088 = tpu.memref_slice %arg6[%dma_wait3A_1077, %dma_wait3A_1078, %dma_wait3A_1086, %dma_wait3A_1087] : memref<4x4x32x128xf32, #tpu.memory_space<vmem>> -> memref<1x1x32x128xf32, #tpu.memory_space<vmem>>
      %dma_wait3A_1089 = tpu.memref_squeeze %dma_wait3A_1088 : memref<1x1x32x128xf32, #tpu.memory_space<vmem>> -> memref<32x128xf32, #tpu.memory_space<vmem>>
      %dma_wait3A_1090 = arith.constant 0 : i32
      %dma_wait3A_1091 = arith.constant 0 : i32
      %dma_wait3A_1092 = tpu.memref_slice %arg3[%dma_wait3A_1090, %dma_wait3A_1091] : memref<32x1000000xf32, #tpu.memory_space<hbm>> -> memref<32x128xf32, #tpu.memory_space<hbm>>
      tpu.wait_dma2 semaphore(%arg10 : memref<!tpu.dma_semaphore, #tpu.memory_space<semaphore_mem>>) src(%dma_wait3A_1092 : memref<32x128xf32, #tpu.memory_space<hbm>>) dst(%dma_wait3A_1089 : memref<32x128xf32, #tpu.memory_space<vmem>>)
      %dma_wait3A_1093 = arith.constant 2 : i32
      %dma_wait3A_1094 = arith.constant 1 : i32
      %dma_wait3A_1095 = arith.constant 0 : i32
      %dma_wait3A_1096 = arith.constant 0 : i32
      %dma_wait3A_1097 = tpu.memref_slice %arg6[%dma_wait3A_1093, %dma_wait3A_1094, %dma_wait3A_1095, %dma_wait3A_1096] : memref<4x4x32x128xf32, #tpu.memory_space<vmem>> -> memref<1x1x32x128xf32, #tpu.memory_space<vmem>>
      %dma_wait3A_1098 = tpu.memref_squeeze %dma_wait3A_1097 : memref<1x1x32x128xf32, #tpu.memory_space<vmem>> -> memref<32x128xf32, #tpu.memory_space<vmem>>
      %dma_wait3A_1099 = arith.constant 0 : i32
      %dma_wait3A_1100 = arith.constant 0 : i32
      %dma_wait3A_1101 = tpu.memref_slice %arg3[%dma_wait3A_1099, %dma_wait3A_1100] : memref<32x1000000xf32, #tpu.memory_space<hbm>> -> memref<32x128xf32, #tpu.memory_space<hbm>>
      %dma_wait3A_1102 = arith.constant 0 : i32
      %dma_wait3A_1103 = arith.constant 0 : i32
      %dma_wait3A_1104 = tpu.memref_slice %arg6[%dma_wait3A_1093, %dma_wait3A_1094, %dma_wait3A_1102, %dma_wait3A_1103] : memref<4x4x32x128xf32, #tpu.memory_space<vmem>> -> memref<1x1x32x128xf32, #tpu.memory_space<vmem>>
      %dma_wait3A_1105 = tpu.memref_squeeze %dma_wait3A_1104 : memref<1x1x32x128xf32, #tpu.memory_space<vmem>> -> memref<32x128xf32, #tpu.memory_space<vmem>>
      %dma_wait3A_1106 = arith.constant 0 : i32
      %dma_wait3A_1107 = arith.constant 0 : i32
      %dma_wait3A_1108 = tpu.memref_slice %arg3[%dma_wait3A_1106, %dma_wait3A_1107] : memref<32x1000000xf32, #tpu.memory_space<hbm>> -> memref<32x128xf32, #tpu.memory_space<hbm>>
      tpu.wait_dma2 semaphore(%arg10 : memref<!tpu.dma_semaphore, #tpu.memory_space<semaphore_mem>>) src(%dma_wait3A_1108 : memref<32x128xf32, #tpu.memory_space<hbm>>) dst(%dma_wait3A_1105 : memref<32x128xf32, #tpu.memory_space<vmem>>)
      %dma_wait3A_1109 = arith.constant 2 : i32
      %dma_wait3A_1110 = arith.constant 2 : i32
      %dma_wait3A_1111 = arith.constant 0 : i32
      %dma_wait3A_1112 = arith.constant 0 : i32
      %dma_wait3A_1113 = tpu.memref_slice %arg6[%dma_wait3A_1109, %dma_wait3A_1110, %dma_wait3A_1111, %dma_wait3A_1112] : memref<4x4x32x128xf32, #tpu.memory_space<vmem>> -> memref<1x1x32x128xf32, #tpu.memory_space<vmem>>
      %dma_wait3A_1114 = tpu.memref_squeeze %dma_wait3A_1113 : memref<1x1x32x128xf32, #tpu.memory_space<vmem>> -> memref<32x128xf32, #tpu.memory_space<vmem>>
      %dma_wait3A_1115 = arith.constant 0 : i32
      %dma_wait3A_1116 = arith.constant 0 : i32
      %dma_wait3A_1117 = tpu.memref_slice %arg3[%dma_wait3A_1115, %dma_wait3A_1116] : memref<32x1000000xf32, #tpu.memory_space<hbm>> -> memref<32x128xf32, #tpu.memory_space<hbm>>
      %dma_wait3A_1118 = arith.constant 0 : i32
      %dma_wait3A_1119 = arith.constant 0 : i32
      %dma_wait3A_1120 = tpu.memref_slice %arg6[%dma_wait3A_1109, %dma_wait3A_1110, %dma_wait3A_1118, %dma_wait3A_1119] : memref<4x4x32x128xf32, #tpu.memory_space<vmem>> -> memref<1x1x32x128xf32, #tpu.memory_space<vmem>>
      %dma_wait3A_1121 = tpu.memref_squeeze %dma_wait3A_1120 : memref<1x1x32x128xf32, #tpu.memory_space<vmem>> -> memref<32x128xf32, #tpu.memory_space<vmem>>
      %dma_wait3A_1122 = arith.constant 0 : i32
      %dma_wait3A_1123 = arith.constant 0 : i32
      %dma_wait3A_1124 = tpu.memref_slice %arg3[%dma_wait3A_1122, %dma_wait3A_1123] : memref<32x1000000xf32, #tpu.memory_space<hbm>> -> memref<32x128xf32, #tpu.memory_space<hbm>>
      tpu.wait_dma2 semaphore(%arg10 : memref<!tpu.dma_semaphore, #tpu.memory_space<semaphore_mem>>) src(%dma_wait3A_1124 : memref<32x128xf32, #tpu.memory_space<hbm>>) dst(%dma_wait3A_1121 : memref<32x128xf32, #tpu.memory_space<vmem>>)
      %dma_wait3A_1125 = arith.constant 2 : i32
      %dma_wait3A_1126 = arith.constant 3 : i32
      %dma_wait3A_1127 = arith.constant 0 : i32
      %dma_wait3A_1128 = arith.constant 0 : i32
      %dma_wait3A_1129 = tpu.memref_slice %arg6[%dma_wait3A_1125, %dma_wait3A_1126, %dma_wait3A_1127, %dma_wait3A_1128] : memref<4x4x32x128xf32, #tpu.memory_space<vmem>> -> memref<1x1x32x128xf32, #tpu.memory_space<vmem>>
      %dma_wait3A_1130 = tpu.memref_squeeze %dma_wait3A_1129 : memref<1x1x32x128xf32, #tpu.memory_space<vmem>> -> memref<32x128xf32, #tpu.memory_space<vmem>>
      %dma_wait3A_1131 = arith.constant 0 : i32
      %dma_wait3A_1132 = arith.constant 0 : i32
      %dma_wait3A_1133 = tpu.memref_slice %arg3[%dma_wait3A_1131, %dma_wait3A_1132] : memref<32x1000000xf32, #tpu.memory_space<hbm>> -> memref<32x128xf32, #tpu.memory_space<hbm>>
      %dma_wait3A_1134 = arith.constant 0 : i32
      %dma_wait3A_1135 = arith.constant 0 : i32
      %dma_wait3A_1136 = tpu.memref_slice %arg6[%dma_wait3A_1125, %dma_wait3A_1126, %dma_wait3A_1134, %dma_wait3A_1135] : memref<4x4x32x128xf32, #tpu.memory_space<vmem>> -> memref<1x1x32x128xf32, #tpu.memory_space<vmem>>
      %dma_wait3A_1137 = tpu.memref_squeeze %dma_wait3A_1136 : memref<1x1x32x128xf32, #tpu.memory_space<vmem>> -> memref<32x128xf32, #tpu.memory_space<vmem>>
      %dma_wait3A_1138 = arith.constant 0 : i32
      %dma_wait3A_1139 = arith.constant 0 : i32
      %dma_wait3A_1140 = tpu.memref_slice %arg3[%dma_wait3A_1138, %dma_wait3A_1139] : memref<32x1000000xf32, #tpu.memory_space<hbm>> -> memref<32x128xf32, #tpu.memory_space<hbm>>
      tpu.wait_dma2 semaphore(%arg10 : memref<!tpu.dma_semaphore, #tpu.memory_space<semaphore_mem>>) src(%dma_wait3A_1140 : memref<32x128xf32, #tpu.memory_space<hbm>>) dst(%dma_wait3A_1137 : memref<32x128xf32, #tpu.memory_space<vmem>>)
      %slice3A_1141 = vector.extract_strided_slice %min3A_464 {offsets = [8], sizes = [1], strides = [1]} : vector<16xi32> to vector<1xi32>
      %squeeze3A_1142 = vector.extract %slice3A_1141[0] : i32 from vector<1xi32>
      %and3A_1143 = arith.constant 127 : i32
      %and3A_1144 = arith.andi %squeeze3A_1142, %and3A_1143 : i32
      %broadcast_in_dim3A_1145 = arith.constant 2 : i32
      %broadcast_in_dim3A_1146 = vector.broadcast %broadcast_in_dim3A_1145 : i32 to vector<16xi32>
      %broadcast_in_dim3A_1147 = arith.constant 0 : i32
      %broadcast_in_dim3A_1148 = vector.broadcast %broadcast_in_dim3A_1147 : i32 to vector<16xi32>
      %broadcast_in_dim3A_1149 = arith.constant 0 : i32
      %broadcast_in_dim3A_1150 = vector.broadcast %broadcast_in_dim3A_1149 : i32 to vector<16xi32>
      %add3A_1151 = vector.broadcast %and3A_1144 : i32 to vector<16xi32>
      %add3A_1152 = arith.addi %broadcast_in_dim3A_1150, %add3A_1151 : vector<16xi32>
      %gather3A_1153 = tpu.vector_load_idx %arg6[%broadcast_in_dim3A_1146, %broadcast_in_dim3A_1148, %iota3A, %add3A_1152] : memref<4x4x32x128xf32, #tpu.memory_space<vmem>>[vector<16xi32>, vector<16xi32>, vector<16xi32>, vector<16xi32>], vector<16xf32>,
      %gather3A_1154 = tpu.vector_load_idx %arg6[%broadcast_in_dim3A_1146, %broadcast_in_dim3A_1148, %add3A_5, %add3A_1152] : memref<4x4x32x128xf32, #tpu.memory_space<vmem>>[vector<16xi32>, vector<16xi32>, vector<16xi32>, vector<16xi32>], vector<16xf32>,
      %mul3A_1155 = arith.constant 16 : i32
      %mul3A_1156 = arith.muli %scan3A_454, %mul3A_1155 : i32
      %add3A_1157 = arith.constant 8 : i32
      %add3A_1158 = arith.addi %mul3A_1156, %add3A_1157 : i32
      %add3A_1159 = arith.constant 0 : i32
      %add3A_1160 = arith.addi %add3A_1158, %add3A_1159 : i32
      %mul3A_1161 = arith.constant 32 : i32
      %mul3A_1162 = arith.muli %add3A_1160, %mul3A_1161 : i32
      %swap3A_1163 = arith.index_cast %mul3A_1162 : i32 to index
      %swap3A_1164 = tpu.vector_load %arg7[%swap3A_1163] {strides = array<i32>} : memref<16384xf32, #tpu.memory_space<vmem>>, vector<16xf32>,
      tpu.vector_store %arg7[%swap3A_1163], %gather3A_1153 {strides = array<i32>} : memref<16384xf32, #tpu.memory_space<vmem>>, vector<16xf32>,
      %add3A_1165 = arith.constant 16 : i32
      %add3A_1166 = arith.addi %mul3A_1162, %add3A_1165 : i32
      %swap3A_1167 = arith.index_cast %add3A_1166 : i32 to index
      %swap3A_1168 = tpu.vector_load %arg7[%swap3A_1167] {strides = array<i32>} : memref<16384xf32, #tpu.memory_space<vmem>>, vector<16xf32>,
      tpu.vector_store %arg7[%swap3A_1167], %gather3A_1154 {strides = array<i32>} : memref<16384xf32, #tpu.memory_space<vmem>>, vector<16xf32>,
      %slice3A_1169 = vector.extract_strided_slice %min3A_464 {offsets = [9], sizes = [1], strides = [1]} : vector<16xi32> to vector<1xi32>
      %squeeze3A_1170 = vector.extract %slice3A_1169[0] : i32 from vector<1xi32>
      %and3A_1171 = arith.constant 127 : i32
      %and3A_1172 = arith.andi %squeeze3A_1170, %and3A_1171 : i32
      %broadcast_in_dim3A_1173 = arith.constant 2 : i32
      %broadcast_in_dim3A_1174 = vector.broadcast %broadcast_in_dim3A_1173 : i32 to vector<16xi32>
      %broadcast_in_dim3A_1175 = arith.constant 1 : i32
      %broadcast_in_dim3A_1176 = vector.broadcast %broadcast_in_dim3A_1175 : i32 to vector<16xi32>
      %broadcast_in_dim3A_1177 = arith.constant 0 : i32
      %broadcast_in_dim3A_1178 = vector.broadcast %broadcast_in_dim3A_1177 : i32 to vector<16xi32>
      %add3A_1179 = vector.broadcast %and3A_1172 : i32 to vector<16xi32>
      %add3A_1180 = arith.addi %broadcast_in_dim3A_1178, %add3A_1179 : vector<16xi32>
      %gather3A_1181 = tpu.vector_load_idx %arg6[%broadcast_in_dim3A_1174, %broadcast_in_dim3A_1176, %iota3A, %add3A_1180] : memref<4x4x32x128xf32, #tpu.memory_space<vmem>>[vector<16xi32>, vector<16xi32>, vector<16xi32>, vector<16xi32>], vector<16xf32>,
      %gather3A_1182 = tpu.vector_load_idx %arg6[%broadcast_in_dim3A_1174, %broadcast_in_dim3A_1176, %add3A_5, %add3A_1180] : memref<4x4x32x128xf32, #tpu.memory_space<vmem>>[vector<16xi32>, vector<16xi32>, vector<16xi32>, vector<16xi32>], vector<16xf32>,
      %mul3A_1183 = arith.constant 16 : i32
      %mul3A_1184 = arith.muli %scan3A_454, %mul3A_1183 : i32
      %add3A_1185 = arith.constant 8 : i32
      %add3A_1186 = arith.addi %mul3A_1184, %add3A_1185 : i32
      %add3A_1187 = arith.constant 1 : i32
      %add3A_1188 = arith.addi %add3A_1186, %add3A_1187 : i32
      %mul3A_1189 = arith.constant 32 : i32
      %mul3A_1190 = arith.muli %add3A_1188, %mul3A_1189 : i32
      %swap3A_1191 = arith.index_cast %mul3A_1190 : i32 to index
      %swap3A_1192 = tpu.vector_load %arg7[%swap3A_1191] {strides = array<i32>} : memref<16384xf32, #tpu.memory_space<vmem>>, vector<16xf32>,
      tpu.vector_store %arg7[%swap3A_1191], %gather3A_1181 {strides = array<i32>} : memref<16384xf32, #tpu.memory_space<vmem>>, vector<16xf32>,
      %add3A_1193 = arith.constant 16 : i32
      %add3A_1194 = arith.addi %mul3A_1190, %add3A_1193 : i32
      %swap3A_1195 = arith.index_cast %add3A_1194 : i32 to index
      %swap3A_1196 = tpu.vector_load %arg7[%swap3A_1195] {strides = array<i32>} : memref<16384xf32, #tpu.memory_space<vmem>>, vector<16xf32>,
      tpu.vector_store %arg7[%swap3A_1195], %gather3A_1182 {strides = array<i32>} : memref<16384xf32, #tpu.memory_space<vmem>>, vector<16xf32>,
      %slice3A_1197 = vector.extract_strided_slice %min3A_464 {offsets = [10], sizes = [1], strides = [1]} : vector<16xi32> to vector<1xi32>
      %squeeze3A_1198 = vector.extract %slice3A_1197[0] : i32 from vector<1xi32>
      %and3A_1199 = arith.constant 127 : i32
      %and3A_1200 = arith.andi %squeeze3A_1198, %and3A_1199 : i32
      %broadcast_in_dim3A_1201 = arith.constant 2 : i32
      %broadcast_in_dim3A_1202 = vector.broadcast %broadcast_in_dim3A_1201 : i32 to vector<16xi32>
      %broadcast_in_dim3A_1203 = arith.constant 2 : i32
      %broadcast_in_dim3A_1204 = vector.broadcast %broadcast_in_dim3A_1203 : i32 to vector<16xi32>
      %broadcast_in_dim3A_1205 = arith.constant 0 : i32
      %broadcast_in_dim3A_1206 = vector.broadcast %broadcast_in_dim3A_1205 : i32 to vector<16xi32>
      %add3A_1207 = vector.broadcast %and3A_1200 : i32 to vector<16xi32>
      %add3A_1208 = arith.addi %broadcast_in_dim3A_1206, %add3A_1207 : vector<16xi32>
      %gather3A_1209 = tpu.vector_load_idx %arg6[%broadcast_in_dim3A_1202, %broadcast_in_dim3A_1204, %iota3A, %add3A_1208] : memref<4x4x32x128xf32, #tpu.memory_space<vmem>>[vector<16xi32>, vector<16xi32>, vector<16xi32>, vector<16xi32>], vector<16xf32>,
      %gather3A_1210 = tpu.vector_load_idx %arg6[%broadcast_in_dim3A_1202, %broadcast_in_dim3A_1204, %add3A_5, %add3A_1208] : memref<4x4x32x128xf32, #tpu.memory_space<vmem>>[vector<16xi32>, vector<16xi32>, vector<16xi32>, vector<16xi32>], vector<16xf32>,
      %mul3A_1211 = arith.constant 16 : i32
      %mul3A_1212 = arith.muli %scan3A_454, %mul3A_1211 : i32
      %add3A_1213 = arith.constant 8 : i32
      %add3A_1214 = arith.addi %mul3A_1212, %add3A_1213 : i32
      %add3A_1215 = arith.constant 2 : i32
      %add3A_1216 = arith.addi %add3A_1214, %add3A_1215 : i32
      %mul3A_1217 = arith.constant 32 : i32
      %mul3A_1218 = arith.muli %add3A_1216, %mul3A_1217 : i32
      %swap3A_1219 = arith.index_cast %mul3A_1218 : i32 to index
      %swap3A_1220 = tpu.vector_load %arg7[%swap3A_1219] {strides = array<i32>} : memref<16384xf32, #tpu.memory_space<vmem>>, vector<16xf32>,
      tpu.vector_store %arg7[%swap3A_1219], %gather3A_1209 {strides = array<i32>} : memref<16384xf32, #tpu.memory_space<vmem>>, vector<16xf32>,
      %add3A_1221 = arith.constant 16 : i32
      %add3A_1222 = arith.addi %mul3A_1218, %add3A_1221 : i32
      %swap3A_1223 = arith.index_cast %add3A_1222 : i32 to index
      %swap3A_1224 = tpu.vector_load %arg7[%swap3A_1223] {strides = array<i32>} : memref<16384xf32, #tpu.memory_space<vmem>>, vector<16xf32>,
      tpu.vector_store %arg7[%swap3A_1223], %gather3A_1210 {strides = array<i32>} : memref<16384xf32, #tpu.memory_space<vmem>>, vector<16xf32>,
      %slice3A_1225 = vector.extract_strided_slice %min3A_464 {offsets = [11], sizes = [1], strides = [1]} : vector<16xi32> to vector<1xi32>
      %squeeze3A_1226 = vector.extract %slice3A_1225[0] : i32 from vector<1xi32>
      %and3A_1227 = arith.constant 127 : i32
      %and3A_1228 = arith.andi %squeeze3A_1226, %and3A_1227 : i32
      %broadcast_in_dim3A_1229 = arith.constant 2 : i32
      %broadcast_in_dim3A_1230 = vector.broadcast %broadcast_in_dim3A_1229 : i32 to vector<16xi32>
      %broadcast_in_dim3A_1231 = arith.constant 3 : i32
      %broadcast_in_dim3A_1232 = vector.broadcast %broadcast_in_dim3A_1231 : i32 to vector<16xi32>
      %broadcast_in_dim3A_1233 = arith.constant 0 : i32
      %broadcast_in_dim3A_1234 = vector.broadcast %broadcast_in_dim3A_1233 : i32 to vector<16xi32>
      %add3A_1235 = vector.broadcast %and3A_1228 : i32 to vector<16xi32>
      %add3A_1236 = arith.addi %broadcast_in_dim3A_1234, %add3A_1235 : vector<16xi32>
      %gather3A_1237 = tpu.vector_load_idx %arg6[%broadcast_in_dim3A_1230, %broadcast_in_dim3A_1232, %iota3A, %add3A_1236] : memref<4x4x32x128xf32, #tpu.memory_space<vmem>>[vector<16xi32>, vector<16xi32>, vector<16xi32>, vector<16xi32>], vector<16xf32>,
      %gather3A_1238 = tpu.vector_load_idx %arg6[%broadcast_in_dim3A_1230, %broadcast_in_dim3A_1232, %add3A_5, %add3A_1236] : memref<4x4x32x128xf32, #tpu.memory_space<vmem>>[vector<16xi32>, vector<16xi32>, vector<16xi32>, vector<16xi32>], vector<16xf32>,
      %mul3A_1239 = arith.constant 16 : i32
      %mul3A_1240 = arith.muli %scan3A_454, %mul3A_1239 : i32
      %add3A_1241 = arith.constant 8 : i32
      %add3A_1242 = arith.addi %mul3A_1240, %add3A_1241 : i32
      %add3A_1243 = arith.constant 3 : i32
      %add3A_1244 = arith.addi %add3A_1242, %add3A_1243 : i32
      %mul3A_1245 = arith.constant 32 : i32
      %mul3A_1246 = arith.muli %add3A_1244, %mul3A_1245 : i32
      %swap3A_1247 = arith.index_cast %mul3A_1246 : i32 to index
      %swap3A_1248 = tpu.vector_load %arg7[%swap3A_1247] {strides = array<i32>} : memref<16384xf32, #tpu.memory_space<vmem>>, vector<16xf32>,
      tpu.vector_store %arg7[%swap3A_1247], %gather3A_1237 {strides = array<i32>} : memref<16384xf32, #tpu.memory_space<vmem>>, vector<16xf32>,
      %add3A_1249 = arith.constant 16 : i32
      %add3A_1250 = arith.addi %mul3A_1246, %add3A_1249 : i32
      %swap3A_1251 = arith.index_cast %add3A_1250 : i32 to index
      %swap3A_1252 = tpu.vector_load %arg7[%swap3A_1251] {strides = array<i32>} : memref<16384xf32, #tpu.memory_space<vmem>>, vector<16xf32>,
      tpu.vector_store %arg7[%swap3A_1251], %gather3A_1238 {strides = array<i32>} : memref<16384xf32, #tpu.memory_space<vmem>>, vector<16xf32>,
      %slice3A_1253 = vector.extract_strided_slice %min3A_476 {offsets = [8], sizes = [1], strides = [1]} : vector<16xi32> to vector<1xi32>
      %squeeze3A_1254 = vector.extract %slice3A_1253[0] : i32 from vector<1xi32>
      %shift_right_arithmetic3A_1255 = arith.constant 7 : i32
      %shift_right_arithmetic3A_1256 = arith.shrsi %squeeze3A_1254, %shift_right_arithmetic3A_1255 : i32
      %shift_left3A_1257 = arith.constant 7 : i32
      %shift_left3A_1258 = arith.shli %shift_right_arithmetic3A_1256, %shift_left3A_1257 : i32
      %multiple_of3A_1259 = tpu.assume_multiple %shift_left3A_1258, 128 : i32
      %dma_start3A_1260 = arith.constant 2 : i32
      %dma_start3A_1261 = arith.constant 0 : i32
      %dma_start3A_1262 = arith.constant 0 : i32
      %dma_start3A_1263 = arith.constant 0 : i32
      %dma_start3A_1264 = tpu.memref_slice %arg6[%dma_start3A_1260, %dma_start3A_1261, %dma_start3A_1262, %dma_start3A_1263] : memref<4x4x32x128xf32, #tpu.memory_space<vmem>> -> memref<1x1x32x128xf32, #tpu.memory_space<vmem>>
      %dma_start3A_1265 = tpu.memref_squeeze %dma_start3A_1264 : memref<1x1x32x128xf32, #tpu.memory_space<vmem>> -> memref<32x128xf32, #tpu.memory_space<vmem>>
      %dma_start3A_1266 = arith.constant 0 : i32
      %dma_start3A_1267 = tpu.memref_slice %arg3[%dma_start3A_1266, %multiple_of3A_1259] : memref<32x1000000xf32, #tpu.memory_space<hbm>> -> memref<32x128xf32, #tpu.memory_space<hbm>>
      %dma_start3A_1268 = arith.constant 0 : i32
      %dma_start3A_1269 = arith.constant 0 : i32
      %dma_start3A_1270 = tpu.memref_slice %arg6[%dma_start3A_1260, %dma_start3A_1261, %dma_start3A_1268, %dma_start3A_1269] : memref<4x4x32x128xf32, #tpu.memory_space<vmem>> -> memref<1x1x32x128xf32, #tpu.memory_space<vmem>>
      %dma_start3A_1271 = tpu.memref_squeeze %dma_start3A_1270 : memref<1x1x32x128xf32, #tpu.memory_space<vmem>> -> memref<32x128xf32, #tpu.memory_space<vmem>>
      %dma_start3A_1272 = arith.constant 0 : i32
      %dma_start3A_1273 = tpu.memref_slice %arg3[%dma_start3A_1272, %multiple_of3A_1259] : memref<32x1000000xf32, #tpu.memory_space<hbm>> -> memref<32x128xf32, #tpu.memory_space<hbm>>
      tpu.enqueue_dma source(%dma_start3A_1273 : memref<32x128xf32, #tpu.memory_space<hbm>>) target(%dma_start3A_1271 : memref<32x128xf32, #tpu.memory_space<vmem>>) target_semaphore(%arg10 : memref<!tpu.dma_semaphore, #tpu.memory_space<semaphore_mem>>)
      %slice3A_1274 = vector.extract_strided_slice %min3A_476 {offsets = [9], sizes = [1], strides = [1]} : vector<16xi32> to vector<1xi32>
      %squeeze3A_1275 = vector.extract %slice3A_1274[0] : i32 from vector<1xi32>
      %shift_right_arithmetic3A_1276 = arith.constant 7 : i32
      %shift_right_arithmetic3A_1277 = arith.shrsi %squeeze3A_1275, %shift_right_arithmetic3A_1276 : i32
      %shift_left3A_1278 = arith.constant 7 : i32
      %shift_left3A_1279 = arith.shli %shift_right_arithmetic3A_1277, %shift_left3A_1278 : i32
      %multiple_of3A_1280 = tpu.assume_multiple %shift_left3A_1279, 128 : i32
      %dma_start3A_1281 = arith.constant 2 : i32
      %dma_start3A_1282 = arith.constant 1 : i32
      %dma_start3A_1283 = arith.constant 0 : i32
      %dma_start3A_1284 = arith.constant 0 : i32
      %dma_start3A_1285 = tpu.memref_slice %arg6[%dma_start3A_1281, %dma_start3A_1282, %dma_start3A_1283, %dma_start3A_1284] : memref<4x4x32x128xf32, #tpu.memory_space<vmem>> -> memref<1x1x32x128xf32, #tpu.memory_space<vmem>>
      %dma_start3A_1286 = tpu.memref_squeeze %dma_start3A_1285 : memref<1x1x32x128xf32, #tpu.memory_space<vmem>> -> memref<32x128xf32, #tpu.memory_space<vmem>>
      %dma_start3A_1287 = arith.constant 0 : i32
      %dma_start3A_1288 = tpu.memref_slice %arg3[%dma_start3A_1287, %multiple_of3A_1280] : memref<32x1000000xf32, #tpu.memory_space<hbm>> -> memref<32x128xf32, #tpu.memory_space<hbm>>
      %dma_start3A_1289 = arith.constant 0 : i32
      %dma_start3A_1290 = arith.constant 0 : i32
      %dma_start3A_1291 = tpu.memref_slice %arg6[%dma_start3A_1281, %dma_start3A_1282, %dma_start3A_1289, %dma_start3A_1290] : memref<4x4x32x128xf32, #tpu.memory_space<vmem>> -> memref<1x1x32x128xf32, #tpu.memory_space<vmem>>
      %dma_start3A_1292 = tpu.memref_squeeze %dma_start3A_1291 : memref<1x1x32x128xf32, #tpu.memory_space<vmem>> -> memref<32x128xf32, #tpu.memory_space<vmem>>
      %dma_start3A_1293 = arith.constant 0 : i32
      %dma_start3A_1294 = tpu.memref_slice %arg3[%dma_start3A_1293, %multiple_of3A_1280] : memref<32x1000000xf32, #tpu.memory_space<hbm>> -> memref<32x128xf32, #tpu.memory_space<hbm>>
      tpu.enqueue_dma source(%dma_start3A_1294 : memref<32x128xf32, #tpu.memory_space<hbm>>) target(%dma_start3A_1292 : memref<32x128xf32, #tpu.memory_space<vmem>>) target_semaphore(%arg10 : memref<!tpu.dma_semaphore, #tpu.memory_space<semaphore_mem>>)
      %slice3A_1295 = vector.extract_strided_slice %min3A_476 {offsets = [10], sizes = [1], strides = [1]} : vector<16xi32> to vector<1xi32>
      %squeeze3A_1296 = vector.extract %slice3A_1295[0] : i32 from vector<1xi32>
      %shift_right_arithmetic3A_1297 = arith.constant 7 : i32
      %shift_right_arithmetic3A_1298 = arith.shrsi %squeeze3A_1296, %shift_right_arithmetic3A_1297 : i32
      %shift_left3A_1299 = arith.constant 7 : i32
      %shift_left3A_1300 = arith.shli %shift_right_arithmetic3A_1298, %shift_left3A_1299 : i32
      %multiple_of3A_1301 = tpu.assume_multiple %shift_left3A_1300, 128 : i32
      %dma_start3A_1302 = arith.constant 2 : i32
      %dma_start3A_1303 = arith.constant 2 : i32
      %dma_start3A_1304 = arith.constant 0 : i32
      %dma_start3A_1305 = arith.constant 0 : i32
      %dma_start3A_1306 = tpu.memref_slice %arg6[%dma_start3A_1302, %dma_start3A_1303, %dma_start3A_1304, %dma_start3A_1305] : memref<4x4x32x128xf32, #tpu.memory_space<vmem>> -> memref<1x1x32x128xf32, #tpu.memory_space<vmem>>
      %dma_start3A_1307 = tpu.memref_squeeze %dma_start3A_1306 : memref<1x1x32x128xf32, #tpu.memory_space<vmem>> -> memref<32x128xf32, #tpu.memory_space<vmem>>
      %dma_start3A_1308 = arith.constant 0 : i32
      %dma_start3A_1309 = tpu.memref_slice %arg3[%dma_start3A_1308, %multiple_of3A_1301] : memref<32x1000000xf32, #tpu.memory_space<hbm>> -> memref<32x128xf32, #tpu.memory_space<hbm>>
      %dma_start3A_1310 = arith.constant 0 : i32
      %dma_start3A_1311 = arith.constant 0 : i32
      %dma_start3A_1312 = tpu.memref_slice %arg6[%dma_start3A_1302, %dma_start3A_1303, %dma_start3A_1310, %dma_start3A_1311] : memref<4x4x32x128xf32, #tpu.memory_space<vmem>> -> memref<1x1x32x128xf32, #tpu.memory_space<vmem>>
      %dma_start3A_1313 = tpu.memref_squeeze %dma_start3A_1312 : memref<1x1x32x128xf32, #tpu.memory_space<vmem>> -> memref<32x128xf32, #tpu.memory_space<vmem>>
      %dma_start3A_1314 = arith.constant 0 : i32
      %dma_start3A_1315 = tpu.memref_slice %arg3[%dma_start3A_1314, %multiple_of3A_1301] : memref<32x1000000xf32, #tpu.memory_space<hbm>> -> memref<32x128xf32, #tpu.memory_space<hbm>>
      tpu.enqueue_dma source(%dma_start3A_1315 : memref<32x128xf32, #tpu.memory_space<hbm>>) target(%dma_start3A_1313 : memref<32x128xf32, #tpu.memory_space<vmem>>) target_semaphore(%arg10 : memref<!tpu.dma_semaphore, #tpu.memory_space<semaphore_mem>>)
      %slice3A_1316 = vector.extract_strided_slice %min3A_476 {offsets = [11], sizes = [1], strides = [1]} : vector<16xi32> to vector<1xi32>
      %squeeze3A_1317 = vector.extract %slice3A_1316[0] : i32 from vector<1xi32>
      %shift_right_arithmetic3A_1318 = arith.constant 7 : i32
      %shift_right_arithmetic3A_1319 = arith.shrsi %squeeze3A_1317, %shift_right_arithmetic3A_1318 : i32
      %shift_left3A_1320 = arith.constant 7 : i32
      %shift_left3A_1321 = arith.shli %shift_right_arithmetic3A_1319, %shift_left3A_1320 : i32
      %multiple_of3A_1322 = tpu.assume_multiple %shift_left3A_1321, 128 : i32
      %dma_start3A_1323 = arith.constant 2 : i32
      %dma_start3A_1324 = arith.constant 3 : i32
      %dma_start3A_1325 = arith.constant 0 : i32
      %dma_start3A_1326 = arith.constant 0 : i32
      %dma_start3A_1327 = tpu.memref_slice %arg6[%dma_start3A_1323, %dma_start3A_1324, %dma_start3A_1325, %dma_start3A_1326] : memref<4x4x32x128xf32, #tpu.memory_space<vmem>> -> memref<1x1x32x128xf32, #tpu.memory_space<vmem>>
      %dma_start3A_1328 = tpu.memref_squeeze %dma_start3A_1327 : memref<1x1x32x128xf32, #tpu.memory_space<vmem>> -> memref<32x128xf32, #tpu.memory_space<vmem>>
      %dma_start3A_1329 = arith.constant 0 : i32
      %dma_start3A_1330 = tpu.memref_slice %arg3[%dma_start3A_1329, %multiple_of3A_1322] : memref<32x1000000xf32, #tpu.memory_space<hbm>> -> memref<32x128xf32, #tpu.memory_space<hbm>>
      %dma_start3A_1331 = arith.constant 0 : i32
      %dma_start3A_1332 = arith.constant 0 : i32
      %dma_start3A_1333 = tpu.memref_slice %arg6[%dma_start3A_1323, %dma_start3A_1324, %dma_start3A_1331, %dma_start3A_1332] : memref<4x4x32x128xf32, #tpu.memory_space<vmem>> -> memref<1x1x32x128xf32, #tpu.memory_space<vmem>>
      %dma_start3A_1334 = tpu.memref_squeeze %dma_start3A_1333 : memref<1x1x32x128xf32, #tpu.memory_space<vmem>> -> memref<32x128xf32, #tpu.memory_space<vmem>>
      %dma_start3A_1335 = arith.constant 0 : i32
      %dma_start3A_1336 = tpu.memref_slice %arg3[%dma_start3A_1335, %multiple_of3A_1322] : memref<32x1000000xf32, #tpu.memory_space<hbm>> -> memref<32x128xf32, #tpu.memory_space<hbm>>
      tpu.enqueue_dma source(%dma_start3A_1336 : memref<32x128xf32, #tpu.memory_space<hbm>>) target(%dma_start3A_1334 : memref<32x128xf32, #tpu.memory_space<vmem>>) target_semaphore(%arg10 : memref<!tpu.dma_semaphore, #tpu.memory_space<semaphore_mem>>)
      %dma_wait3A_1337 = arith.constant 3 : i32
      %dma_wait3A_1338 = arith.constant 0 : i32
      %dma_wait3A_1339 = arith.constant 0 : i32
      %dma_wait3A_1340 = arith.constant 0 : i32
      %dma_wait3A_1341 = tpu.memref_slice %arg6[%dma_wait3A_1337, %dma_wait3A_1338, %dma_wait3A_1339, %dma_wait3A_1340] : memref<4x4x32x128xf32, #tpu.memory_space<vmem>> -> memref<1x1x32x128xf32, #tpu.memory_space<vmem>>
      %dma_wait3A_1342 = tpu.memref_squeeze %dma_wait3A_1341 : memref<1x1x32x128xf32, #tpu.memory_space<vmem>> -> memref<32x128xf32, #tpu.memory_space<vmem>>
      %dma_wait3A_1343 = arith.constant 0 : i32
      %dma_wait3A_1344 = arith.constant 0 : i32
      %dma_wait3A_1345 = tpu.memref_slice %arg3[%dma_wait3A_1343, %dma_wait3A_1344] : memref<32x1000000xf32, #tpu.memory_space<hbm>> -> memref<32x128xf32, #tpu.memory_space<hbm>>
      %dma_wait3A_1346 = arith.constant 0 : i32
      %dma_wait3A_1347 = arith.constant 0 : i32
      %dma_wait3A_1348 = tpu.memref_slice %arg6[%dma_wait3A_1337, %dma_wait3A_1338, %dma_wait3A_1346, %dma_wait3A_1347] : memref<4x4x32x128xf32, #tpu.memory_space<vmem>> -> memref<1x1x32x128xf32, #tpu.memory_space<vmem>>
      %dma_wait3A_1349 = tpu.memref_squeeze %dma_wait3A_1348 : memref<1x1x32x128xf32, #tpu.memory_space<vmem>> -> memref<32x128xf32, #tpu.memory_space<vmem>>
      %dma_wait3A_1350 = arith.constant 0 : i32
      %dma_wait3A_1351 = arith.constant 0 : i32
      %dma_wait3A_1352 = tpu.memref_slice %arg3[%dma_wait3A_1350, %dma_wait3A_1351] : memref<32x1000000xf32, #tpu.memory_space<hbm>> -> memref<32x128xf32, #tpu.memory_space<hbm>>
      tpu.wait_dma2 semaphore(%arg11 : memref<!tpu.dma_semaphore, #tpu.memory_space<semaphore_mem>>) src(%dma_wait3A_1352 : memref<32x128xf32, #tpu.memory_space<hbm>>) dst(%dma_wait3A_1349 : memref<32x128xf32, #tpu.memory_space<vmem>>)
      %dma_wait3A_1353 = arith.constant 3 : i32
      %dma_wait3A_1354 = arith.constant 1 : i32
      %dma_wait3A_1355 = arith.constant 0 : i32
      %dma_wait3A_1356 = arith.constant 0 : i32
      %dma_wait3A_1357 = tpu.memref_slice %arg6[%dma_wait3A_1353, %dma_wait3A_1354, %dma_wait3A_1355, %dma_wait3A_1356] : memref<4x4x32x128xf32, #tpu.memory_space<vmem>> -> memref<1x1x32x128xf32, #tpu.memory_space<vmem>>
      %dma_wait3A_1358 = tpu.memref_squeeze %dma_wait3A_1357 : memref<1x1x32x128xf32, #tpu.memory_space<vmem>> -> memref<32x128xf32, #tpu.memory_space<vmem>>
      %dma_wait3A_1359 = arith.constant 0 : i32
      %dma_wait3A_1360 = arith.constant 0 : i32
      %dma_wait3A_1361 = tpu.memref_slice %arg3[%dma_wait3A_1359, %dma_wait3A_1360] : memref<32x1000000xf32, #tpu.memory_space<hbm>> -> memref<32x128xf32, #tpu.memory_space<hbm>>
      %dma_wait3A_1362 = arith.constant 0 : i32
      %dma_wait3A_1363 = arith.constant 0 : i32
      %dma_wait3A_1364 = tpu.memref_slice %arg6[%dma_wait3A_1353, %dma_wait3A_1354, %dma_wait3A_1362, %dma_wait3A_1363] : memref<4x4x32x128xf32, #tpu.memory_space<vmem>> -> memref<1x1x32x128xf32, #tpu.memory_space<vmem>>
      %dma_wait3A_1365 = tpu.memref_squeeze %dma_wait3A_1364 : memref<1x1x32x128xf32, #tpu.memory_space<vmem>> -> memref<32x128xf32, #tpu.memory_space<vmem>>
      %dma_wait3A_1366 = arith.constant 0 : i32
      %dma_wait3A_1367 = arith.constant 0 : i32
      %dma_wait3A_1368 = tpu.memref_slice %arg3[%dma_wait3A_1366, %dma_wait3A_1367] : memref<32x1000000xf32, #tpu.memory_space<hbm>> -> memref<32x128xf32, #tpu.memory_space<hbm>>
      tpu.wait_dma2 semaphore(%arg11 : memref<!tpu.dma_semaphore, #tpu.memory_space<semaphore_mem>>) src(%dma_wait3A_1368 : memref<32x128xf32, #tpu.memory_space<hbm>>) dst(%dma_wait3A_1365 : memref<32x128xf32, #tpu.memory_space<vmem>>)
      %dma_wait3A_1369 = arith.constant 3 : i32
      %dma_wait3A_1370 = arith.constant 2 : i32
      %dma_wait3A_1371 = arith.constant 0 : i32
      %dma_wait3A_1372 = arith.constant 0 : i32
      %dma_wait3A_1373 = tpu.memref_slice %arg6[%dma_wait3A_1369, %dma_wait3A_1370, %dma_wait3A_1371, %dma_wait3A_1372] : memref<4x4x32x128xf32, #tpu.memory_space<vmem>> -> memref<1x1x32x128xf32, #tpu.memory_space<vmem>>
      %dma_wait3A_1374 = tpu.memref_squeeze %dma_wait3A_1373 : memref<1x1x32x128xf32, #tpu.memory_space<vmem>> -> memref<32x128xf32, #tpu.memory_space<vmem>>
      %dma_wait3A_1375 = arith.constant 0 : i32
      %dma_wait3A_1376 = arith.constant 0 : i32
      %dma_wait3A_1377 = tpu.memref_slice %arg3[%dma_wait3A_1375, %dma_wait3A_1376] : memref<32x1000000xf32, #tpu.memory_space<hbm>> -> memref<32x128xf32, #tpu.memory_space<hbm>>
      %dma_wait3A_1378 = arith.constant 0 : i32
      %dma_wait3A_1379 = arith.constant 0 : i32
      %dma_wait3A_1380 = tpu.memref_slice %arg6[%dma_wait3A_1369, %dma_wait3A_1370, %dma_wait3A_1378, %dma_wait3A_1379] : memref<4x4x32x128xf32, #tpu.memory_space<vmem>> -> memref<1x1x32x128xf32, #tpu.memory_space<vmem>>
      %dma_wait3A_1381 = tpu.memref_squeeze %dma_wait3A_1380 : memref<1x1x32x128xf32, #tpu.memory_space<vmem>> -> memref<32x128xf32, #tpu.memory_space<vmem>>
      %dma_wait3A_1382 = arith.constant 0 : i32
      %dma_wait3A_1383 = arith.constant 0 : i32
      %dma_wait3A_1384 = tpu.memref_slice %arg3[%dma_wait3A_1382, %dma_wait3A_1383] : memref<32x1000000xf32, #tpu.memory_space<hbm>> -> memref<32x128xf32, #tpu.memory_space<hbm>>
      tpu.wait_dma2 semaphore(%arg11 : memref<!tpu.dma_semaphore, #tpu.memory_space<semaphore_mem>>) src(%dma_wait3A_1384 : memref<32x128xf32, #tpu.memory_space<hbm>>) dst(%dma_wait3A_1381 : memref<32x128xf32, #tpu.memory_space<vmem>>)
      %dma_wait3A_1385 = arith.constant 3 : i32
      %dma_wait3A_1386 = arith.constant 3 : i32
      %dma_wait3A_1387 = arith.constant 0 : i32
      %dma_wait3A_1388 = arith.constant 0 : i32
      %dma_wait3A_1389 = tpu.memref_slice %arg6[%dma_wait3A_1385, %dma_wait3A_1386, %dma_wait3A_1387, %dma_wait3A_1388] : memref<4x4x32x128xf32, #tpu.memory_space<vmem>> -> memref<1x1x32x128xf32, #tpu.memory_space<vmem>>
      %dma_wait3A_1390 = tpu.memref_squeeze %dma_wait3A_1389 : memref<1x1x32x128xf32, #tpu.memory_space<vmem>> -> memref<32x128xf32, #tpu.memory_space<vmem>>
      %dma_wait3A_1391 = arith.constant 0 : i32
      %dma_wait3A_1392 = arith.constant 0 : i32
      %dma_wait3A_1393 = tpu.memref_slice %arg3[%dma_wait3A_1391, %dma_wait3A_1392] : memref<32x1000000xf32, #tpu.memory_space<hbm>> -> memref<32x128xf32, #tpu.memory_space<hbm>>
      %dma_wait3A_1394 = arith.constant 0 : i32
      %dma_wait3A_1395 = arith.constant 0 : i32
      %dma_wait3A_1396 = tpu.memref_slice %arg6[%dma_wait3A_1385, %dma_wait3A_1386, %dma_wait3A_1394, %dma_wait3A_1395] : memref<4x4x32x128xf32, #tpu.memory_space<vmem>> -> memref<1x1x32x128xf32, #tpu.memory_space<vmem>>
      %dma_wait3A_1397 = tpu.memref_squeeze %dma_wait3A_1396 : memref<1x1x32x128xf32, #tpu.memory_space<vmem>> -> memref<32x128xf32, #tpu.memory_space<vmem>>
      %dma_wait3A_1398 = arith.constant 0 : i32
      %dma_wait3A_1399 = arith.constant 0 : i32
      %dma_wait3A_1400 = tpu.memref_slice %arg3[%dma_wait3A_1398, %dma_wait3A_1399] : memref<32x1000000xf32, #tpu.memory_space<hbm>> -> memref<32x128xf32, #tpu.memory_space<hbm>>
      tpu.wait_dma2 semaphore(%arg11 : memref<!tpu.dma_semaphore, #tpu.memory_space<semaphore_mem>>) src(%dma_wait3A_1400 : memref<32x128xf32, #tpu.memory_space<hbm>>) dst(%dma_wait3A_1397 : memref<32x128xf32, #tpu.memory_space<vmem>>)
      %slice3A_1401 = vector.extract_strided_slice %min3A_464 {offsets = [12], sizes = [1], strides = [1]} : vector<16xi32> to vector<1xi32>
      %squeeze3A_1402 = vector.extract %slice3A_1401[0] : i32 from vector<1xi32>
      %and3A_1403 = arith.constant 127 : i32
      %and3A_1404 = arith.andi %squeeze3A_1402, %and3A_1403 : i32
      %broadcast_in_dim3A_1405 = arith.constant 3 : i32
      %broadcast_in_dim3A_1406 = vector.broadcast %broadcast_in_dim3A_1405 : i32 to vector<16xi32>
      %broadcast_in_dim3A_1407 = arith.constant 0 : i32
      %broadcast_in_dim3A_1408 = vector.broadcast %broadcast_in_dim3A_1407 : i32 to vector<16xi32>
      %broadcast_in_dim3A_1409 = arith.constant 0 : i32
      %broadcast_in_dim3A_1410 = vector.broadcast %broadcast_in_dim3A_1409 : i32 to vector<16xi32>
      %add3A_1411 = vector.broadcast %and3A_1404 : i32 to vector<16xi32>
      %add3A_1412 = arith.addi %broadcast_in_dim3A_1410, %add3A_1411 : vector<16xi32>
      %gather3A_1413 = tpu.vector_load_idx %arg6[%broadcast_in_dim3A_1406, %broadcast_in_dim3A_1408, %iota3A, %add3A_1412] : memref<4x4x32x128xf32, #tpu.memory_space<vmem>>[vector<16xi32>, vector<16xi32>, vector<16xi32>, vector<16xi32>], vector<16xf32>,
      %gather3A_1414 = tpu.vector_load_idx %arg6[%broadcast_in_dim3A_1406, %broadcast_in_dim3A_1408, %add3A_5, %add3A_1412] : memref<4x4x32x128xf32, #tpu.memory_space<vmem>>[vector<16xi32>, vector<16xi32>, vector<16xi32>, vector<16xi32>], vector<16xf32>,
      %mul3A_1415 = arith.constant 16 : i32
      %mul3A_1416 = arith.muli %scan3A_454, %mul3A_1415 : i32
      %add3A_1417 = arith.constant 12 : i32
      %add3A_1418 = arith.addi %mul3A_1416, %add3A_1417 : i32
      %add3A_1419 = arith.constant 0 : i32
      %add3A_1420 = arith.addi %add3A_1418, %add3A_1419 : i32
      %mul3A_1421 = arith.constant 32 : i32
      %mul3A_1422 = arith.muli %add3A_1420, %mul3A_1421 : i32
      %swap3A_1423 = arith.index_cast %mul3A_1422 : i32 to index
      %swap3A_1424 = tpu.vector_load %arg7[%swap3A_1423] {strides = array<i32>} : memref<16384xf32, #tpu.memory_space<vmem>>, vector<16xf32>,
      tpu.vector_store %arg7[%swap3A_1423], %gather3A_1413 {strides = array<i32>} : memref<16384xf32, #tpu.memory_space<vmem>>, vector<16xf32>,
      %add3A_1425 = arith.constant 16 : i32
      %add3A_1426 = arith.addi %mul3A_1422, %add3A_1425 : i32
      %swap3A_1427 = arith.index_cast %add3A_1426 : i32 to index
      %swap3A_1428 = tpu.vector_load %arg7[%swap3A_1427] {strides = array<i32>} : memref<16384xf32, #tpu.memory_space<vmem>>, vector<16xf32>,
      tpu.vector_store %arg7[%swap3A_1427], %gather3A_1414 {strides = array<i32>} : memref<16384xf32, #tpu.memory_space<vmem>>, vector<16xf32>,
      %slice3A_1429 = vector.extract_strided_slice %min3A_464 {offsets = [13], sizes = [1], strides = [1]} : vector<16xi32> to vector<1xi32>
      %squeeze3A_1430 = vector.extract %slice3A_1429[0] : i32 from vector<1xi32>
      %and3A_1431 = arith.constant 127 : i32
      %and3A_1432 = arith.andi %squeeze3A_1430, %and3A_1431 : i32
      %broadcast_in_dim3A_1433 = arith.constant 3 : i32
      %broadcast_in_dim3A_1434 = vector.broadcast %broadcast_in_dim3A_1433 : i32 to vector<16xi32>
      %broadcast_in_dim3A_1435 = arith.constant 1 : i32
      %broadcast_in_dim3A_1436 = vector.broadcast %broadcast_in_dim3A_1435 : i32 to vector<16xi32>
      %broadcast_in_dim3A_1437 = arith.constant 0 : i32
      %broadcast_in_dim3A_1438 = vector.broadcast %broadcast_in_dim3A_1437 : i32 to vector<16xi32>
      %add3A_1439 = vector.broadcast %and3A_1432 : i32 to vector<16xi32>
      %add3A_1440 = arith.addi %broadcast_in_dim3A_1438, %add3A_1439 : vector<16xi32>
      %gather3A_1441 = tpu.vector_load_idx %arg6[%broadcast_in_dim3A_1434, %broadcast_in_dim3A_1436, %iota3A, %add3A_1440] : memref<4x4x32x128xf32, #tpu.memory_space<vmem>>[vector<16xi32>, vector<16xi32>, vector<16xi32>, vector<16xi32>], vector<16xf32>,
      %gather3A_1442 = tpu.vector_load_idx %arg6[%broadcast_in_dim3A_1434, %broadcast_in_dim3A_1436, %add3A_5, %add3A_1440] : memref<4x4x32x128xf32, #tpu.memory_space<vmem>>[vector<16xi32>, vector<16xi32>, vector<16xi32>, vector<16xi32>], vector<16xf32>,
      %mul3A_1443 = arith.constant 16 : i32
      %mul3A_1444 = arith.muli %scan3A_454, %mul3A_1443 : i32
      %add3A_1445 = arith.constant 12 : i32
      %add3A_1446 = arith.addi %mul3A_1444, %add3A_1445 : i32
      %add3A_1447 = arith.constant 1 : i32
      %add3A_1448 = arith.addi %add3A_1446, %add3A_1447 : i32
      %mul3A_1449 = arith.constant 32 : i32
      %mul3A_1450 = arith.muli %add3A_1448, %mul3A_1449 : i32
      %swap3A_1451 = arith.index_cast %mul3A_1450 : i32 to index
      %swap3A_1452 = tpu.vector_load %arg7[%swap3A_1451] {strides = array<i32>} : memref<16384xf32, #tpu.memory_space<vmem>>, vector<16xf32>,
      tpu.vector_store %arg7[%swap3A_1451], %gather3A_1441 {strides = array<i32>} : memref<16384xf32, #tpu.memory_space<vmem>>, vector<16xf32>,
      %add3A_1453 = arith.constant 16 : i32
      %add3A_1454 = arith.addi %mul3A_1450, %add3A_1453 : i32
      %swap3A_1455 = arith.index_cast %add3A_1454 : i32 to index
      %swap3A_1456 = tpu.vector_load %arg7[%swap3A_1455] {strides = array<i32>} : memref<16384xf32, #tpu.memory_space<vmem>>, vector<16xf32>,
      tpu.vector_store %arg7[%swap3A_1455], %gather3A_1442 {strides = array<i32>} : memref<16384xf32, #tpu.memory_space<vmem>>, vector<16xf32>,
      %slice3A_1457 = vector.extract_strided_slice %min3A_464 {offsets = [14], sizes = [1], strides = [1]} : vector<16xi32> to vector<1xi32>
      %squeeze3A_1458 = vector.extract %slice3A_1457[0] : i32 from vector<1xi32>
      %and3A_1459 = arith.constant 127 : i32
      %and3A_1460 = arith.andi %squeeze3A_1458, %and3A_1459 : i32
      %broadcast_in_dim3A_1461 = arith.constant 3 : i32
      %broadcast_in_dim3A_1462 = vector.broadcast %broadcast_in_dim3A_1461 : i32 to vector<16xi32>
      %broadcast_in_dim3A_1463 = arith.constant 2 : i32
      %broadcast_in_dim3A_1464 = vector.broadcast %broadcast_in_dim3A_1463 : i32 to vector<16xi32>
      %broadcast_in_dim3A_1465 = arith.constant 0 : i32
      %broadcast_in_dim3A_1466 = vector.broadcast %broadcast_in_dim3A_1465 : i32 to vector<16xi32>
      %add3A_1467 = vector.broadcast %and3A_1460 : i32 to vector<16xi32>
      %add3A_1468 = arith.addi %broadcast_in_dim3A_1466, %add3A_1467 : vector<16xi32>
      %gather3A_1469 = tpu.vector_load_idx %arg6[%broadcast_in_dim3A_1462, %broadcast_in_dim3A_1464, %iota3A, %add3A_1468] : memref<4x4x32x128xf32, #tpu.memory_space<vmem>>[vector<16xi32>, vector<16xi32>, vector<16xi32>, vector<16xi32>], vector<16xf32>,
      %gather3A_1470 = tpu.vector_load_idx %arg6[%broadcast_in_dim3A_1462, %broadcast_in_dim3A_1464, %add3A_5, %add3A_1468] : memref<4x4x32x128xf32, #tpu.memory_space<vmem>>[vector<16xi32>, vector<16xi32>, vector<16xi32>, vector<16xi32>], vector<16xf32>,
      %mul3A_1471 = arith.constant 16 : i32
      %mul3A_1472 = arith.muli %scan3A_454, %mul3A_1471 : i32
      %add3A_1473 = arith.constant 12 : i32
      %add3A_1474 = arith.addi %mul3A_1472, %add3A_1473 : i32
      %add3A_1475 = arith.constant 2 : i32
      %add3A_1476 = arith.addi %add3A_1474, %add3A_1475 : i32
      %mul3A_1477 = arith.constant 32 : i32
      %mul3A_1478 = arith.muli %add3A_1476, %mul3A_1477 : i32
      %swap3A_1479 = arith.index_cast %mul3A_1478 : i32 to index
      %swap3A_1480 = tpu.vector_load %arg7[%swap3A_1479] {strides = array<i32>} : memref<16384xf32, #tpu.memory_space<vmem>>, vector<16xf32>,
      tpu.vector_store %arg7[%swap3A_1479], %gather3A_1469 {strides = array<i32>} : memref<16384xf32, #tpu.memory_space<vmem>>, vector<16xf32>,
      %add3A_1481 = arith.constant 16 : i32
      %add3A_1482 = arith.addi %mul3A_1478, %add3A_1481 : i32
      %swap3A_1483 = arith.index_cast %add3A_1482 : i32 to index
      %swap3A_1484 = tpu.vector_load %arg7[%swap3A_1483] {strides = array<i32>} : memref<16384xf32, #tpu.memory_space<vmem>>, vector<16xf32>,
      tpu.vector_store %arg7[%swap3A_1483], %gather3A_1470 {strides = array<i32>} : memref<16384xf32, #tpu.memory_space<vmem>>, vector<16xf32>,
      %slice3A_1485 = vector.extract_strided_slice %min3A_464 {offsets = [15], sizes = [1], strides = [1]} : vector<16xi32> to vector<1xi32>
      %squeeze3A_1486 = vector.extract %slice3A_1485[0] : i32 from vector<1xi32>
      %and3A_1487 = arith.constant 127 : i32
      %and3A_1488 = arith.andi %squeeze3A_1486, %and3A_1487 : i32
      %broadcast_in_dim3A_1489 = arith.constant 3 : i32
      %broadcast_in_dim3A_1490 = vector.broadcast %broadcast_in_dim3A_1489 : i32 to vector<16xi32>
      %broadcast_in_dim3A_1491 = arith.constant 3 : i32
      %broadcast_in_dim3A_1492 = vector.broadcast %broadcast_in_dim3A_1491 : i32 to vector<16xi32>
      %broadcast_in_dim3A_1493 = arith.constant 0 : i32
      %broadcast_in_dim3A_1494 = vector.broadcast %broadcast_in_dim3A_1493 : i32 to vector<16xi32>
      %add3A_1495 = vector.broadcast %and3A_1488 : i32 to vector<16xi32>
      %add3A_1496 = arith.addi %broadcast_in_dim3A_1494, %add3A_1495 : vector<16xi32>
      %gather3A_1497 = tpu.vector_load_idx %arg6[%broadcast_in_dim3A_1490, %broadcast_in_dim3A_1492, %iota3A, %add3A_1496] : memref<4x4x32x128xf32, #tpu.memory_space<vmem>>[vector<16xi32>, vector<16xi32>, vector<16xi32>, vector<16xi32>], vector<16xf32>,
      %gather3A_1498 = tpu.vector_load_idx %arg6[%broadcast_in_dim3A_1490, %broadcast_in_dim3A_1492, %add3A_5, %add3A_1496] : memref<4x4x32x128xf32, #tpu.memory_space<vmem>>[vector<16xi32>, vector<16xi32>, vector<16xi32>, vector<16xi32>], vector<16xf32>,
      %mul3A_1499 = arith.constant 16 : i32
      %mul3A_1500 = arith.muli %scan3A_454, %mul3A_1499 : i32
      %add3A_1501 = arith.constant 12 : i32
      %add3A_1502 = arith.addi %mul3A_1500, %add3A_1501 : i32
      %add3A_1503 = arith.constant 3 : i32
      %add3A_1504 = arith.addi %add3A_1502, %add3A_1503 : i32
      %mul3A_1505 = arith.constant 32 : i32
      %mul3A_1506 = arith.muli %add3A_1504, %mul3A_1505 : i32
      %swap3A_1507 = arith.index_cast %mul3A_1506 : i32 to index
      %swap3A_1508 = tpu.vector_load %arg7[%swap3A_1507] {strides = array<i32>} : memref<16384xf32, #tpu.memory_space<vmem>>, vector<16xf32>,
      tpu.vector_store %arg7[%swap3A_1507], %gather3A_1497 {strides = array<i32>} : memref<16384xf32, #tpu.memory_space<vmem>>, vector<16xf32>,
      %add3A_1509 = arith.constant 16 : i32
      %add3A_1510 = arith.addi %mul3A_1506, %add3A_1509 : i32
      %swap3A_1511 = arith.index_cast %add3A_1510 : i32 to index
      %swap3A_1512 = tpu.vector_load %arg7[%swap3A_1511] {strides = array<i32>} : memref<16384xf32, #tpu.memory_space<vmem>>, vector<16xf32>,
      tpu.vector_store %arg7[%swap3A_1511], %gather3A_1498 {strides = array<i32>} : memref<16384xf32, #tpu.memory_space<vmem>>, vector<16xf32>,
    }
    %scan3A_260 = arith.constant 32 : i32
    %dma_wait3A = arith.constant 0 : i32
    %dma_wait3A_261 = arith.constant 0 : i32
    %dma_wait3A_262 = arith.constant 0 : i32
    %dma_wait3A_263 = arith.constant 0 : i32
    %dma_wait3A_264 = tpu.memref_slice %arg6[%dma_wait3A, %dma_wait3A_261, %dma_wait3A_262, %dma_wait3A_263] : memref<4x4x32x128xf32, #tpu.memory_space<vmem>> -> memref<1x1x32x128xf32, #tpu.memory_space<vmem>>
    %dma_wait3A_265 = tpu.memref_squeeze %dma_wait3A_264 : memref<1x1x32x128xf32, #tpu.memory_space<vmem>> -> memref<32x128xf32, #tpu.memory_space<vmem>>
    %dma_wait3A_266 = arith.constant 0 : i32
    %dma_wait3A_267 = arith.constant 0 : i32
    %dma_wait3A_268 = tpu.memref_slice %arg3[%dma_wait3A_266, %dma_wait3A_267] : memref<32x1000000xf32, #tpu.memory_space<hbm>> -> memref<32x128xf32, #tpu.memory_space<hbm>>
    %dma_wait3A_269 = arith.constant 0 : i32
    %dma_wait3A_270 = arith.constant 0 : i32
    %dma_wait3A_271 = tpu.memref_slice %arg6[%dma_wait3A, %dma_wait3A_261, %dma_wait3A_269, %dma_wait3A_270] : memref<4x4x32x128xf32, #tpu.memory_space<vmem>> -> memref<1x1x32x128xf32, #tpu.memory_space<vmem>>
    %dma_wait3A_272 = tpu.memref_squeeze %dma_wait3A_271 : memref<1x1x32x128xf32, #tpu.memory_space<vmem>> -> memref<32x128xf32, #tpu.memory_space<vmem>>
    %dma_wait3A_273 = arith.constant 0 : i32
    %dma_wait3A_274 = arith.constant 0 : i32
    %dma_wait3A_275 = tpu.memref_slice %arg3[%dma_wait3A_273, %dma_wait3A_274] : memref<32x1000000xf32, #tpu.memory_space<hbm>> -> memref<32x128xf32, #tpu.memory_space<hbm>>
    tpu.wait_dma2 semaphore(%arg8 : memref<!tpu.dma_semaphore, #tpu.memory_space<semaphore_mem>>) src(%dma_wait3A_275 : memref<32x128xf32, #tpu.memory_space<hbm>>) dst(%dma_wait3A_272 : memref<32x128xf32, #tpu.memory_space<vmem>>)
    %dma_wait3A_276 = arith.constant 0 : i32
    %dma_wait3A_277 = arith.constant 1 : i32
    %dma_wait3A_278 = arith.constant 0 : i32
    %dma_wait3A_279 = arith.constant 0 : i32
    %dma_wait3A_280 = tpu.memref_slice %arg6[%dma_wait3A_276, %dma_wait3A_277, %dma_wait3A_278, %dma_wait3A_279] : memref<4x4x32x128xf32, #tpu.memory_space<vmem>> -> memref<1x1x32x128xf32, #tpu.memory_space<vmem>>
    %dma_wait3A_281 = tpu.memref_squeeze %dma_wait3A_280 : memref<1x1x32x128xf32, #tpu.memory_space<vmem>> -> memref<32x128xf32, #tpu.memory_space<vmem>>
    %dma_wait3A_282 = arith.constant 0 : i32
    %dma_wait3A_283 = arith.constant 0 : i32
    %dma_wait3A_284 = tpu.memref_slice %arg3[%dma_wait3A_282, %dma_wait3A_283] : memref<32x1000000xf32, #tpu.memory_space<hbm>> -> memref<32x128xf32, #tpu.memory_space<hbm>>
    %dma_wait3A_285 = arith.constant 0 : i32
    %dma_wait3A_286 = arith.constant 0 : i32
    %dma_wait3A_287 = tpu.memref_slice %arg6[%dma_wait3A_276, %dma_wait3A_277, %dma_wait3A_285, %dma_wait3A_286] : memref<4x4x32x128xf32, #tpu.memory_space<vmem>> -> memref<1x1x32x128xf32, #tpu.memory_space<vmem>>
    %dma_wait3A_288 = tpu.memref_squeeze %dma_wait3A_287 : memref<1x1x32x128xf32, #tpu.memory_space<vmem>> -> memref<32x128xf32, #tpu.memory_space<vmem>>
    %dma_wait3A_289 = arith.constant 0 : i32
    %dma_wait3A_290 = arith.constant 0 : i32
    %dma_wait3A_291 = tpu.memref_slice %arg3[%dma_wait3A_289, %dma_wait3A_290] : memref<32x1000000xf32, #tpu.memory_space<hbm>> -> memref<32x128xf32, #tpu.memory_space<hbm>>
    tpu.wait_dma2 semaphore(%arg8 : memref<!tpu.dma_semaphore, #tpu.memory_space<semaphore_mem>>) src(%dma_wait3A_291 : memref<32x128xf32, #tpu.memory_space<hbm>>) dst(%dma_wait3A_288 : memref<32x128xf32, #tpu.memory_space<vmem>>)
    %dma_wait3A_292 = arith.constant 0 : i32
    %dma_wait3A_293 = arith.constant 2 : i32
    %dma_wait3A_294 = arith.constant 0 : i32
    %dma_wait3A_295 = arith.constant 0 : i32
    %dma_wait3A_296 = tpu.memref_slice %arg6[%dma_wait3A_292, %dma_wait3A_293, %dma_wait3A_294, %dma_wait3A_295] : memref<4x4x32x128xf32, #tpu.memory_space<vmem>> -> memref<1x1x32x128xf32, #tpu.memory_space<vmem>>
    %dma_wait3A_297 = tpu.memref_squeeze %dma_wait3A_296 : memref<1x1x32x128xf32, #tpu.memory_space<vmem>> -> memref<32x128xf32, #tpu.memory_space<vmem>>
    %dma_wait3A_298 = arith.constant 0 : i32
    %dma_wait3A_299 = arith.constant 0 : i32
    %dma_wait3A_300 = tpu.memref_slice %arg3[%dma_wait3A_298, %dma_wait3A_299] : memref<32x1000000xf32, #tpu.memory_space<hbm>> -> memref<32x128xf32, #tpu.memory_space<hbm>>
    %dma_wait3A_301 = arith.constant 0 : i32
    %dma_wait3A_302 = arith.constant 0 : i32
    %dma_wait3A_303 = tpu.memref_slice %arg6[%dma_wait3A_292, %dma_wait3A_293, %dma_wait3A_301, %dma_wait3A_302] : memref<4x4x32x128xf32, #tpu.memory_space<vmem>> -> memref<1x1x32x128xf32, #tpu.memory_space<vmem>>
    %dma_wait3A_304 = tpu.memref_squeeze %dma_wait3A_303 : memref<1x1x32x128xf32, #tpu.memory_space<vmem>> -> memref<32x128xf32, #tpu.memory_space<vmem>>
    %dma_wait3A_305 = arith.constant 0 : i32
    %dma_wait3A_306 = arith.constant 0 : i32
    %dma_wait3A_307 = tpu.memref_slice %arg3[%dma_wait3A_305, %dma_wait3A_306] : memref<32x1000000xf32, #tpu.memory_space<hbm>> -> memref<32x128xf32, #tpu.memory_space<hbm>>
    tpu.wait_dma2 semaphore(%arg8 : memref<!tpu.dma_semaphore, #tpu.memory_space<semaphore_mem>>) src(%dma_wait3A_307 : memref<32x128xf32, #tpu.memory_space<hbm>>) dst(%dma_wait3A_304 : memref<32x128xf32, #tpu.memory_space<vmem>>)
    %dma_wait3A_308 = arith.constant 0 : i32
    %dma_wait3A_309 = arith.constant 3 : i32
    %dma_wait3A_310 = arith.constant 0 : i32
    %dma_wait3A_311 = arith.constant 0 : i32
    %dma_wait3A_312 = tpu.memref_slice %arg6[%dma_wait3A_308, %dma_wait3A_309, %dma_wait3A_310, %dma_wait3A_311] : memref<4x4x32x128xf32, #tpu.memory_space<vmem>> -> memref<1x1x32x128xf32, #tpu.memory_space<vmem>>
    %dma_wait3A_313 = tpu.memref_squeeze %dma_wait3A_312 : memref<1x1x32x128xf32, #tpu.memory_space<vmem>> -> memref<32x128xf32, #tpu.memory_space<vmem>>
    %dma_wait3A_314 = arith.constant 0 : i32
    %dma_wait3A_315 = arith.constant 0 : i32
    %dma_wait3A_316 = tpu.memref_slice %arg3[%dma_wait3A_314, %dma_wait3A_315] : memref<32x1000000xf32, #tpu.memory_space<hbm>> -> memref<32x128xf32, #tpu.memory_space<hbm>>
    %dma_wait3A_317 = arith.constant 0 : i32
    %dma_wait3A_318 = arith.constant 0 : i32
    %dma_wait3A_319 = tpu.memref_slice %arg6[%dma_wait3A_308, %dma_wait3A_309, %dma_wait3A_317, %dma_wait3A_318] : memref<4x4x32x128xf32, #tpu.memory_space<vmem>> -> memref<1x1x32x128xf32, #tpu.memory_space<vmem>>
    %dma_wait3A_320 = tpu.memref_squeeze %dma_wait3A_319 : memref<1x1x32x128xf32, #tpu.memory_space<vmem>> -> memref<32x128xf32, #tpu.memory_space<vmem>>
    %dma_wait3A_321 = arith.constant 0 : i32
    %dma_wait3A_322 = arith.constant 0 : i32
    %dma_wait3A_323 = tpu.memref_slice %arg3[%dma_wait3A_321, %dma_wait3A_322] : memref<32x1000000xf32, #tpu.memory_space<hbm>> -> memref<32x128xf32, #tpu.memory_space<hbm>>
    tpu.wait_dma2 semaphore(%arg8 : memref<!tpu.dma_semaphore, #tpu.memory_space<semaphore_mem>>) src(%dma_wait3A_323 : memref<32x128xf32, #tpu.memory_space<hbm>>) dst(%dma_wait3A_320 : memref<32x128xf32, #tpu.memory_space<vmem>>)
    %dma_wait3A_324 = arith.constant 1 : i32
    %dma_wait3A_325 = arith.constant 0 : i32
    %dma_wait3A_326 = arith.constant 0 : i32
    %dma_wait3A_327 = arith.constant 0 : i32
    %dma_wait3A_328 = tpu.memref_slice %arg6[%dma_wait3A_324, %dma_wait3A_325, %dma_wait3A_326, %dma_wait3A_327] : memref<4x4x32x128xf32, #tpu.memory_space<vmem>> -> memref<1x1x32x128xf32, #tpu.memory_space<vmem>>
    %dma_wait3A_329 = tpu.memref_squeeze %dma_wait3A_328 : memref<1x1x32x128xf32, #tpu.memory_space<vmem>> -> memref<32x128xf32, #tpu.memory_space<vmem>>
    %dma_wait3A_330 = arith.constant 0 : i32
    %dma_wait3A_331 = arith.constant 0 : i32
    %dma_wait3A_332 = tpu.memref_slice %arg3[%dma_wait3A_330, %dma_wait3A_331] : memref<32x1000000xf32, #tpu.memory_space<hbm>> -> memref<32x128xf32, #tpu.memory_space<hbm>>
    %dma_wait3A_333 = arith.constant 0 : i32
    %dma_wait3A_334 = arith.constant 0 : i32
    %dma_wait3A_335 = tpu.memref_slice %arg6[%dma_wait3A_324, %dma_wait3A_325, %dma_wait3A_333, %dma_wait3A_334] : memref<4x4x32x128xf32, #tpu.memory_space<vmem>> -> memref<1x1x32x128xf32, #tpu.memory_space<vmem>>
    %dma_wait3A_336 = tpu.memref_squeeze %dma_wait3A_335 : memref<1x1x32x128xf32, #tpu.memory_space<vmem>> -> memref<32x128xf32, #tpu.memory_space<vmem>>
    %dma_wait3A_337 = arith.constant 0 : i32
    %dma_wait3A_338 = arith.constant 0 : i32
    %dma_wait3A_339 = tpu.memref_slice %arg3[%dma_wait3A_337, %dma_wait3A_338] : memref<32x1000000xf32, #tpu.memory_space<hbm>> -> memref<32x128xf32, #tpu.memory_space<hbm>>
    tpu.wait_dma2 semaphore(%arg9 : memref<!tpu.dma_semaphore, #tpu.memory_space<semaphore_mem>>) src(%dma_wait3A_339 : memref<32x128xf32, #tpu.memory_space<hbm>>) dst(%dma_wait3A_336 : memref<32x128xf32, #tpu.memory_space<vmem>>)
    %dma_wait3A_340 = arith.constant 1 : i32
    %dma_wait3A_341 = arith.constant 1 : i32
    %dma_wait3A_342 = arith.constant 0 : i32
    %dma_wait3A_343 = arith.constant 0 : i32
    %dma_wait3A_344 = tpu.memref_slice %arg6[%dma_wait3A_340, %dma_wait3A_341, %dma_wait3A_342, %dma_wait3A_343] : memref<4x4x32x128xf32, #tpu.memory_space<vmem>> -> memref<1x1x32x128xf32, #tpu.memory_space<vmem>>
    %dma_wait3A_345 = tpu.memref_squeeze %dma_wait3A_344 : memref<1x1x32x128xf32, #tpu.memory_space<vmem>> -> memref<32x128xf32, #tpu.memory_space<vmem>>
    %dma_wait3A_346 = arith.constant 0 : i32
    %dma_wait3A_347 = arith.constant 0 : i32
    %dma_wait3A_348 = tpu.memref_slice %arg3[%dma_wait3A_346, %dma_wait3A_347] : memref<32x1000000xf32, #tpu.memory_space<hbm>> -> memref<32x128xf32, #tpu.memory_space<hbm>>
    %dma_wait3A_349 = arith.constant 0 : i32
    %dma_wait3A_350 = arith.constant 0 : i32
    %dma_wait3A_351 = tpu.memref_slice %arg6[%dma_wait3A_340, %dma_wait3A_341, %dma_wait3A_349, %dma_wait3A_350] : memref<4x4x32x128xf32, #tpu.memory_space<vmem>> -> memref<1x1x32x128xf32, #tpu.memory_space<vmem>>
    %dma_wait3A_352 = tpu.memref_squeeze %dma_wait3A_351 : memref<1x1x32x128xf32, #tpu.memory_space<vmem>> -> memref<32x128xf32, #tpu.memory_space<vmem>>
    %dma_wait3A_353 = arith.constant 0 : i32
    %dma_wait3A_354 = arith.constant 0 : i32
    %dma_wait3A_355 = tpu.memref_slice %arg3[%dma_wait3A_353, %dma_wait3A_354] : memref<32x1000000xf32, #tpu.memory_space<hbm>> -> memref<32x128xf32, #tpu.memory_space<hbm>>
    tpu.wait_dma2 semaphore(%arg9 : memref<!tpu.dma_semaphore, #tpu.memory_space<semaphore_mem>>) src(%dma_wait3A_355 : memref<32x128xf32, #tpu.memory_space<hbm>>) dst(%dma_wait3A_352 : memref<32x128xf32, #tpu.memory_space<vmem>>)
    %dma_wait3A_356 = arith.constant 1 : i32
    %dma_wait3A_357 = arith.constant 2 : i32
    %dma_wait3A_358 = arith.constant 0 : i32
    %dma_wait3A_359 = arith.constant 0 : i32
    %dma_wait3A_360 = tpu.memref_slice %arg6[%dma_wait3A_356, %dma_wait3A_357, %dma_wait3A_358, %dma_wait3A_359] : memref<4x4x32x128xf32, #tpu.memory_space<vmem>> -> memref<1x1x32x128xf32, #tpu.memory_space<vmem>>
    %dma_wait3A_361 = tpu.memref_squeeze %dma_wait3A_360 : memref<1x1x32x128xf32, #tpu.memory_space<vmem>> -> memref<32x128xf32, #tpu.memory_space<vmem>>
    %dma_wait3A_362 = arith.constant 0 : i32
    %dma_wait3A_363 = arith.constant 0 : i32
    %dma_wait3A_364 = tpu.memref_slice %arg3[%dma_wait3A_362, %dma_wait3A_363] : memref<32x1000000xf32, #tpu.memory_space<hbm>> -> memref<32x128xf32, #tpu.memory_space<hbm>>
    %dma_wait3A_365 = arith.constant 0 : i32
    %dma_wait3A_366 = arith.constant 0 : i32
    %dma_wait3A_367 = tpu.memref_slice %arg6[%dma_wait3A_356, %dma_wait3A_357, %dma_wait3A_365, %dma_wait3A_366] : memref<4x4x32x128xf32, #tpu.memory_space<vmem>> -> memref<1x1x32x128xf32, #tpu.memory_space<vmem>>
    %dma_wait3A_368 = tpu.memref_squeeze %dma_wait3A_367 : memref<1x1x32x128xf32, #tpu.memory_space<vmem>> -> memref<32x128xf32, #tpu.memory_space<vmem>>
    %dma_wait3A_369 = arith.constant 0 : i32
    %dma_wait3A_370 = arith.constant 0 : i32
    %dma_wait3A_371 = tpu.memref_slice %arg3[%dma_wait3A_369, %dma_wait3A_370] : memref<32x1000000xf32, #tpu.memory_space<hbm>> -> memref<32x128xf32, #tpu.memory_space<hbm>>
    tpu.wait_dma2 semaphore(%arg9 : memref<!tpu.dma_semaphore, #tpu.memory_space<semaphore_mem>>) src(%dma_wait3A_371 : memref<32x128xf32, #tpu.memory_space<hbm>>) dst(%dma_wait3A_368 : memref<32x128xf32, #tpu.memory_space<vmem>>)
    %dma_wait3A_372 = arith.constant 1 : i32
    %dma_wait3A_373 = arith.constant 3 : i32
    %dma_wait3A_374 = arith.constant 0 : i32
    %dma_wait3A_375 = arith.constant 0 : i32
    %dma_wait3A_376 = tpu.memref_slice %arg6[%dma_wait3A_372, %dma_wait3A_373, %dma_wait3A_374, %dma_wait3A_375] : memref<4x4x32x128xf32, #tpu.memory_space<vmem>> -> memref<1x1x32x128xf32, #tpu.memory_space<vmem>>
    %dma_wait3A_377 = tpu.memref_squeeze %dma_wait3A_376 : memref<1x1x32x128xf32, #tpu.memory_space<vmem>> -> memref<32x128xf32, #tpu.memory_space<vmem>>
    %dma_wait3A_378 = arith.constant 0 : i32
    %dma_wait3A_379 = arith.constant 0 : i32
    %dma_wait3A_380 = tpu.memref_slice %arg3[%dma_wait3A_378, %dma_wait3A_379] : memref<32x1000000xf32, #tpu.memory_space<hbm>> -> memref<32x128xf32, #tpu.memory_space<hbm>>
    %dma_wait3A_381 = arith.constant 0 : i32
    %dma_wait3A_382 = arith.constant 0 : i32
    %dma_wait3A_383 = tpu.memref_slice %arg6[%dma_wait3A_372, %dma_wait3A_373, %dma_wait3A_381, %dma_wait3A_382] : memref<4x4x32x128xf32, #tpu.memory_space<vmem>> -> memref<1x1x32x128xf32, #tpu.memory_space<vmem>>
    %dma_wait3A_384 = tpu.memref_squeeze %dma_wait3A_383 : memref<1x1x32x128xf32, #tpu.memory_space<vmem>> -> memref<32x128xf32, #tpu.memory_space<vmem>>
    %dma_wait3A_385 = arith.constant 0 : i32
    %dma_wait3A_386 = arith.constant 0 : i32
    %dma_wait3A_387 = tpu.memref_slice %arg3[%dma_wait3A_385, %dma_wait3A_386] : memref<32x1000000xf32, #tpu.memory_space<hbm>> -> memref<32x128xf32, #tpu.memory_space<hbm>>
    tpu.wait_dma2 semaphore(%arg9 : memref<!tpu.dma_semaphore, #tpu.memory_space<semaphore_mem>>) src(%dma_wait3A_387 : memref<32x128xf32, #tpu.memory_space<hbm>>) dst(%dma_wait3A_384 : memref<32x128xf32, #tpu.memory_space<vmem>>)
    %dma_wait3A_388 = arith.constant 2 : i32
    %dma_wait3A_389 = arith.constant 0 : i32
    %dma_wait3A_390 = arith.constant 0 : i32
    %dma_wait3A_391 = arith.constant 0 : i32
    %dma_wait3A_392 = tpu.memref_slice %arg6[%dma_wait3A_388, %dma_wait3A_389, %dma_wait3A_390, %dma_wait3A_391] : memref<4x4x32x128xf32, #tpu.memory_space<vmem>> -> memref<1x1x32x128xf32, #tpu.memory_space<vmem>>
    %dma_wait3A_393 = tpu.memref_squeeze %dma_wait3A_392 : memref<1x1x32x128xf32, #tpu.memory_space<vmem>> -> memref<32x128xf32, #tpu.memory_space<vmem>>
    %dma_wait3A_394 = arith.constant 0 : i32
    %dma_wait3A_395 = arith.constant 0 : i32
    %dma_wait3A_396 = tpu.memref_slice %arg3[%dma_wait3A_394, %dma_wait3A_395] : memref<32x1000000xf32, #tpu.memory_space<hbm>> -> memref<32x128xf32, #tpu.memory_space<hbm>>
    %dma_wait3A_397 = arith.constant 0 : i32
    %dma_wait3A_398 = arith.constant 0 : i32
    %dma_wait3A_399 = tpu.memref_slice %arg6[%dma_wait3A_388, %dma_wait3A_389, %dma_wait3A_397, %dma_wait3A_398] : memref<4x4x32x128xf32, #tpu.memory_space<vmem>> -> memref<1x1x32x128xf32, #tpu.memory_space<vmem>>
    %dma_wait3A_400 = tpu.memref_squeeze %dma_wait3A_399 : memref<1x1x32x128xf32, #tpu.memory_space<vmem>> -> memref<32x128xf32, #tpu.memory_space<vmem>>
    %dma_wait3A_401 = arith.constant 0 : i32
    %dma_wait3A_402 = arith.constant 0 : i32
    %dma_wait3A_403 = tpu.memref_slice %arg3[%dma_wait3A_401, %dma_wait3A_402] : memref<32x1000000xf32, #tpu.memory_space<hbm>> -> memref<32x128xf32, #tpu.memory_space<hbm>>
    tpu.wait_dma2 semaphore(%arg10 : memref<!tpu.dma_semaphore, #tpu.memory_space<semaphore_mem>>) src(%dma_wait3A_403 : memref<32x128xf32, #tpu.memory_space<hbm>>) dst(%dma_wait3A_400 : memref<32x128xf32, #tpu.memory_space<vmem>>)
    %dma_wait3A_404 = arith.constant 2 : i32
    %dma_wait3A_405 = arith.constant 1 : i32
    %dma_wait3A_406 = arith.constant 0 : i32
    %dma_wait3A_407 = arith.constant 0 : i32
    %dma_wait3A_408 = tpu.memref_slice %arg6[%dma_wait3A_404, %dma_wait3A_405, %dma_wait3A_406, %dma_wait3A_407] : memref<4x4x32x128xf32, #tpu.memory_space<vmem>> -> memref<1x1x32x128xf32, #tpu.memory_space<vmem>>
    %dma_wait3A_409 = tpu.memref_squeeze %dma_wait3A_408 : memref<1x1x32x128xf32, #tpu.memory_space<vmem>> -> memref<32x128xf32, #tpu.memory_space<vmem>>
    %dma_wait3A_410 = arith.constant 0 : i32
    %dma_wait3A_411 = arith.constant 0 : i32
    %dma_wait3A_412 = tpu.memref_slice %arg3[%dma_wait3A_410, %dma_wait3A_411] : memref<32x1000000xf32, #tpu.memory_space<hbm>> -> memref<32x128xf32, #tpu.memory_space<hbm>>
    %dma_wait3A_413 = arith.constant 0 : i32
    %dma_wait3A_414 = arith.constant 0 : i32
    %dma_wait3A_415 = tpu.memref_slice %arg6[%dma_wait3A_404, %dma_wait3A_405, %dma_wait3A_413, %dma_wait3A_414] : memref<4x4x32x128xf32, #tpu.memory_space<vmem>> -> memref<1x1x32x128xf32, #tpu.memory_space<vmem>>
    %dma_wait3A_416 = tpu.memref_squeeze %dma_wait3A_415 : memref<1x1x32x128xf32, #tpu.memory_space<vmem>> -> memref<32x128xf32, #tpu.memory_space<vmem>>
    %dma_wait3A_417 = arith.constant 0 : i32
    %dma_wait3A_418 = arith.constant 0 : i32
    %dma_wait3A_419 = tpu.memref_slice %arg3[%dma_wait3A_417, %dma_wait3A_418] : memref<32x1000000xf32, #tpu.memory_space<hbm>> -> memref<32x128xf32, #tpu.memory_space<hbm>>
    tpu.wait_dma2 semaphore(%arg10 : memref<!tpu.dma_semaphore, #tpu.memory_space<semaphore_mem>>) src(%dma_wait3A_419 : memref<32x128xf32, #tpu.memory_space<hbm>>) dst(%dma_wait3A_416 : memref<32x128xf32, #tpu.memory_space<vmem>>)
    %dma_wait3A_420 = arith.constant 2 : i32
    %dma_wait3A_421 = arith.constant 2 : i32
    %dma_wait3A_422 = arith.constant 0 : i32
    %dma_wait3A_423 = arith.constant 0 : i32
    %dma_wait3A_424 = tpu.memref_slice %arg6[%dma_wait3A_420, %dma_wait3A_421, %dma_wait3A_422, %dma_wait3A_423] : memref<4x4x32x128xf32, #tpu.memory_space<vmem>> -> memref<1x1x32x128xf32, #tpu.memory_space<vmem>>
    %dma_wait3A_425 = tpu.memref_squeeze %dma_wait3A_424 : memref<1x1x32x128xf32, #tpu.memory_space<vmem>> -> memref<32x128xf32, #tpu.memory_space<vmem>>
    %dma_wait3A_426 = arith.constant 0 : i32
    %dma_wait3A_427 = arith.constant 0 : i32
    %dma_wait3A_428 = tpu.memref_slice %arg3[%dma_wait3A_426, %dma_wait3A_427] : memref<32x1000000xf32, #tpu.memory_space<hbm>> -> memref<32x128xf32, #tpu.memory_space<hbm>>
    %dma_wait3A_429 = arith.constant 0 : i32
    %dma_wait3A_430 = arith.constant 0 : i32
    %dma_wait3A_431 = tpu.memref_slice %arg6[%dma_wait3A_420, %dma_wait3A_421, %dma_wait3A_429, %dma_wait3A_430] : memref<4x4x32x128xf32, #tpu.memory_space<vmem>> -> memref<1x1x32x128xf32, #tpu.memory_space<vmem>>
    %dma_wait3A_432 = tpu.memref_squeeze %dma_wait3A_431 : memref<1x1x32x128xf32, #tpu.memory_space<vmem>> -> memref<32x128xf32, #tpu.memory_space<vmem>>
    %dma_wait3A_433 = arith.constant 0 : i32
    %dma_wait3A_434 = arith.constant 0 : i32
    %dma_wait3A_435 = tpu.memref_slice %arg3[%dma_wait3A_433, %dma_wait3A_434] : memref<32x1000000xf32, #tpu.memory_space<hbm>> -> memref<32x128xf32, #tpu.memory_space<hbm>>
    tpu.wait_dma2 semaphore(%arg10 : memref<!tpu.dma_semaphore, #tpu.memory_space<semaphore_mem>>) src(%dma_wait3A_435 : memref<32x128xf32, #tpu.memory_space<hbm>>) dst(%dma_wait3A_432 : memref<32x128xf32, #tpu.memory_space<vmem>>)
    %dma_wait3A_436 = arith.constant 2 : i32
    %dma_wait3A_437 = arith.constant 3 : i32
    %dma_wait3A_438 = arith.constant 0 : i32
    %dma_wait3A_439 = arith.constant 0 : i32
    %dma_wait3A_440 = tpu.memref_slice %arg6[%dma_wait3A_436, %dma_wait3A_437, %dma_wait3A_438, %dma_wait3A_439] : memref<4x4x32x128xf32, #tpu.memory_space<vmem>> -> memref<1x1x32x128xf32, #tpu.memory_space<vmem>>
    %dma_wait3A_441 = tpu.memref_squeeze %dma_wait3A_440 : memref<1x1x32x128xf32, #tpu.memory_space<vmem>> -> memref<32x128xf32, #tpu.memory_space<vmem>>
    %dma_wait3A_442 = arith.constant 0 : i32
    %dma_wait3A_443 = arith.constant 0 : i32
    %dma_wait3A_444 = tpu.memref_slice %arg3[%dma_wait3A_442, %dma_wait3A_443] : memref<32x1000000xf32, #tpu.memory_space<hbm>> -> memref<32x128xf32, #tpu.memory_space<hbm>>
    %dma_wait3A_445 = arith.constant 0 : i32
    %dma_wait3A_446 = arith.constant 0 : i32
    %dma_wait3A_447 = tpu.memref_slice %arg6[%dma_wait3A_436, %dma_wait3A_437, %dma_wait3A_445, %dma_wait3A_446] : memref<4x4x32x128xf32, #tpu.memory_space<vmem>> -> memref<1x1x32x128xf32, #tpu.memory_space<vmem>>
    %dma_wait3A_448 = tpu.memref_squeeze %dma_wait3A_447 : memref<1x1x32x128xf32, #tpu.memory_space<vmem>> -> memref<32x128xf32, #tpu.memory_space<vmem>>
    %dma_wait3A_449 = arith.constant 0 : i32
    %dma_wait3A_450 = arith.constant 0 : i32
    %dma_wait3A_451 = tpu.memref_slice %arg3[%dma_wait3A_449, %dma_wait3A_450] : memref<32x1000000xf32, #tpu.memory_space<hbm>> -> memref<32x128xf32, #tpu.memory_space<hbm>>
    tpu.wait_dma2 semaphore(%arg10 : memref<!tpu.dma_semaphore, #tpu.memory_space<semaphore_mem>>) src(%dma_wait3A_451 : memref<32x128xf32, #tpu.memory_space<hbm>>) dst(%dma_wait3A_448 : memref<32x128xf32, #tpu.memory_space<vmem>>)
    %mul3A_452 = arith.constant 32 : i32
    %mul3A_453 = arith.muli %mul3A_2, %mul3A_452 : i32
    "tpu.region"() ({
      %run_scoped3A = tpu.sem_alloc : memref<!tpu.dma_semaphore, #tpu.memory_space<semaphore_mem>>
      %dma_start3A_454 = tpu.memref_slice %arg4[%mul3A_453] : memref<524288xf32, #tpu.memory_space<hbm>> -> memref<16384xf32, #tpu.memory_space<hbm>>
      %dma_start3A_455 = tpu.memref_slice %arg4[%mul3A_453] : memref<524288xf32, #tpu.memory_space<hbm>> -> memref<16384xf32, #tpu.memory_space<hbm>>
      tpu.enqueue_dma source(%arg7 : memref<16384xf32, #tpu.memory_space<vmem>>) target(%dma_start3A_455 : memref<16384xf32, #tpu.memory_space<hbm>>) target_semaphore(%run_scoped3A : memref<!tpu.dma_semaphore, #tpu.memory_space<semaphore_mem>>)
      %dma_wait3A_456 = tpu.memref_slice %arg4[%mul3A_453] : memref<524288xf32, #tpu.memory_space<hbm>> -> memref<16384xf32, #tpu.memory_space<hbm>>
      %dma_wait3A_457 = tpu.memref_slice %arg4[%mul3A_453] : memref<524288xf32, #tpu.memory_space<hbm>> -> memref<16384xf32, #tpu.memory_space<hbm>>
      tpu.wait_dma2 semaphore(%run_scoped3A : memref<!tpu.dma_semaphore, #tpu.memory_space<semaphore_mem>>) src(%arg7 : memref<16384xf32, #tpu.memory_space<vmem>>) dst(%dma_wait3A_457 : memref<16384xf32, #tpu.memory_space<hbm>>)
      tpu.yield
    }) : () -> ()
    return
  }
}

</mosaic_0001>

<sc_bundles>
// kernel: kernel.3.cloned.1.call-start
scs
__scs_entry_jumppad:
0x0: {  	(pc) =	sbr.rel $0x88, $3  }
0x1: {  	(tag) =	ssettag $0x0;
	lr =	simm.s32 $0x1  }
0x2: {  	[smem:$0x3F9F] =	sst lr;
	_ =	strace $0xD0000000  }
0x3: {  	_ = 	snop  }
0x4: {  	_ = 	snop  }
0x5: {  	_ = 	snop  }
0x6: {  	_ = 	snop  }
0x7: {  	_ = 	snop  }
__scs_overlays_trampoline_lowered:
0x8: {  	[smem:$0x3FAE] =	sst s0  }
0x9: {  	[smem:$0x3FAF] =	sst s1  }
0xa: {  	[smem:$0x3FB0] =	sst s2  }
0xb: {  	[smem:$0x3FB1] =	sst s3  }
0xc: {  	[smem:$0x3FB2] =	sst s4  }
0xd: {  	[smem:$0x3FB3] =	sst s5  }
0xe: {  	[smem:$0x3FB4] =	sst s6  }
0xf: {  	[smem:$0x3FB5] =	sst s7  }
0x10: {  	[smem:$0x3FB6] =	sst s8  }
0x11: {  	[smem:$0x3FB7] =	sst s9;
	s0 =	simm.s32 @!p0 $0x0  }
0x12: {  	s1 =	sld [smem:$0x3F9D];
	s0 =	simm.s32 @p0 $0x1  }
0x13: {  	[smem:$0x3FB8] =	sst s0;
	s0 =	simm.s32 @!p1 $0x0  }
0x14: {  	s2 =	sld [smem:$0x3F9C];
	s0 =	simm.s32 @p1 $0x1  }
0x15: {  	[smem:$0x3FB9] =	sst s0;
	s0 =	simm.s32 @!p2 $0x0  }
0x16: {  	s3 =	sld [smem:$0x3FDB];
	s0 =	simm.s32 @p2 $0x1  }
0x17: {  	s4 =	simm.s32 $0x1BF5;
	[smem:$0x3FBB] =	sst s0  }
0x18: {  	s0 =	sld [smem:$0x3F9E];
	_ =	swait.ge [sflag:s4], $0x0  }
0x19: {  	s7 =	sld [smem:$0x3F9F]  }
0x1a: {  	s8 =	sadd.s32 $0xFFFFE003, lr  }
0x1b: {  	s9 =	sadd.s32 $0xFFFFFEF7, lr;
	s5 =	simm.s32 $0xFFFFFFFF;
	p2 =	slt.u32 s8, $0xFFFFF086  }
0x1c: {  	p1 =	slt.u32 s9, $0xF7A;
	s5 =	simm.s32 @!p2 $0x0  }
0x1d: {  	s5 =	simm.s32 @p1 $0x1;
	p0 =	seq.s32 s7, s2  }
0x1e: {  	s7 =	smul.u32 @!p0 $0xF7A, s2;
	p2 =	seq.s32 @!p0 s5, $0x0  }
0x1f: {  	s9 =	smul.u32 $0xF7A, s1;
	s8 =	simm.s32 @!p0 $0x1BF5;
	p2 =	por !p2, p0  }
0x20: {  	[sflag:s8] =	ssyncset.s32 @!p0 $0xFFFFF086;
	s6 =	sadd.s32 @!p0 s3, s7;
	s7 =	simm.s32 @!p0 $0x108  }
0x21: {  	s3 =	sadd.s32 s3, s9;
	s6 =	sadd.s32 @!p0 $0x88, s6;
	s7 =	simm.s32 @p2 $0x1082  }
0x22: {  	[simem:s7], [sflag:s8] =	dma.local @!p0 [hbm:s6], $0xF7A  }
0x23: {  	s9 =	sor.u32 $0xD0000000, s2;
	s6 =	simm.s32 $0x108;
	_ =	swait.ge @!p0 [sflag:s8], $0x0  }
0x24: {  	s3 =	sadd.s32 $0x88, s3;
	s6 =	simm.s32 @!p1 $0x1082;
	[sflag:s4] =	ssyncset.s32 $0xFFFFF086  }
0x25: {  	[simem:s6], [sflag:s4] =	dma.local [hbm:s3], $0xF7A  }
0x26: {  	[smem:$0x3F9F] =	sst s1;
	(tag) =	ssettag s2;
	_ =	strace s9  }
0x27: {  	s1 =	sld [smem:$0x3FAF]  }
0x28: {  	s2 =	sld [smem:$0x3FB0]  }
0x29: {  	s4 =	sld [smem:$0x3FB2]  }
0x2a: {  	p0 =	seq.s32 s5, $0x0;
	s5 =	sld [smem:$0x3FB3]  }
0x2b: {  	s6 =	sld [smem:$0x3FB4]  }
0x2c: {  	s7 =	sld [smem:$0x3FB5]  }
0x2d: {  	s3 =	simm.s32 $0x108;
	s8 =	sld [smem:$0x3FB6]  }
0x2e: {  	s3 =	simm.s32 @!p0 $0x1082;
	s9 =	sld [smem:$0x3FB7]  }
0x2f: {  	lr =	sadd.s32 s0, s3;
	s0 =	sld [smem:$0x3FAE]  }
0x30: {  	s3 =	sld [smem:$0x3FB1]  }
0x31: {  	[smem:$0x3FBA] =	sst s10  }
0x32: {  	s10 =	sld [smem:$0x3FB8];
	_ =	sdelay $0x3  }
0x33: {  	p0 =	seq.s32 s10, $0x1;
	s10 =	sld [smem:$0x3FBA];
	_ =	sdelay $0x3  }
0x34: {  	[smem:$0x3FBA] =	sst s10  }
0x35: {  	s10 =	sld [smem:$0x3FB9];
	_ =	sdelay $0x3  }
0x36: {  	p1 =	seq.s32 s10, $0x1;
	s10 =	sld [smem:$0x3FBA];
	_ =	sdelay $0x3  }
0x37: {  	[smem:$0x3FBA] =	sst s10  }
0x38: {  	s10 =	sld [smem:$0x3FBB]  }
0x39: {  	_ = 	snop;
	(pc) =	sbr.ind lr, $3  }
0x3a: {  	_ = 	snop  }
0x3b: {  	_ = 	snop  }
0x3c: {  	p2 =	seq.s32 s10, $0x1;
	s10 =	sld [smem:$0x3FBA]  }
0x3d: {  	_ =	shalt  }
0x3e: {  	_ =	shalt  }
0x3f: {  	_ =	shalt  }
0x40: {  	_ =	shalt  }
0x41: {  	_ =	shalt  }
0x42: {  	_ =	shalt  }
0x43: {  	_ =	shalt  }
0x44: {  	_ =	shalt  }
0x45: {  	_ =	shalt  }
0x46: {  	_ =	shalt  }
0x47: {  	_ =	shalt  }
0x48: {  	_ =	shalt  }
0x49: {  	_ =	shalt  }
0x4a: {  	_ =	shalt  }
0x4b: {  	_ =	shalt  }
0x4c: {  	_ =	shalt  }
0x4d: {  	_ =	shalt  }
0x4e: {  	_ =	shalt  }
0x4f: {  	_ =	shalt  }
0x50: {  	_ =	shalt  }
0x51: {  	_ =	shalt  }
0x52: {  	_ =	shalt  }
0x53: {  	_ =	shalt  }
0x54: {  	_ =	shalt  }
0x55: {  	_ =	shalt  }
0x56: {  	_ =	shalt  }
0x57: {  	_ =	shalt  }
0x58: {  	_ =	shalt  }
0x59: {  	_ =	shalt  }
0x5a: {  	_ =	shalt  }
0x5b: {  	_ =	shalt  }
0x5c: {  	_ =	shalt  }
0x5d: {  	_ =	shalt  }
0x5e: {  	_ =	shalt  }
0x5f: {  	_ =	shalt  }
0x60: {  	_ =	shalt  }
0x61: {  	_ =	shalt  }
0x62: {  	_ =	shalt  }
0x63: {  	_ =	shalt  }
0x64: {  	_ =	shalt  }
0x65: {  	_ =	shalt  }
0x66: {  	_ =	shalt  }
0x67: {  	_ =	shalt  }
0x68: {  	_ =	shalt  }
0x69: {  	_ =	shalt  }
0x6a: {  	_ =	shalt  }
0x6b: {  	_ =	shalt  }
0x6c: {  	_ =	shalt  }
0x6d: {  	_ =	shalt  }
0x6e: {  	_ =	shalt  }
0x6f: {  	_ =	shalt  }
0x70: {  	_ =	shalt  }
0x71: {  	_ =	shalt  }
0x72: {  	_ =	shalt  }
0x73: {  	_ =	shalt  }
0x74: {  	_ =	shalt  }
0x75: {  	_ =	shalt  }
0x76: {  	_ =	shalt  }
0x77: {  	_ =	shalt  }
0x78: {  	_ =	shalt  }
0x79: {  	_ =	shalt  }
0x7a: {  	_ =	shalt  }
0x7b: {  	_ =	shalt  }
0x7c: {  	_ =	shalt  }
0x7d: {  	_ =	shalt  }
0x7e: {  	_ =	shalt  }
0x7f: {  	_ =	shalt  }
0x80: {  	_ =	shalt  }
0x81: {  	_ =	shalt  }
0x82: {  	_ =	shalt  }
0x83: {  	_ =	shalt  }
0x84: {  	_ =	shalt  }
0x85: {  	_ =	shalt  }
0x86: {  	_ =	shalt  }
0x87: {  	_ =	shalt  }
.Lfunc_end0:
.L_simem_size_0:
called_computation_lowered:
.L_overlay_start_0:
0x88: {  	s2 =	sld [smem:$0x3FD9]  }
0x89: {  	s3 =	sld [smem:$0x3FFE];
	_ =	sdelay $0x1  }
0x8a: {  	s1 =	srdreg.scid  }
0x8b: {  	s0 =	sand.u32 $0x1, s1  }
0x8c: {  	s18 =	sshll.u32 s0, $0xA;
	s2 =	sadd.s32 s3, s2  }
0x8d: {  	s2 =	sadd.s32 s2, s18  }
0x8e: {  	[smem:$0x3FC6] =	sst s2  }
0x8f: {  	_ = 	snop  }
0x90: {  	s2 =	sld [smem:$0x3FC9]  }
0x91: {  	s19 =	sld [smem:$0x3FC8]  }
0x92: {  	s4 =	sld [smem:$0x3FD0];
	(tm) =	ssettm $0x1  }
0x93: {  	s5 =	sld [smem:$0x3FFB];
	_ =	sdelay $0x3  }
0x94: {  	_ =	strace s5  }
0x95: {  	s5 =	sld [smem:$0x3FFC];
	_ =	sdelay $0x3  }
0x96: {  	_ =	strace s5  }
0x97: {  	s5 =	sld [smem:$0x3FFD];
	_ =	sdelay $0x3  }
0x98: {  	_ =	strace s5  }
0x99: {  	_ =	strace $0x8FFFFFFF  }
0x9a: {  	s20 =	sld [smem:$0x3FDB];
	_ =	sdelay $0x1  }
0x9b: {  	s6 =	simm.s32 $_scs_section_size  }
0x9c: {  	s7 =	simm.s32 $_size__tile_overlayer_lowered;
	s8 =	simm.s32 $_tile_overlayer_lowered  }
0x9d: {  	s23 =	simm.s32 $0x1BFF;
	s22 =	sshll.u32 s8, $0x1;
	s5 =	sadd.s32 s6, s20  }
0x9e: {  	s9 =	simm.s32 $0x0;
	s21 =	sshll.u32 s7, $0x1;
	s7 =	sadd.s32 s22, s5  }
0x9f: {  	[timem:s9], [sflag:s23] =	dma.local [hbm:s7], s21  }
0xa0: {  	_ =	swait.ge [sflag:s23], s21  }
0xa1: {  	s6 =	ssub.s32 $0x0, s21;
	[sflag:s23] =	ssyncset.done $0x0  }
0xa2: {  	[sflag:s23] =	ssyncadd.s32 s6;
	_ =	sdelay $0x1  }
0xa3: {  	s24 =	simm.s32 $0x1B8B  }
0xa4: {  	_ =	swait.ge [sflag:s24], $0x1  }
0xa5: {  	[sflag:s24] =	ssyncset.done $0x0  }
0xa6: {  	s25 =	simm.s32 $0x1B8E;
	[sflag:s24] =	ssyncadd.s32 $0xFFFFFFFF  }
0xa7: {  	s26 =	simm.s32 $execute0_lowered;
	[smem:$0x3FD2] =	sst s25  }
0xa8: {  	s6 =	sshll.u32 s26, $0x1;
	_ =	strace $0x80000046;
	[dreg:$0x1] =	wrdreg $0xFFFFFFFF  }
0xa9: {  	s28 =	simm.s32 $_size_execute0_lowered;
	s5 =	sadd.s32 s5, s6;
	[dreg:$0x0] =	wrdreg $0x0  }
0xaa: {  	s6 =	sshll.u32 s28, $0x1;
	[dreg:$0x2] =	wrdreg s5  }
0xab: {  	[dreg:$0x3] =	wrdreg s6  }
0xac: {  	[dreg:$0x4] =	wrdreg $0xC0  }
0xad: {  	_ =	task [dreg:s9], $0x5FFFF  }
0xae: {  	[dreg:$0x1] =	wrdreg $0xFFFFFFFF  }
0xaf: {  	[dreg:$0x0] =	wrdreg $0x60  }
0xb0: {  	[dreg:$0x2] =	wrdreg s2  }
0xb1: {  	[dreg:$0x3] =	wrdreg s19  }
0xb2: {  	[dreg:$0x4] =	wrdreg s4  }
0xb3: {  	[dreg:$0x5] =	wrdreg $0x9  }
0xb4: {  	_ =	task.clear_ibuf [dreg:s9], $0x6FFFF;
	_ =	strace $0x90000046  }
0xb5: {  	s29 =	simm.s32 $0x9;
	_ =	strace $0x80000048  }
0xb6: {  	_ =	swait.ge [sflag:s29], $0x1  }
0xb7: {  	[sflag:s29] =	ssyncadd.s32 $0xFFFFFFFF  }
0xb8: {  	_ =	strace $0x90000048  }
0xb9: {  	_ =	sfence  }
0xba: {  	s30 =	sld [smem:$0x0];
	_ =	sdelay $0x2  }
0xbb: {  	s31 =	sshll.u32 s1, $0xD;
	s1 =	sshrl.u32 s1, $0x2  }
0xbc: {  	s3 =	sand.u32 $0x4000, s31;
	s1 =	sadd.s32 s1, s30  }
0xbd: {  	s0 =	sor.u32 s3, s0;
	s1 =	sshll.u32 s1, $0x11  }
0xbe: {  	s0 =	sor.u32 s1, s0  }
0xbf: {  	s0 =	sadd.s32 $0x8F2B, s0  }
0xc0: {  	[sflag:s0] =	ssyncadd.remote.s32 $0x1  }
0xc1: {  	_ =	sfence.sel $0xFFFF  }
0xc2: {  	[dreg:$0x0] =	wrdreg $0xFFFFFFFF;
	(pc) =	sbr.abs _section_cstart, $3  }
0xc3: {  	[dreg:$0x1] =	wrdreg $0xFFFFFFFF  }
0xc4: {  	_ =	task.clear_ibuf [dreg:s9], $0x2FFFF;
	_ =	strace $0x9FFFFFFF  }
0xc5: {  	(tm) =	ssettm $0x7FFFFFFF  }
tec
execute0_lowered:
.L_overlay_start_1:
0x0: {  	(tag) =	ssettag $0x1  }
0x1: {  	s0 =	rddreg [dreg:$0x0]  }
0x2: {  	s25 =	rddreg [dreg:$0x1]  }
0x3: {  	s2 =	rddreg [dreg:$0x2];
	s7 =	simm.s32 $0x0  }
0x4: {  	s3 =	srdreg.scid;
	s1 =	stileid.u32;
	v0 =	vlaneseq.u32;
	s8 =	simm.s32 $0x7A1400  }
0x5: {  	s9 =	simm.s32 $0x400;
	s10 =	simm.s32 $0x280;
	s28 =	simm.s32 $0x1280;
	v0 =	vmul.u32 $0x80, v0  }
0x6: {  	s29 =	simm.s32 $0x3280;
	s17 =	simm.s32 $0x4280;
	s18 =	simm.s32 $0x5280  }
0x7: {  	s19 =	simm.s32 $0x6280;
	s24 =	simm.s32 $0xC280;
	s14 =	simm.s32 $0x7280;
	v1 =	vor.u32 $0x800, v0  }
0x8: {  	s26 =	simm.s32 $0xD280;
	s11 =	simm.s32 $0x8280;
	s30 =	simm.s32 $0xE280;
	v2 =	vor.u32 $0x1000, v0;
	v3 =	vor.u32 $0x1800, v0;
	v4 =	vor.u32 $0x2000, v0  }
0x9: {  	s12 =	simm.s32 $0x9280;
	s31 =	simm.s32 $0xF280;
	[smem:$0x7FF] =	sst s7;
	v5 =	vor.u32 $0x2800, v0;
	v6 =	vor.u32 $0x3000, v0;
	v7 =	vor.u32 $0x3800, v0  }
0xa: {  	s13 =	simm.s32 $0xA280;
	_ =	strace $0x80000047;
	[dreg:$0x4] =	wrdreg s24;
	v8 =	vor.u32 $0x4000, v0;
	v9 =	vor.u32 $0x4800, v0;
	v10 =	vor.u32 $0x5000, v0  }
0xb: {  	s3 =	sand.u32 $0x1, s3;
	s4 =	sshll.u32 s1, $0x1;
	[dreg:$0x5] =	wrdreg s26;
	v11 =	vor.u32 $0x5800, v0;
	v12 =	vor.u32 $0x6000, v0;
	v13 =	vor.u32 $0x6800, v0  }
0xc: {  	s5 =	ssub.s32 $0x2, s3;
	s3 =	sor.u32 s3, s4;
	[dreg:$0x6] =	wrdreg s30;
	v14 =	vor.u32 $0x7000, v0;
	v15 =	vor.u32 $0x7800, v0;
	v16 =	vor.u32 $0x8000, v0  }
0xd: {  	s1 =	simm.s32 $0x5;
	[dreg:$0x7] =	wrdreg s31;
	s6 =	sshll.u32 s3, $0x6;
	v17 =	vor.u32 $0x8800, v0;
	v18 =	vor.u32 $0x9000, v0;
	v19 =	vor.u32 $0x9800, v0  }
0xe: {  	s21 =	sshrl.u32 s5, $0x1;
	s3 =	sshll.u32 s3, $0xB;
	v20 =	vor.u32 $0xA000, v0;
	v21 =	vor.u32 $0xA800, v0;
	v22 =	vor.u32 $0xB000, v0;
	s0 =	sadd.s32 s0, s6  }
0xf: {  	v23 =	vor.u32 $0xB800, v0;
	v24 =	vor.u32 $0xC000, v0;
	v25 =	vor.u32 $0xC800, v0;
	s4 =	ssub.s32 s5, s21;
	s22 =	sadd.s32 s2, s3;
	[dreg:$0x9] =	wrdreg s0  }
0x10: {  	v26 =	vor.u32 $0xD000, v0;
	v27 =	vor.u32 $0xD800, v0;
	v28 =	vor.u32 $0xE000, v0;
	s2 =	simm.s32 $0x0;
	[dreg:$0xa] =	wrdreg s22;
	s23 =	smax.u32 s4, $0x1  }
0x11: {  	v29 =	vor.u32 $0xE800, v0;
	v30 =	vor.u32 $0xF000, v0;
	v31 =	vor.u32 $0xF800, v0;
	s22 =	simm.s32 $0x2280;
	s4 =	simm.s32 $0xB280;
	[dreg:$0xb] =	wrdreg s23  }
.LBB2_1:
0x12: {  	[dreg:$0xc] =	wrdreg s2  }
0x13: {  	s0 =	rddreg [dreg:$0x9]  }
0x14: {  	[tilespmem:s7], [sflag:$0x5] =	stream.linear.gather [hbm4b:s0+s7], $0x200, $0x38;
	[tilespmem:$0x14280] =	vst v63  }
0x15: {  	_ =	swait.ge [sflag:s1], $0x200  }
0x16: {  	[sflag:s1] =	ssyncset.done $0x0  }
0x17: {  	[sflag:s1] =	ssyncadd.s32 $0xFFFFFE00  }
0x18: {  	v32 =	vld [tilespmem:$0x0];
	_ =	sdelay $0x4  }
0x19: {  	vm0 =	vgt.s32 v32, $0x0  }
0x1a: {  	v32 =	vnsel vm0, $0x0, v32  }
0x1b: {  	v32 =	vmin.u32 v32, $0xF423F  }
0x1c: {  	(v2sf) =	vpush v32, $0x0;
	_ =	sdelay $0x1  }
0x1d: {  	(v2sf) =	vpush v32, $0x1;
	_ =	sdelay $0x2  }
0x1e: {  	(v2sf) =	vpush v32, $0x2;
	_ =	sdelay $0x2  }
0x1f: {  	(v2sf) =	vpush v32, $0x3;
	_ =	sdelay $0x2  }
0x20: {  	(v2sf) =	vpush v32, $0x4;
	_ =	sdelay $0x2  }
0x21: {  	(v2sf) =	vpush v32, $0x5  }
0x22: {  	s24 =	spop (v2sf)  }
0x23: {  	s0 =	sand.u32 $0xFFF80, s24  }
0x24: {  	(v2sf) =	vpush v32, $0x6;
	s26 =	spop (v2sf);
	s0 =	sadd.s32 s25, s0  }
0x25: {  	[tilespmem:s10], [sflag:$0x1] =	stream.strided.gather [hbm4b:s0+s9], $0x1000, s8, s9, $0x38;
	[tilespmem:$0x14280] =	vst v63  }
0x26: {  	s0 =	sand.u32 $0xFFF80, s26  }
0x27: {  	(v2sf) =	vpush v32, $0x7;
	s1 =	spop (v2sf);
	s0 =	sadd.s32 s25, s0  }
0x28: {  	[tilespmem:s28], [sflag:$0x1] =	stream.strided.gather [hbm4b:s0+s9], $0x1000, s8, s9, $0x38;
	[tilespmem:$0x14280] =	vst v63  }
0x29: {  	s0 =	sand.u32 $0xFFF80, s1  }
0x2a: {  	s2 =	spop (v2sf);
	s0 =	sadd.s32 s25, s0  }
0x2b: {  	[tilespmem:s22], [sflag:$0x1] =	stream.strided.gather [hbm4b:s0+s9], $0x1000, s8, s9, $0x38;
	[tilespmem:$0x14280] =	vst v63  }
0x2c: {  	(v2sf) =	vpush v32, $0x8;
	s0 =	sand.u32 $0xFFF80, s2  }
0x2d: {  	s3 =	spop (v2sf);
	s0 =	sadd.s32 s25, s0  }
0x2e: {  	(v2sf) =	vpush v32, $0x9;
	[tilespmem:s29], [sflag:$0x1] =	stream.strided.gather [hbm4b:s0+s9], $0x1000, s8, s9, $0x38;
	[tilespmem:$0x14280] =	vst v63  }
0x2f: {  	s0 =	sand.u32 $0xFFF80, s3  }
0x30: {  	s5 =	spop (v2sf);
	s0 =	sadd.s32 s25, s0  }
0x31: {  	(v2sf) =	vpush v32, $0xA;
	[tilespmem:s17], [sflag:$0x2] =	stream.strided.gather [hbm4b:s0+s9], $0x1000, s8, s9, $0x38;
	[tilespmem:$0x14280] =	vst v63  }
0x32: {  	s0 =	sand.u32 $0xFFF80, s5  }
0x33: {  	s6 =	spop (v2sf);
	s0 =	sadd.s32 s25, s0  }
0x34: {  	(v2sf) =	vpush v32, $0xB;
	[tilespmem:s18], [sflag:$0x2] =	stream.strided.gather [hbm4b:s0+s9], $0x1000, s8, s9, $0x38;
	[tilespmem:$0x14280] =	vst v63  }
0x35: {  	s0 =	sand.u32 $0xFFF80, s6  }
0x36: {  	s7 =	spop (v2sf);
	s0 =	sadd.s32 s25, s0  }
0x37: {  	[tilespmem:s19], [sflag:$0x2] =	stream.strided.gather [hbm4b:s0+s9], $0x1000, s8, s9, $0x38;
	[tilespmem:$0x14280] =	vst v63  }
0x38: {  	s0 =	sand.u32 $0xFFF80, s7  }
0x39: {  	s0 =	sadd.s32 s25, s0  }
0x3a: {  	[tilespmem:s14], [sflag:$0x2] =	stream.strided.gather [hbm4b:s0+s9], $0x1000, s8, s9, $0x38;
	[tilespmem:$0x14280] =	vst v63  }
0x3b: {  	s14 =	spop (v2sf)  }
0x3c: {  	s0 =	sand.u32 $0xFFF80, s14  }
0x3d: {  	s15 =	spop (v2sf);
	s0 =	sadd.s32 s25, s0  }
0x3e: {  	[tilespmem:s11], [sflag:$0x3] =	stream.strided.gather [hbm4b:s0+s9], $0x1000, s8, s9, $0x38;
	[tilespmem:$0x14280] =	vst v63  }
0x3f: {  	s0 =	sand.u32 $0xFFF80, s15  }
0x40: {  	s16 =	spop (v2sf);
	s0 =	sadd.s32 s25, s0  }
0x41: {  	[tilespmem:s12], [sflag:$0x3] =	stream.strided.gather [hbm4b:s0+s9], $0x1000, s8, s9, $0x38;
	[tilespmem:$0x14280] =	vst v63  }
0x42: {  	s0 =	sand.u32 $0xFFF80, s16  }
0x43: {  	s17 =	spop (v2sf);
	s0 =	sadd.s32 s25, s0  }
0x44: {  	[tilespmem:s13], [sflag:$0x3] =	stream.strided.gather [hbm4b:s0+s9], $0x1000, s8, s9, $0x38;
	[tilespmem:$0x14280] =	vst v63  }
0x45: {  	s0 =	sand.u32 $0xFFF80, s17  }
0x46: {  	s18 =	simm.s32 $0x0;
	s0 =	sadd.s32 s25, s0  }
0x47: {  	[tilespmem:s4], [sflag:$0x3] =	stream.strided.gather [hbm4b:s0+s9], $0x1000, s8, s9, $0x38;
	[tilespmem:$0x14280] =	vst v63  }
0x48: {  	v59 =	vld [tilespmem:s18+$0x0];
	_ =	sdelay $0x4  }
0x49: {  	vm14 =	vgt.s32 v59, $0x0  }
0x4a: {  	v32 =	vnsel vm14, $0x0, v59  }
0x4b: {  	v32 =	vmin.u32 v32, $0xF423F  }
0x4c: {  	(v2sf) =	vpush v32, $0xC  }
0x4d: {  	(v2sf) =	vpush v32, $0xD  }
0x4e: {  	(v2sf) =	vpush v32, $0xE;
	_ =	sdelay $0x1  }
0x4f: {  	(v2sf) =	vpush v32, $0xF;
	_ =	sdelay $0x1  }
0x50: {  	(v2sf) =	vpush v32, $0x0;
	_ =	sdelay $0x1  }
0x51: {  	(v2sf) =	vpush v32, $0x1;
	_ =	sdelay $0x2  }
0x52: {  	(v2sf) =	vpush v32, $0x2  }
0x53: {  	(v2sf) =	vpush v32, $0x3  }
0x54: {  	s20 =	rddreg [dreg:$0x5];
	(v2sf) =	vpush v32, $0x4  }
0x55: {  	s3 =	rddreg [dreg:$0x4]  }
0x56: {  	s5 =	rddreg [dreg:$0x7];
	(v2sf) =	vpush v32, $0x5;
	s4 =	spop (v2sf)  }
0x57: {  	s6 =	rddreg [dreg:$0x6];
	(v2sf) =	vpush v32, $0x6;
	s19 =	sand.u32 $0xFFF80, s4;
	s2 =	spop (v2sf)  }
0x58: {  	(v2sf) =	vpush v32, $0x7;
	s7 =	sadd.s32 s25, s19;
	s21 =	sand.u32 $0xFFF80, s2;
	s0 =	spop (v2sf)  }
0x59: {  	v33 =	vld [tilespmem:s18+$0x10];
	[tilespmem:s3], [sflag:$0x4] =	stream.strided.gather [hbm4b:s7+s9], $0x1000, s8, s9, $0x38  }
0x5a: {  	(v2sf) =	vpush v32, $0x8;
	s22 =	sadd.s32 s25, s21;
	s23 =	sand.u32 $0xFFF80, s0;
	s3 =	spop (v2sf)  }
0x5b: {  	(v2sf) =	vpush v32, $0x9;
	[tilespmem:s20], [sflag:$0x4] =	stream.strided.gather [hbm4b:s22+s9], $0x1000, s8, s9, $0x38;
	[tilespmem:$0x14280] =	vst v63  }
0x5c: {  	(v2sf) =	vpush v32, $0xA;
	s24 =	sadd.s32 s25, s23;
	s26 =	sand.u32 $0xFFF80, s3;
	s1 =	spop (v2sf)  }
0x5d: {  	[tilespmem:s6], [sflag:$0x4] =	stream.strided.gather [hbm4b:s24+s9], $0x1000, s8, s9, $0x38;
	[tilespmem:$0x14280] =	vst v63  }
0x5e: {  	s14 =	simm.s32 $0x1;
	vm15 =	vgt.s32 v33, $0x0;
	s11 =	sadd.s32 s25, s26;
	s13 =	spop (v2sf)  }
0x5f: {  	v60 =	vnsel vm15, $0x0, v33;
	(v2sf) =	vpush v32, $0xB;
	[tilespmem:s5], [sflag:$0x4] =	stream.strided.gather [hbm4b:s11+s9], $0x1000, s8, s9, $0x38;
	[tilespmem:$0x14280] =	vst v63  }
0x60: {  	v32 =	vmin.u32 v60, $0xF423F;
	_ =	swait.ge [sflag:s14], $0x1000  }
0x61: {  	s16 =	spop (v2sf);
	(v2sf) =	vpush v32, $0x2  }
0x62: {  	[sflag:s14] =	ssyncset.done $0x0;
	s20 =	spop (v2sf);
	(v2sf) =	vpush v32, $0x3  }
0x63: {  	[sflag:s14] =	ssyncadd.s32 $0xFFFFF000;
	(v2sf) =	vpush v32, $0x1;
	s19 =	spop (v2sf)  }
0x64: {  	_ =	swait.ge [sflag:s14], $0x1000  }
0x65: {  	(v2sf) =	vpush v32, $0x0;
	s18 =	spop (v2sf)  }
0x66: {  	[sflag:s14] =	ssyncset.done $0x0;
	s17 =	spop (v2sf);
	(v2sf) =	vpush v32, $0x4  }
0x67: {  	[sflag:s14] =	ssyncadd.s32 $0xFFFFF000;
	s15 =	spop (v2sf);
	(v2sf) =	vpush v32, $0x5  }
0x68: {  	_ =	swait.ge [sflag:s14], $0x1000  }
0x69: {  	s21 =	sand.u32 $0x7F, s1;
	(v2sf) =	vpush v32, $0x6;
	s7 =	spop (v2sf)  }
0x6a: {  	v61 =	vor.u32 s21, v0;
	[sflag:s14] =	ssyncset.done $0x0;
	(v2sf) =	vpush v32, $0x7;
	s6 =	spop (v2sf)  }
0x6b: {  	v34 =	vor.u32 s21, v1;
	[sflag:s14] =	ssyncadd.s32 $0xFFFFF000;
	s5 =	spop (v2sf);
	(v2sf) =	vpush v32, $0x8  }
0x6c: {  	_ =	swait.ge [sflag:s14], $0x1000  }
0x6d: {  	[sflag:s14] =	ssyncset.done $0x0  }
0x6e: {  	[sflag:s14] =	ssyncadd.s32 $0xFFFFF000  }
0x6f: {  	v33 =	vld.idx.msk [tilespmem:v61+s10+$0x0], $0xffff  }
0x70: {  	s11 =	sand.u32 $0x7F, s13;
	v34 =	vld.idx.msk [tilespmem:v34+s10+$0x0], $0xffff  }
0x71: {  	v35 =	vor.u32 s11, v2  }
0x72: {  	v36 =	vor.u32 s11, v3  }
0x73: {  	s26 =	simm.s32 $0x10380  }
0x74: {  	[tilespmem:s26+$0xFFFFFF00] =	vst v33  }
0x75: {  	[tilespmem:s26+$0xFFFFFF10] =	vst v34  }
0x76: {  	v33 =	vld.idx.msk [tilespmem:v35+s10+$0x0], $0xffff  }
0x77: {  	s22 =	sand.u32 $0x7F, s16;
	v34 =	vld.idx.msk [tilespmem:v36+s10+$0x0], $0xffff  }
0x78: {  	v62 =	vor.u32 s22, v4  }
0x79: {  	v63 =	vor.u32 s22, v5;
	_ =	sdelay $0x1  }
0x7a: {  	[tilespmem:s26+$0xFFFFFF20] =	vst v33  }
0x7b: {  	[tilespmem:s26+$0xFFFFFF30] =	vst v34  }
0x7c: {  	v33 =	vld.idx.msk [tilespmem:v62+s10+$0x0], $0xffff  }
0x7d: {  	s23 =	sand.u32 $0x7F, s20;
	v34 =	vld.idx.msk [tilespmem:v63+s10+$0x0], $0xffff  }
0x7e: {  	v40 =	vor.u32 s23, v6;
	(v2sf) =	vpush v32, $0x9  }
0x7f: {  	v41 =	vor.u32 s23, v7  }
0x80: {  	(v2sf) =	vpush v32, $0xA  }
0x81: {  	s11 =	spop (v2sf);
	[tilespmem:s26+$0xFFFFFF40] =	vst v33  }
0x82: {  	(v2sf) =	vpush v32, $0xB;
	s24 =	spop (v2sf);
	[tilespmem:s26+$0xFFFFFF50] =	vst v34  }
0x83: {  	s13 =	spop (v2sf);
	v42 =	vld.idx.msk [tilespmem:v40+s10+$0x0], $0xffff  }
0x84: {  	s1 =	spop (v2sf);
	v33 =	vld.idx.msk [tilespmem:v41+s10+$0x0], $0xffff  }
0x85: {  	s16 =	spop (v2sf)  }
0x86: {  	s23 =	spop (v2sf)  }
0x87: {  	s22 =	spop (v2sf)  }
0x88: {  	s24 =	sand.u32 $0xFFF80, s24;
	s16 =	sand.u32 $0xFFF80, s16;
	s20 =	spop (v2sf);
	[tilespmem:s26+$0xFFFFFF60] =	vst v42  }
0x89: {  	s14 =	sand.u32 $0xFFF80, s1;
	s16 =	sadd.s32 s25, s16;
	s21 =	spop (v2sf);
	[tilespmem:s26+$0xFFFFFF70] =	vst v33  }
0x8a: {  	[tilespmem:s10], [sflag:$0x1] =	stream.strided.gather [hbm4b:s16+s9], $0x1000, s8, s9, $0x38;
	[tilespmem:$0x14280] =	vst v63  }
0x8b: {  	s1 =	sadd.s32 s25, s24;
	s14 =	sadd.s32 s25, s14;
	s16 =	spop (v2sf)  }
0x8c: {  	[tilespmem:s28], [sflag:$0x1] =	stream.strided.gather [hbm4b:s14+s9], $0x1000, s8, s9, $0x38;
	[tilespmem:$0x14280] =	vst v63  }
0x8d: {  	s24 =	simm.s32 $0x2280;
	s12 =	spop (v2sf);
	s28 =	sand.u32 $0xFFF80, s13  }
0x8e: {  	[tilespmem:s24], [sflag:$0x1] =	stream.strided.gather [hbm4b:s1+s9], $0x1000, s8, s9, $0x38;
	[tilespmem:$0x14280] =	vst v63  }
0x8f: {  	s13 =	spop (v2sf);
	s14 =	sadd.s32 s25, s28  }
0x90: {  	[tilespmem:s29], [sflag:$0x1] =	stream.strided.gather [hbm4b:s14+s9], $0x1000, s8, s9, $0x38;
	[tilespmem:$0x14280] =	vst v63  }
0x91: {  	s28 =	simm.s32 $0x2;
	s14 =	spop (v2sf)  }
0x92: {  	_ =	swait.ge [sflag:s28], $0x1000  }
0x93: {  	[sflag:s28] =	ssyncset.done $0x0  }
0x94: {  	[sflag:s28] =	ssyncadd.s32 $0xFFFFF000  }
0x95: {  	_ =	swait.ge [sflag:s28], $0x1000  }
0x96: {  	[sflag:s28] =	ssyncset.done $0x0  }
0x97: {  	[sflag:s28] =	ssyncadd.s32 $0xFFFFF000  }
0x98: {  	s19 =	sand.u32 $0x7F, s19;
	_ =	swait.ge [sflag:s28], $0x1000  }
0x99: {  	v43 =	vor.u32 s19, v8;
	[sflag:s28] =	ssyncset.done $0x0  }
0x9a: {  	v44 =	vor.u32 s19, v9;
	[sflag:s28] =	ssyncadd.s32 $0xFFFFF000  }
0x9b: {  	_ =	swait.ge [sflag:s28], $0x1000  }
0x9c: {  	[sflag:s28] =	ssyncset.done $0x0  }
0x9d: {  	[sflag:s28] =	ssyncadd.s32 $0xFFFFF000  }
0x9e: {  	v32 =	vld.idx.msk [tilespmem:v43+s10+$0x0], $0xffff  }
0x9f: {  	s18 =	sand.u32 $0x7F, s18;
	v33 =	vld.idx.msk [tilespmem:v44+s10+$0x0], $0xffff  }
0xa0: {  	v45 =	vor.u32 s18, v10  }
0xa1: {  	v46 =	vor.u32 s18, v11;
	_ =	sdelay $0x1  }
0xa2: {  	[tilespmem:s26+$0xFFFFFF80] =	vst v32  }
0xa3: {  	[tilespmem:s26+$0xFFFFFF90] =	vst v33  }
0xa4: {  	v32 =	vld.idx.msk [tilespmem:v45+s10+$0x0], $0xffff  }
0xa5: {  	s17 =	sand.u32 $0x7F, s17;
	v33 =	vld.idx.msk [tilespmem:v46+s10+$0x0], $0xffff  }
0xa6: {  	v47 =	vor.u32 s17, v12  }
0xa7: {  	v48 =	vor.u32 s17, v13;
	_ =	sdelay $0x1  }
0xa8: {  	[tilespmem:s26+$0xFFFFFFA0] =	vst v32  }
0xa9: {  	[tilespmem:s26+$0xFFFFFFB0] =	vst v33  }
0xaa: {  	v32 =	vld.idx.msk [tilespmem:v47+s10+$0x0], $0xffff  }
0xab: {  	s15 =	sand.u32 $0x7F, s15;
	v33 =	vld.idx.msk [tilespmem:v48+s10+$0x0], $0xffff  }
0xac: {  	v49 =	vor.u32 s15, v14  }
0xad: {  	v50 =	vor.u32 s15, v15;
	_ =	sdelay $0x1  }
0xae: {  	[tilespmem:s26+$0xFFFFFFC0] =	vst v32  }
0xaf: {  	[tilespmem:s26+$0xFFFFFFD0] =	vst v33  }
0xb0: {  	v32 =	vld.idx.msk [tilespmem:v49+s10+$0x0], $0xffff  }
0xb1: {  	v33 =	vld.idx.msk [tilespmem:v50+s10+$0x0], $0xffff;
	_ =	sdelay $0x3  }
0xb2: {  	s24 =	sand.u32 $0xFFF80, s23;
	[tilespmem:s26+$0xFFFFFFE0] =	vst v32  }
0xb3: {  	s17 =	simm.s32 $0x4280;
	s15 =	sadd.s32 s25, s24;
	s28 =	sand.u32 $0xFFF80, s22;
	[tilespmem:s26+$0xFFFFFFF0] =	vst v33  }
0xb4: {  	[tilespmem:s17], [sflag:$0x2] =	stream.strided.gather [hbm4b:s15+s9], $0x1000, s8, s9, $0x38;
	[tilespmem:$0x14280] =	vst v63  }
0xb5: {  	s29 =	simm.s32 $0x5280;
	s15 =	sadd.s32 s25, s28  }
0xb6: {  	[tilespmem:s29], [sflag:$0x2] =	stream.strided.gather [hbm4b:s15+s9], $0x1000, s8, s9, $0x38;
	[tilespmem:$0x14280] =	vst v63  }
0xb7: {  	s29 =	sand.u32 $0xFFF80, s20  }
0xb8: {  	s19 =	simm.s32 $0x6280;
	s1 =	sand.u32 $0xFFF80, s21;
	s15 =	sadd.s32 s25, s29  }
0xb9: {  	[tilespmem:s19], [sflag:$0x2] =	stream.strided.gather [hbm4b:s15+s9], $0x1000, s8, s9, $0x38;
	[tilespmem:$0x14280] =	vst v63  }
0xba: {  	s30 =	simm.s32 $0x7280;
	s15 =	sadd.s32 s25, s1  }
0xbb: {  	[tilespmem:s30], [sflag:$0x2] =	stream.strided.gather [hbm4b:s15+s9], $0x1000, s8, s9, $0x38;
	[tilespmem:$0x14280] =	vst v63  }
0xbc: {  	s15 =	simm.s32 $0x3  }
0xbd: {  	_ =	swait.ge [sflag:s15], $0x1000  }
0xbe: {  	[sflag:s15] =	ssyncset.done $0x0  }
0xbf: {  	[sflag:s15] =	ssyncadd.s32 $0xFFFFF000  }
0xc0: {  	_ =	swait.ge [sflag:s15], $0x1000  }
0xc1: {  	[sflag:s15] =	ssyncset.done $0x0  }
0xc2: {  	[sflag:s15] =	ssyncadd.s32 $0xFFFFF000  }
0xc3: {  	s7 =	sand.u32 $0x7F, s7;
	_ =	swait.ge [sflag:s15], $0x1000  }
0xc4: {  	v51 =	vor.u32 s7, v16;
	[sflag:s15] =	ssyncset.done $0x0  }
0xc5: {  	v52 =	vor.u32 s7, v17;
	[sflag:s15] =	ssyncadd.s32 $0xFFFFF000  }
0xc6: {  	_ =	swait.ge [sflag:s15], $0x1000  }
0xc7: {  	[sflag:s15] =	ssyncset.done $0x0  }
0xc8: {  	[sflag:s15] =	ssyncadd.s32 $0xFFFFF000  }
0xc9: {  	v32 =	vld.idx.msk [tilespmem:v51+s10+$0x0], $0xffff  }
0xca: {  	s6 =	sand.u32 $0x7F, s6;
	v33 =	vld.idx.msk [tilespmem:v52+s10+$0x0], $0xffff  }
0xcb: {  	v53 =	vor.u32 s6, v18  }
0xcc: {  	v54 =	vor.u32 s6, v19;
	_ =	sdelay $0x1  }
0xcd: {  	[tilespmem:s26+$0x0] =	vst v32  }
0xce: {  	[tilespmem:s26+$0x10] =	vst v33  }
0xcf: {  	v32 =	vld.idx.msk [tilespmem:v53+s10+$0x0], $0xffff  }
0xd0: {  	s5 =	sand.u32 $0x7F, s5;
	v33 =	vld.idx.msk [tilespmem:v54+s10+$0x0], $0xffff  }
0xd1: {  	v55 =	vor.u32 s5, v20  }
0xd2: {  	v56 =	vor.u32 s5, v21;
	_ =	sdelay $0x1  }
0xd3: {  	[tilespmem:s26+$0x20] =	vst v32  }
0xd4: {  	[tilespmem:s26+$0x30] =	vst v33  }
0xd5: {  	v32 =	vld.idx.msk [tilespmem:v55+s10+$0x0], $0xffff  }
0xd6: {  	s17 =	sand.u32 $0x7F, s11;
	v33 =	vld.idx.msk [tilespmem:v56+s10+$0x0], $0xffff  }
0xd7: {  	v57 =	vor.u32 s17, v22  }
0xd8: {  	v58 =	vor.u32 s17, v23;
	_ =	sdelay $0x1  }
0xd9: {  	[tilespmem:s26+$0x40] =	vst v32  }
0xda: {  	[tilespmem:s26+$0x50] =	vst v33  }
0xdb: {  	v32 =	vld.idx.msk [tilespmem:v57+s10+$0x0], $0xffff  }
0xdc: {  	v33 =	vld.idx.msk [tilespmem:v58+s10+$0x0], $0xffff;
	_ =	sdelay $0x3  }
0xdd: {  	s19 =	sand.u32 $0xFFF80, s16;
	[tilespmem:s26+$0x60] =	vst v32  }
0xde: {  	s18 =	simm.s32 $0x8280;
	s20 =	sand.u32 $0xFFF80, s12;
	s5 =	sadd.s32 s25, s19;
	[tilespmem:s26+$0x70] =	vst v33  }
0xdf: {  	[tilespmem:s18], [sflag:$0x3] =	stream.strided.gather [hbm4b:s5+s9], $0x1000, s8, s9, $0x38;
	[tilespmem:$0x14280] =	vst v63  }
0xe0: {  	s21 =	simm.s32 $0x9280;
	s22 =	sand.u32 $0xFFF80, s13;
	s5 =	sadd.s32 s25, s20  }
0xe1: {  	[tilespmem:s21], [sflag:$0x3] =	stream.strided.gather [hbm4b:s5+s9], $0x1000, s8, s9, $0x38;
	[tilespmem:$0x14280] =	vst v63  }
0xe2: {  	s23 =	simm.s32 $0xA280;
	s24 =	sand.u32 $0xFFF80, s14;
	s5 =	sadd.s32 s25, s22  }
0xe3: {  	[tilespmem:s23], [sflag:$0x3] =	stream.strided.gather [hbm4b:s5+s9], $0x1000, s8, s9, $0x38;
	[tilespmem:$0x14280] =	vst v63  }
0xe4: {  	s31 =	simm.s32 $0xB280;
	s28 =	simm.s32 $0x4;
	s5 =	sadd.s32 s25, s24  }
0xe5: {  	[tilespmem:s31], [sflag:$0x3] =	stream.strided.gather [hbm4b:s5+s9], $0x1000, s8, s9, $0x38;
	[tilespmem:$0x14280] =	vst v63  }
0xe6: {  	_ =	swait.ge [sflag:s28], $0x1000  }
0xe7: {  	[sflag:s28] =	ssyncset.done $0x0  }
0xe8: {  	[sflag:s28] =	ssyncadd.s32 $0xFFFFF000  }
0xe9: {  	_ =	swait.ge [sflag:s28], $0x1000  }
0xea: {  	[sflag:s28] =	ssyncset.done $0x0  }
0xeb: {  	[sflag:s28] =	ssyncadd.s32 $0xFFFFF000  }
0xec: {  	s4 =	sand.u32 $0x7F, s4;
	_ =	swait.ge [sflag:s28], $0x1000  }
0xed: {  	v59 =	vor.u32 s4, v24;
	[sflag:s28] =	ssyncset.done $0x0  }
0xee: {  	v60 =	vor.u32 s4, v25;
	[sflag:s28] =	ssyncadd.s32 $0xFFFFF000  }
0xef: {  	_ =	swait.ge [sflag:s28], $0x1000  }
0xf0: {  	[sflag:s28] =	ssyncset.done $0x0  }
0xf1: {  	[sflag:s28] =	ssyncadd.s32 $0xFFFFF000  }
0xf2: {  	v32 =	vld.idx.msk [tilespmem:v59+s10+$0x0], $0xffff  }
0xf3: {  	s2 =	sand.u32 $0x7F, s2;
	v33 =	vld.idx.msk [tilespmem:v60+s10+$0x0], $0xffff  }
0xf4: {  	v61 =	vor.u32 s2, v26;
	_ =	sdelay $0x2  }
0xf5: {  	[tilespmem:s26+$0x80] =	vst v32  }
0xf6: {  	[tilespmem:s26+$0x90] =	vst v33  }
0xf7: {  	v62 =	vor.u32 s2, v27;
	v63 =	vld.idx.msk [tilespmem:v61+s10+$0x0], $0xffff;
	_ =	sdelay $0x3  }
0xf8: {  	s29 =	sand.u32 $0x7F, s0  }
0xf9: {  	s0 =	sand.u32 $0x7F, s3;
	v34 =	vor.u32 s29, v28;
	s30 =	simm.s32 $0x40;
	s31 =	simm.s32 $0x10380;
	v32 =	vor.u32 s29, v29;
	v33 =	vld.idx.msk [tilespmem:v62+s10+$0x0], $0xffff;
	[tilespmem:s26+$0xA0] =	vst v63  }
.LBB2_2:
0xfa: {  	_ =	sdelay $0x3  }
0xfb: {  	[tilespmem:s26+$0xB0] =	vst v33  }
0xfc: {  	v33 =	vld.idx.msk [tilespmem:v34+s10+$0x0], $0xffff  }
0xfd: {  	v32 =	vld.idx.msk [tilespmem:v32+s10+$0x0], $0xffff  }
0xfe: {  	v60 =	vor.u32 s0, v30  }
0xff: {  	v35 =	vor.u32 s0, v31;
	_ =	sdelay $0x1  }
0x100: {  	[tilespmem:s26+$0xC0] =	vst v33  }
0x101: {  	[tilespmem:s26+$0xD0] =	vst v32  }
0x102: {  	v32 =	vld.idx.msk [tilespmem:v60+s10+$0x0], $0xffff  }
0x103: {  	v33 =	vld.idx.msk [tilespmem:v35+s10+$0x0], $0xffff;
	_ =	sdelay $0x3  }
0x104: {  	s2 =	smov.u32 s30;
	[tilespmem:s26+$0xE0] =	vst v32  }
0x105: {  	s3 =	sshra.s32 s2, $0x2;
	[tilespmem:s26+$0xF0] =	vst v33  }
0x106: {  	v32 =	vld [tilespmem:s3+$0x0];
	_ =	sdelay $0x4  }
0x107: {  	vm0 =	vgt.s32 v32, $0x0  }
0x108: {  	v32 =	vnsel vm0, $0x0, v32  }
0x109: {  	v32 =	vmin.u32 v32, $0xF423F  }
0x10a: {  	(v2sf) =	vpush v32, $0xC  }
0x10b: {  	(v2sf) =	vpush v32, $0xD  }
0x10c: {  	(v2sf) =	vpush v32, $0xE;
	_ =	sdelay $0x1  }
0x10d: {  	(v2sf) =	vpush v32, $0xF;
	_ =	sdelay $0x1  }
0x10e: {  	(v2sf) =	vpush v32, $0x0;
	_ =	sdelay $0x1  }
0x10f: {  	(v2sf) =	vpush v32, $0x1;
	_ =	sdelay $0x2  }
0x110: {  	(v2sf) =	vpush v32, $0x2  }
0x111: {  	(v2sf) =	vpush v32, $0x3  }
0x112: {  	s4 =	rddreg [dreg:$0x7];
	(v2sf) =	vpush v32, $0x4  }
0x113: {  	s5 =	rddreg [dreg:$0x6]  }
0x114: {  	s6 =	rddreg [dreg:$0x4];
	(v2sf) =	vpush v32, $0x5;
	s0 =	spop (v2sf)  }
0x115: {  	s11 =	rddreg [dreg:$0x5];
	(v2sf) =	vpush v32, $0x6;
	s7 =	sand.u32 $0xFFF80, s0;
	s2 =	spop (v2sf)  }
0x116: {  	(v2sf) =	vpush v32, $0x7;
	s16 =	sadd.s32 s25, s7;
	s17 =	sand.u32 $0xFFF80, s2;
	s12 =	spop (v2sf)  }
0x117: {  	v33 =	vld [tilespmem:s3+$0x10];
	[tilespmem:s6], [sflag:$0x4] =	stream.strided.gather [hbm4b:s16+s9], $0x1000, s8, s9, $0x38  }
0x118: {  	(v2sf) =	vpush v32, $0x8;
	s18 =	sadd.s32 s25, s17;
	s19 =	sand.u32 $0xFFF80, s12;
	s13 =	spop (v2sf)  }
0x119: {  	(v2sf) =	vpush v32, $0x9;
	[tilespmem:s11], [sflag:$0x4] =	stream.strided.gather [hbm4b:s18+s9], $0x1000, s8, s9, $0x38;
	[tilespmem:$0x14280] =	vst v63  }
0x11a: {  	(v2sf) =	vpush v32, $0xA;
	s20 =	sadd.s32 s25, s19;
	s21 =	sand.u32 $0xFFF80, s13;
	s22 =	spop (v2sf)  }
0x11b: {  	[tilespmem:s5], [sflag:$0x4] =	stream.strided.gather [hbm4b:s20+s9], $0x1000, s8, s9, $0x38;
	[tilespmem:$0x14280] =	vst v63  }
0x11c: {  	s1 =	simm.s32 $0x1;
	vm15 =	vgt.s32 v33, $0x0;
	s23 =	sadd.s32 s25, s21;
	s28 =	spop (v2sf)  }
0x11d: {  	v61 =	vnsel vm15, $0x0, v33;
	(v2sf) =	vpush v32, $0xB;
	[tilespmem:s4], [sflag:$0x4] =	stream.strided.gather [hbm4b:s23+s9], $0x1000, s8, s9, $0x38;
	[tilespmem:$0x14280] =	vst v63  }
0x11e: {  	v32 =	vmin.u32 v61, $0xF423F;
	_ =	swait.ge [sflag:s1], $0x1000  }
0x11f: {  	s7 =	spop (v2sf);
	(v2sf) =	vpush v32, $0x2  }
0x120: {  	[sflag:s1] =	ssyncset.done $0x0;
	s8 =	spop (v2sf);
	(v2sf) =	vpush v32, $0x3  }
0x121: {  	[sflag:s1] =	ssyncadd.s32 $0xFFFFF000;
	(v2sf) =	vpush v32, $0x1;
	s9 =	spop (v2sf)  }
0x122: {  	_ =	swait.ge [sflag:s1], $0x1000  }
0x123: {  	(v2sf) =	vpush v32, $0x0;
	s14 =	spop (v2sf)  }
0x124: {  	[sflag:s1] =	ssyncset.done $0x0;
	s15 =	spop (v2sf);
	(v2sf) =	vpush v32, $0x4  }
0x125: {  	[sflag:s1] =	ssyncadd.s32 $0xFFFFF000;
	s19 =	spop (v2sf);
	(v2sf) =	vpush v32, $0x5  }
0x126: {  	_ =	swait.ge [sflag:s1], $0x1000  }
0x127: {  	s24 =	sand.u32 $0x7F, s22;
	(v2sf) =	vpush v32, $0x6;
	s20 =	spop (v2sf)  }
0x128: {  	v62 =	vor.u32 s24, v0;
	[sflag:s1] =	ssyncset.done $0x0;
	(v2sf) =	vpush v32, $0x7;
	s21 =	spop (v2sf)  }
0x129: {  	v63 =	vor.u32 s24, v1;
	[sflag:s1] =	ssyncadd.s32 $0xFFFFF000;
	s23 =	spop (v2sf);
	(v2sf) =	vpush v32, $0x8  }
0x12a: {  	_ =	swait.ge [sflag:s1], $0x1000  }
0x12b: {  	[sflag:s1] =	ssyncset.done $0x0  }
0x12c: {  	[sflag:s1] =	ssyncadd.s32 $0xFFFFF000  }
0x12d: {  	v36 =	vld.idx.msk [tilespmem:v62+s10+$0x0], $0xffff  }
0x12e: {  	s18 =	sand.u32 $0x7F, s28;
	v37 =	vld.idx.msk [tilespmem:v63+s10+$0x0], $0xffff  }
0x12f: {  	v38 =	vor.u32 s18, v2  }
0x130: {  	v39 =	vor.u32 s18, v3  }
0x131: {  	s31 =	sadd.s32 $0x200, s31  }
0x132: {  	s24 =	spop (v2sf);
	(v2sf) =	vpush v32, $0x9;
	[tilespmem:s31+$0xFFFFFF00] =	vst v36  }
0x133: {  	(v2sf) =	vpush v32, $0xA;
	[tilespmem:s31+$0xFFFFFF10] =	vst v37  }
0x134: {  	(v2sf) =	vpush v32, $0xB;
	v32 =	vld.idx.msk [tilespmem:v38+s10+$0x0], $0xffff  }
0x135: {  	s11 =	sand.u32 $0x7F, s7;
	v33 =	vld.idx.msk [tilespmem:v39+s10+$0x0], $0xffff  }
0x136: {  	v40 =	vor.u32 s11, v4  }
0x137: {  	v41 =	vor.u32 s11, v5;
	_ =	sdelay $0x1  }
0x138: {  	[tilespmem:s31+$0xFFFFFF20] =	vst v32  }
0x139: {  	[tilespmem:s31+$0xFFFFFF30] =	vst v33  }
0x13a: {  	v32 =	vld.idx.msk [tilespmem:v40+s10+$0x0], $0xffff  }
0x13b: {  	s22 =	sand.u32 $0x7F, s8;
	v33 =	vld.idx.msk [tilespmem:v41+s10+$0x0], $0xffff  }
0x13c: {  	s29 =	simm.s32 $0x400;
	v42 =	vor.u32 s22, v6  }
0x13d: {  	s3 =	sand.u32 $0x7F, s0;
	s0 =	sand.u32 $0x7F, s13;
	s28 =	sand.u32 $0x7F, s12;
	v43 =	vor.u32 s22, v7  }
0x13e: {  	s17 =	sand.u32 $0x7F, s9;
	s9 =	simm.s32 $0x2280;
	s1 =	spop (v2sf)  }
0x13f: {  	s16 =	sand.u32 $0x7F, s14;
	s14 =	sand.u32 $0x7F, s19;
	s8 =	spop (v2sf);
	[tilespmem:s31+$0xFFFFFF40] =	vst v32  }
0x140: {  	s7 =	sand.u32 $0x7F, s20;
	s6 =	sand.u32 $0x7F, s21;
	s13 =	spop (v2sf);
	[tilespmem:s31+$0xFFFFFF50] =	vst v33  }
0x141: {  	s4 =	sand.u32 $0x7F, s24;
	s24 =	sand.u32 $0xFFF80, s1;
	s1 =	spop (v2sf);
	v32 =	vld.idx.msk [tilespmem:v42+s10+$0x0], $0xffff  }
0x142: {  	s5 =	sand.u32 $0x7F, s23;
	[dreg:$0x8] =	wrdreg s28;
	s18 =	spop (v2sf);
	v33 =	vld.idx.msk [tilespmem:v43+s10+$0x0], $0xffff  }
0x143: {  	s23 =	sand.u32 $0xFFF80, s8;
	s8 =	sand.u32 $0xFFF80, s13;
	s19 =	spop (v2sf)  }
0x144: {  	s22 =	sadd.s32 s25, s8;
	s8 =	simm.s32 $0x7A1400;
	s21 =	spop (v2sf)  }
0x145: {  	s1 =	sand.u32 $0xFFF80, s1;
	s20 =	sand.u32 $0xFFF80, s18;
	s28 =	spop (v2sf)  }
0x146: {  	s1 =	sadd.s32 s25, s1;
	s18 =	sand.u32 $0xFFF80, s19;
	s12 =	spop (v2sf);
	[tilespmem:s31+$0xFFFFFF60] =	vst v32  }
0x147: {  	s19 =	sand.u32 $0xFFF80, s21;
	s21 =	sand.u32 $0xFFF80, s28;
	s13 =	spop (v2sf);
	[tilespmem:s31+$0xFFFFFF70] =	vst v33  }
0x148: {  	[tilespmem:s10], [sflag:$0x1] =	stream.strided.gather [hbm4b:s1+s29], $0x1000, s8, s29, $0x38;
	[tilespmem:$0x14280] =	vst v63  }
0x149: {  	s28 =	spop (v2sf);
	s1 =	sadd.s32 s25, s23;
	s23 =	simm.s32 $0x1280  }
0x14a: {  	[tilespmem:s23], [sflag:$0x1] =	stream.strided.gather [hbm4b:s22+s29], $0x1000, s8, s29, $0x38;
	[tilespmem:$0x14280] =	vst v63  }
0x14b: {  	s24 =	sadd.s32 s25, s24;
	s11 =	sand.u32 $0xFFF80, s28;
	s28 =	spop (v2sf)  }
0x14c: {  	[tilespmem:s9], [sflag:$0x1] =	stream.strided.gather [hbm4b:s24+s29], $0x1000, s8, s29, $0x38;
	[tilespmem:$0x14280] =	vst v63  }
0x14d: {  	s29 =	simm.s32 $0x3280;
	s9 =	simm.s32 $0x400;
	s24 =	simm.s32 $0x2  }
0x14e: {  	[tilespmem:s29], [sflag:$0x1] =	stream.strided.gather [hbm4b:s1+s9], $0x1000, s8, s9, $0x38;
	[tilespmem:$0x14280] =	vst v63  }
0x14f: {  	_ =	swait.ge [sflag:s24], $0x1000  }
0x150: {  	[sflag:s24] =	ssyncset.done $0x0  }
0x151: {  	[sflag:s24] =	ssyncadd.s32 $0xFFFFF000  }
0x152: {  	_ =	swait.ge [sflag:s24], $0x1000  }
0x153: {  	[sflag:s24] =	ssyncset.done $0x0  }
0x154: {  	[sflag:s24] =	ssyncadd.s32 $0xFFFFF000  }
0x155: {  	_ =	swait.ge [sflag:s24], $0x1000  }
0x156: {  	v44 =	vor.u32 s17, v8;
	[sflag:s24] =	ssyncset.done $0x0  }
0x157: {  	v45 =	vor.u32 s17, v9;
	[sflag:s24] =	ssyncadd.s32 $0xFFFFF000  }
0x158: {  	_ =	swait.ge [sflag:s24], $0x1000  }
0x159: {  	[sflag:s24] =	ssyncset.done $0x0  }
0x15a: {  	[sflag:s24] =	ssyncadd.s32 $0xFFFFF000  }
0x15b: {  	v32 =	vld.idx.msk [tilespmem:v44+s10+$0x0], $0xffff  }
0x15c: {  	v33 =	vld.idx.msk [tilespmem:v45+s10+$0x0], $0xffff  }
0x15d: {  	v46 =	vor.u32 s16, v10  }
0x15e: {  	v47 =	vor.u32 s16, v11;
	_ =	sdelay $0x1  }
0x15f: {  	[tilespmem:s31+$0xFFFFFF80] =	vst v32  }
0x160: {  	[tilespmem:s31+$0xFFFFFF90] =	vst v33  }
0x161: {  	v32 =	vld.idx.msk [tilespmem:v46+s10+$0x0], $0xffff  }
0x162: {  	s15 =	sand.u32 $0x7F, s15;
	v33 =	vld.idx.msk [tilespmem:v47+s10+$0x0], $0xffff  }
0x163: {  	v48 =	vor.u32 s15, v12  }
0x164: {  	v49 =	vor.u32 s15, v13;
	_ =	sdelay $0x1  }
0x165: {  	[tilespmem:s31+$0xFFFFFFA0] =	vst v32  }
0x166: {  	[tilespmem:s31+$0xFFFFFFB0] =	vst v33  }
0x167: {  	v32 =	vld.idx.msk [tilespmem:v48+s10+$0x0], $0xffff  }
0x168: {  	v33 =	vld.idx.msk [tilespmem:v49+s10+$0x0], $0xffff  }
0x169: {  	v50 =	vor.u32 s14, v14  }
0x16a: {  	v51 =	vor.u32 s14, v15;
	_ =	sdelay $0x1  }
0x16b: {  	[tilespmem:s31+$0xFFFFFFC0] =	vst v32  }
0x16c: {  	[tilespmem:s31+$0xFFFFFFD0] =	vst v33  }
0x16d: {  	v32 =	vld.idx.msk [tilespmem:v50+s10+$0x0], $0xffff  }
0x16e: {  	v33 =	vld.idx.msk [tilespmem:v51+s10+$0x0], $0xffff;
	_ =	sdelay $0x3  }
0x16f: {  	[tilespmem:s31+$0xFFFFFFE0] =	vst v32  }
0x170: {  	s17 =	simm.s32 $0x4280;
	s16 =	sadd.s32 s25, s20;
	[tilespmem:s31+$0xFFFFFFF0] =	vst v33  }
0x171: {  	[tilespmem:s17], [sflag:$0x2] =	stream.strided.gather [hbm4b:s16+s9], $0x1000, s8, s9, $0x38;
	[tilespmem:$0x14280] =	vst v63  }
0x172: {  	s20 =	sadd.s32 s25, s18;
	s18 =	simm.s32 $0x5280  }
0x173: {  	[tilespmem:s18], [sflag:$0x2] =	stream.strided.gather [hbm4b:s20+s9], $0x1000, s8, s9, $0x38;
	[tilespmem:$0x14280] =	vst v63  }
0x174: {  	s23 =	sadd.s32 s25, s19;
	s19 =	simm.s32 $0x6280  }
0x175: {  	[tilespmem:s19], [sflag:$0x2] =	stream.strided.gather [hbm4b:s23+s9], $0x1000, s8, s9, $0x38;
	[tilespmem:$0x14280] =	vst v63  }
0x176: {  	s15 =	simm.s32 $0x3;
	s14 =	simm.s32 $0x7280;
	s24 =	sadd.s32 s25, s21  }
0x177: {  	[tilespmem:s14], [sflag:$0x2] =	stream.strided.gather [hbm4b:s24+s9], $0x1000, s8, s9, $0x38;
	[tilespmem:$0x14280] =	vst v63  }
0x178: {  	_ =	swait.ge [sflag:s15], $0x1000  }
0x179: {  	[sflag:s15] =	ssyncset.done $0x0  }
0x17a: {  	[sflag:s15] =	ssyncadd.s32 $0xFFFFF000  }
0x17b: {  	_ =	swait.ge [sflag:s15], $0x1000  }
0x17c: {  	[sflag:s15] =	ssyncset.done $0x0  }
0x17d: {  	[sflag:s15] =	ssyncadd.s32 $0xFFFFF000  }
0x17e: {  	_ =	swait.ge [sflag:s15], $0x1000  }
0x17f: {  	v52 =	vor.u32 s7, v16;
	[sflag:s15] =	ssyncset.done $0x0  }
0x180: {  	v53 =	vor.u32 s7, v17;
	[sflag:s15] =	ssyncadd.s32 $0xFFFFF000  }
0x181: {  	_ =	swait.ge [sflag:s15], $0x1000  }
0x182: {  	[sflag:s15] =	ssyncset.done $0x0  }
0x183: {  	[sflag:s15] =	ssyncadd.s32 $0xFFFFF000  }
0x184: {  	v32 =	vld.idx.msk [tilespmem:v52+s10+$0x0], $0xffff  }
0x185: {  	v33 =	vld.idx.msk [tilespmem:v53+s10+$0x0], $0xffff  }
0x186: {  	v54 =	vor.u32 s6, v18  }
0x187: {  	v55 =	vor.u32 s6, v19;
	_ =	sdelay $0x1  }
0x188: {  	[tilespmem:s31+$0x0] =	vst v32  }
0x189: {  	[tilespmem:s31+$0x10] =	vst v33  }
0x18a: {  	v32 =	vld.idx.msk [tilespmem:v54+s10+$0x0], $0xffff  }
0x18b: {  	v33 =	vld.idx.msk [tilespmem:v55+s10+$0x0], $0xffff  }
0x18c: {  	v56 =	vor.u32 s5, v20  }
0x18d: {  	v57 =	vor.u32 s5, v21;
	_ =	sdelay $0x1  }
0x18e: {  	[tilespmem:s31+$0x20] =	vst v32  }
0x18f: {  	[tilespmem:s31+$0x30] =	vst v33  }
0x190: {  	v32 =	vld.idx.msk [tilespmem:v56+s10+$0x0], $0xffff  }
0x191: {  	v33 =	vld.idx.msk [tilespmem:v57+s10+$0x0], $0xffff  }
0x192: {  	v58 =	vor.u32 s4, v22  }
0x193: {  	v59 =	vor.u32 s4, v23;
	_ =	sdelay $0x1  }
0x194: {  	[tilespmem:s31+$0x40] =	vst v32  }
0x195: {  	[tilespmem:s31+$0x50] =	vst v33  }
0x196: {  	v32 =	vld.idx.msk [tilespmem:v58+s10+$0x0], $0xffff  }
0x197: {  	v33 =	vld.idx.msk [tilespmem:v59+s10+$0x0], $0xffff;
	_ =	sdelay $0x3  }
0x198: {  	s12 =	sand.u32 $0xFFF80, s12;
	s13 =	sand.u32 $0xFFF80, s13;
	[tilespmem:s31+$0x60] =	vst v32  }
0x199: {  	s21 =	sadd.s32 s25, s11;
	s11 =	simm.s32 $0x8280;
	s16 =	sadd.s32 s25, s12;
	[tilespmem:s31+$0x70] =	vst v33  }
0x19a: {  	[tilespmem:s11], [sflag:$0x3] =	stream.strided.gather [hbm4b:s16+s9], $0x1000, s8, s9, $0x38;
	[tilespmem:$0x14280] =	vst v63  }
0x19b: {  	s12 =	simm.s32 $0x9280;
	s20 =	sadd.s32 s25, s13  }
0x19c: {  	[tilespmem:s12], [sflag:$0x3] =	stream.strided.gather [hbm4b:s20+s9], $0x1000, s8, s9, $0x38;
	[tilespmem:$0x14280] =	vst v63  }
0x19d: {  	s28 =	sand.u32 $0xFFF80, s28;
	s13 =	simm.s32 $0xA280  }
0x19e: {  	[tilespmem:s13], [sflag:$0x3] =	stream.strided.gather [hbm4b:s21+s9], $0x1000, s8, s9, $0x38;
	[tilespmem:$0x14280] =	vst v63  }
0x19f: {  	s4 =	simm.s32 $0xB280;
	s23 =	sadd.s32 s25, s28;
	s24 =	simm.s32 $0x4  }
0x1a0: {  	[tilespmem:s4], [sflag:$0x3] =	stream.strided.gather [hbm4b:s23+s9], $0x1000, s8, s9, $0x38;
	[tilespmem:$0x14280] =	vst v63  }
0x1a1: {  	_ =	swait.ge [sflag:s24], $0x1000  }
0x1a2: {  	[sflag:s24] =	ssyncset.done $0x0  }
0x1a3: {  	[sflag:s24] =	ssyncadd.s32 $0xFFFFF000  }
0x1a4: {  	_ =	swait.ge [sflag:s24], $0x1000  }
0x1a5: {  	[sflag:s24] =	ssyncset.done $0x0  }
0x1a6: {  	[sflag:s24] =	ssyncadd.s32 $0xFFFFF000  }
0x1a7: {  	_ =	swait.ge [sflag:s24], $0x1000  }
0x1a8: {  	v60 =	vor.u32 s3, v24;
	[sflag:s24] =	ssyncset.done $0x0  }
0x1a9: {  	v61 =	vor.u32 s3, v25;
	[sflag:s24] =	ssyncadd.s32 $0xFFFFF000  }
0x1aa: {  	_ =	swait.ge [sflag:s24], $0x1000  }
0x1ab: {  	[sflag:s24] =	ssyncset.done $0x0  }
0x1ac: {  	[sflag:s24] =	ssyncadd.s32 $0xFFFFF000  }
0x1ad: {  	v32 =	vld.idx.msk [tilespmem:v60+s10+$0x0], $0xffff  }
0x1ae: {  	s2 =	sand.u32 $0x7F, s2;
	v33 =	vld.idx.msk [tilespmem:v61+s10+$0x0], $0xffff  }
0x1af: {  	v62 =	vor.u32 s2, v26;
	_ =	sdelay $0x2  }
0x1b0: {  	[tilespmem:s31+$0x80] =	vst v32  }
0x1b1: {  	[tilespmem:s31+$0x90] =	vst v33  }
0x1b2: {  	p0 =	sne.s32 s30, $0x7C0;
	v63 =	vor.u32 s2, v27;
	v36 =	vld.idx.msk [tilespmem:v62+s10+$0x0], $0xffff  }
.Ltmp0:
0x1b3: {  	_ = 	snop;
	(pc) =	sbr.rel @p0 .LBB2_2-.Ltmp0, $3  }
0x1b4: {  	_ =	sdelay $0x1  }
0x1b5: {  	s28 =	rddreg [dreg:$0x8]  }
0x1b6: {  	s30 =	sadd.s32 $0x40, s30;
	s26 =	smov.u32 s31;
	s22 =	simm.s32 $0x2280;
	v34 =	vor.u32 s28, v28;
	v32 =	vor.u32 s28, v29;
	v33 =	vld.idx.msk [tilespmem:v63+s10+$0x0], $0xffff;
	[tilespmem:s31+$0xA0] =	vst v36  }
0x1b7: {  	_ =	sdelay $0x3  }
0x1b8: {  	[tilespmem:s26+$0xB0] =	vst v33  }
0x1b9: {  	v33 =	vld.idx.msk [tilespmem:v34+s10+$0x0], $0xffff  }
0x1ba: {  	v32 =	vld.idx.msk [tilespmem:v32+s10+$0x0], $0xffff  }
0x1bb: {  	v63 =	vor.u32 s0, v30  }
0x1bc: {  	v35 =	vor.u32 s0, v31;
	_ =	sdelay $0x1  }
0x1bd: {  	[tilespmem:s26+$0xC0] =	vst v33  }
0x1be: {  	[tilespmem:s26+$0xD0] =	vst v32  }
0x1bf: {  	v32 =	vld.idx.msk [tilespmem:v63+s10+$0x0], $0xffff  }
0x1c0: {  	v33 =	vld.idx.msk [tilespmem:v35+s10+$0x0], $0xffff;
	_ =	sdelay $0x3  }
0x1c1: {  	[tilespmem:s26+$0xE0] =	vst v32  }
0x1c2: {  	s23 =	simm.s32 $0x1;
	[tilespmem:s26+$0xF0] =	vst v33  }
0x1c3: {  	_ =	swait.ge [sflag:s23], $0x1000  }
0x1c4: {  	[sflag:s23] =	ssyncset.done $0x0  }
0x1c5: {  	[sflag:s23] =	ssyncadd.s32 $0xFFFFF000  }
0x1c6: {  	_ =	swait.ge [sflag:s23], $0x1000  }
0x1c7: {  	[sflag:s23] =	ssyncset.done $0x0  }
0x1c8: {  	[sflag:s23] =	ssyncadd.s32 $0xFFFFF000  }
0x1c9: {  	_ =	swait.ge [sflag:s23], $0x1000  }
0x1ca: {  	[sflag:s23] =	ssyncset.done $0x0  }
0x1cb: {  	[sflag:s23] =	ssyncadd.s32 $0xFFFFF000  }
0x1cc: {  	_ =	swait.ge [sflag:s23], $0x1000  }
0x1cd: {  	[sflag:s23] =	ssyncset.done $0x0  }
0x1ce: {  	s24 =	simm.s32 $0x2;
	[sflag:s23] =	ssyncadd.s32 $0xFFFFF000  }
0x1cf: {  	_ =	swait.ge [sflag:s24], $0x1000  }
0x1d0: {  	[sflag:s24] =	ssyncset.done $0x0  }
0x1d1: {  	[sflag:s24] =	ssyncadd.s32 $0xFFFFF000  }
0x1d2: {  	_ =	swait.ge [sflag:s24], $0x1000  }
0x1d3: {  	[sflag:s24] =	ssyncset.done $0x0  }
0x1d4: {  	[sflag:s24] =	ssyncadd.s32 $0xFFFFF000  }
0x1d5: {  	_ =	swait.ge [sflag:s24], $0x1000  }
0x1d6: {  	[sflag:s24] =	ssyncset.done $0x0  }
0x1d7: {  	[sflag:s24] =	ssyncadd.s32 $0xFFFFF000  }
0x1d8: {  	_ =	swait.ge [sflag:s24], $0x1000  }
0x1d9: {  	[sflag:s24] =	ssyncset.done $0x0  }
0x1da: {  	s26 =	simm.s32 $0x3;
	[sflag:s24] =	ssyncadd.s32 $0xFFFFF000  }
0x1db: {  	_ =	swait.ge [sflag:s26], $0x1000  }
0x1dc: {  	[sflag:s26] =	ssyncset.done $0x0  }
0x1dd: {  	[sflag:s26] =	ssyncadd.s32 $0xFFFFF000  }
0x1de: {  	_ =	swait.ge [sflag:s26], $0x1000  }
0x1df: {  	[sflag:s26] =	ssyncset.done $0x0  }
0x1e0: {  	[sflag:s26] =	ssyncadd.s32 $0xFFFFF000  }
0x1e1: {  	_ =	swait.ge [sflag:s26], $0x1000  }
0x1e2: {  	[sflag:s26] =	ssyncset.done $0x0  }
0x1e3: {  	[sflag:s26] =	ssyncadd.s32 $0xFFFFF000  }
0x1e4: {  	_ =	swait.ge [sflag:s26], $0x1000  }
0x1e5: {  	s7 =	simm.s32 $0x0;
	[sflag:s26] =	ssyncset.done $0x0  }
0x1e6: {  	s1 =	simm.s32 $0x10280;
	s30 =	rddreg [dreg:$0xa];
	[sflag:s26] =	ssyncadd.s32 $0xFFFFF000  }
0x1e7: {  	[hbm4b:s30+s7] =	stream.linear.scatter [tilespmem:s1], [sflag:$0x5], $0x4000, $0x38;
	[tilespmem:$0x14280] =	vst v63  }
0x1e8: {  	s1 =	simm.s32 $0x5  }
0x1e9: {  	_ =	swait.ge [sflag:s1], $0x4000  }
0x1ea: {  	s2 =	rddreg [dreg:$0xc]  }
0x1eb: {  	s31 =	rddreg [dreg:$0xb];
	s2 =	sadd.s32 $0x1, s2  }
0x1ec: {  	p0 =	sne.s32 s2, s31  }
.Ltmp1:
0x1ed: {  	_ = 	snop;
	(pc) =	sbr.rel @p0 .LBB2_1-.Ltmp1, $3  }
0x1ee: {  	_ =	sdelay $0x1  }
0x1ef: {  	[sflag:s1] =	ssyncset.done $0x0  }
0x1f0: {  	s28 =	simm.s32 $0x1280;
	[sflag:s1] =	ssyncadd.s32 $0xFFFFC000  }
0x1f1: {  	_ =	sfence.sel $0x180000  }
0x1f2: {  	[bflag:$0x0] =	sbarrier.arrive $0xFFFF  }
0x1f3: {  	_ =	strace $0x90000047  }
0x1f4: {  	s0 =	stileid.u32;
	[bflag:$0x2] =	sbarrier.arrive $0xFFFF  }
0x1f5: {  	p0 =	sne.s32 s0, $0x0;
	s0 =	rddreg [dreg:$0x3]  }
0x1f6: {  	s0 =	sadd.s32 @!p0 $0x100000, s0  }
0x1f7: {  	[sflag:s0] =	ssyncadd.tile.s32 @!p0 $0x1;
	_ =	shalt  }
.Lfunc_end2:
_tile_overlayer_lowered:
.L_overlay_start_2:
0x1f8: {  	(tag) =	ssettag $0x2  }
0x1f9: {  	s0 =	rddreg [dreg:$0x0];
	s2 =	stileid.u32  }
0x1fa: {  	s1 =	rddreg [dreg:$0x1];
	p0 =	sne.s32 s2, $0x0  }
0x1fb: {  	s3 =	rddreg [dreg:$0x2];
	[bflag:$0x3] =	sbarrier.arrive $0xFFFF;
	s2 =	simm.s32 @!p0 $0x1C05  }
0x1fc: {  	[timem:s3], [sflag:s2] =	dma.local @!p0 [hbm:s0], s1  }
0x1fd: {  	s0 =	simm.s32 @!p0 $0x5  }
0x1fe: {  	_ =	swait.ge @!p0 [sflag:s0], s1  }
0x1ff: {  	s1 =	ssub.s32 @!p0 $0x0, s1;
	[sflag:s0] =	ssyncset.done @!p0 $0x0  }
0x200: {  	[sflag:s0] =	ssyncadd.s32 @!p0 s1  }
0x201: {  	[bflag:$0x3] =	sbarrier.arrive $0xFFFF  }
0x202: {  	_ =	shalt  }

</sc_bundles>
